<compile_context>
chip_gen: v7x
topology: tpu7x:2x2x1
jax: 0.10.2.dev20260603
libtpu: 0.0.44.dev20260713+nightly
codegen_flags: <defaults>
</compile_context>

<pallas_src>
import functools

import jax
import jax.numpy as jnp
from jax import lax
from jax.experimental import pallas as pl
from jax.experimental.pallas import tpu as pltpu
from jax.experimental.pallas import tpu_sc as plsc

T, D, F, E, TOP_K = 2048, 1024, 1024, 8, 2
LIMIT = 7.0
ALPHA = 1.702
EPS = 1e-5

BP = 128
NPAD = 5120
NTILES = NPAD // BP

SC_NC, SC_NS = 2, 16
HALF = NPAD // SC_NC
SPT = HALF // SC_NS
PPT = (2 * T) // SC_NS
NALLOC = NPAD + 16
GCH = 40
TPT = T // (SC_NC * SC_NS)
CCH = 16


def _deint_body(p_ref, wg_ref, wu_ref):
    v = p_ref[0]
    wg_ref[0] = jax.lax.bitcast_convert_type(
        v << 16, jnp.float32).astype(jnp.bfloat16)
    wu_ref[0] = jax.lax.bitcast_convert_type(
        v & jnp.int32(-65536), jnp.float32).astype(jnp.bfloat16)


def _router_body(x_ref, nw_ref, rwt_ref, rb_ref,
                 t_ref, dest_ref, wp_ref, te_ref):
    xx = x_ref[...]
    ms = jnp.mean(xx * xx, axis=-1, keepdims=True)
    t = xx * jax.lax.rsqrt(ms + EPS) * nw_ref[...]
    t_ref[...] = t
    g = jnp.dot(t, rwt_ref[...], preferred_element_type=jnp.float32)
    g = g + rb_ref[...]
    m = jnp.max(g, axis=-1, keepdims=True)
    eg = jnp.exp(g - m)
    p = eg / jnp.sum(eg, axis=-1, keepdims=True)
    eidx = jax.lax.broadcasted_iota(jnp.int32, p.shape, 1)
    v1 = jnp.max(p, axis=-1, keepdims=True)
    i1 = jnp.min(jnp.where(p >= v1, eidx, E), axis=-1, keepdims=True)
    p2 = jnp.where(eidx == i1, -jnp.inf, p)
    v2 = jnp.max(p2, axis=-1, keepdims=True)
    i2 = jnp.min(jnp.where(p2 >= v2, eidx, E), axis=-1, keepdims=True)
    s = v1 + v2
    wp_ref[...] = jnp.concatenate([v1 / s, v2 / s], axis=1)

    oh = ((eidx == i1) | (eidx == i2)).astype(jnp.bfloat16)
    ri = jax.lax.broadcasted_iota(jnp.int32, (T, T), 0)
    ci = jax.lax.broadcasted_iota(jnp.int32, (T, T), 1)
    tri = (ri > ci).astype(jnp.bfloat16)
    acc = jnp.dot(tri, oh, preferred_element_type=jnp.float32)
    cnt = jnp.sum(oh.astype(jnp.float32), axis=0, keepdims=True)
    cp = jnp.ceil(cnt / BP) * BP
    ei8 = jax.lax.broadcasted_iota(jnp.int32, (E, E), 0)
    ej8 = jax.lax.broadcasted_iota(jnp.int32, (E, E), 1)
    upper = (ei8 < ej8).astype(jnp.float32)
    starts = jnp.dot(cp, upper, preferred_element_type=jnp.float32)
    total = jnp.sum(cp, axis=-1, keepdims=True)

    def sel(ik, mat):
        return jnp.sum(jnp.where(eidx == ik, mat, 0.0), axis=-1,
                       keepdims=True)

    starts_b = jnp.broadcast_to(starts, (T, E))
    d0 = sel(i1, starts_b) + sel(i1, acc)
    d1 = sel(i2, starts_b) + sel(i2, acc)
    dest_ref[...] = jnp.concatenate([d0, d1], axis=1).astype(jnp.int32)

    pos = (jax.lax.broadcasted_iota(jnp.int32, (64, E), 0) * BP).astype(
        jnp.float32)
    n_le = jnp.sum((jnp.broadcast_to(starts, (64, E)) <= pos).astype(
        jnp.int32), axis=-1, keepdims=True)
    tile_e = n_le - 1
    te_ref[...] = jnp.where(pos[:, :1] < total, tile_e, -1)


def _scatter_body(dest_hbm, wflat_hbm, stid_hbm, sw_hbm,
                  zi_v, zf_v, didx_v, tid_v, wv_v):
    c = lax.axis_index("c")
    s = lax.axis_index("s")
    half = c * HALF
    my_slot0 = half + s * SPT

    for i in range(SPT // 16):
        zi_v[pl.ds(i * 16, 16)] = jnp.zeros((16,), jnp.int32)
        zf_v[pl.ds(i * 16, 16)] = jnp.zeros((16,), jnp.float32)
    pltpu.sync_copy(zi_v, stid_hbm.at[pl.ds(my_slot0, SPT)])
    pltpu.sync_copy(zf_v, sw_hbm.at[pl.ds(my_slot0, SPT)])
    plsc.subcore_barrier()

    p0 = s * PPT
    pltpu.sync_copy(dest_hbm.at[pl.ds(s * (PPT // 128), PPT // 128)],
                    didx_v)
    pltpu.sync_copy(wflat_hbm.at[pl.ds(s * (PPT // 128), PPT // 128)],
                    wv_v)
    dump = jnp.int32(NPAD) + 8 * c
    for j in range(PPT // 128):
        for i in range(128 // 16):
            d = didx_v[j, pl.ds(i * 16, 16)]
            keep = (d >= half) & (d < half + HALF)
            didx_v[j, pl.ds(i * 16, 16)] = jnp.where(keep, d, dump)
            pid = lax.iota(jnp.int32, 16) + (p0 + j * 128 + i * 16)
            tid_v[j, pl.ds(i * 16, 16)] = pid >> 1

    for j in range(PPT // 128):
        pltpu.sync_copy(tid_v.at[j], stid_hbm.at[didx_v.at[j]])
        pltpu.sync_copy(wv_v.at[j], sw_hbm.at[didx_v.at[j]])


def _gather_body(idx2_hbm, t_hbm, gath_hbm,
                 sidx4_v, rows_a, rows_b, sem, sem2, sem3, *, spt, gch):
    c = lax.axis_index("c")
    s = lax.axis_index("s")
    w = c * SC_NS + s
    my_slot0 = w * spt
    pltpu.sync_copy(idx2_hbm.at[pl.ds(w * (spt // gch), spt // gch)],
                    sidx4_v)
    rows = (rows_a, rows_b)
    gsems = (sem, sem2)
    ghandles = [None, None]
    ohandles = [None, None]
    nch = spt // gch

    def fire(g):
        b = g % 2
        ghandles[b] = pltpu.async_copy(
            t_hbm.at[sidx4_v.at[g]], rows[b], gsems[b])

    fire(0)
    for g in range(nch):
        b = g % 2
        if g + 1 < nch:
            if ohandles[(g + 1) % 2] is not None:
                ohandles[(g + 1) % 2].wait()
            fire(g + 1)
        ghandles[b].wait()
        ohandles[b] = pltpu.async_copy(
            rows[b], gath_hbm.at[pl.ds(my_slot0 + g * gch, gch)], sem3)
    ohandles[0].wait()
    ohandles[1].wait()


def _add_body(x_ref, a_ref, b_ref, o_ref):
    o_ref[...] = x_ref[...] + a_ref[...] + b_ref[...]


def _ffn_body(te_ref, g_ref, sw_ref, wg_ref, wu_ref, wd_ref,
              bg_ref, bu_ref, bd_ref, y_ref):
    ti = pl.program_id(0)
    e = jnp.maximum(te_ref[ti], 0)

    @pl.when(te_ref[ti] >= 0)
    def _():
        t = g_ref[...].astype(jnp.bfloat16)
        gate = jnp.dot(t, wg_ref[e], preferred_element_type=jnp.float32)
        gate = gate + bg_ref[e]
        up = jnp.dot(t, wu_ref[e], preferred_element_type=jnp.float32)
        up = up + bu_ref[e]
        gate = jnp.minimum(gate, LIMIT)
        up = jnp.clip(up, -LIMIT, LIMIT)
        glu = gate * jax.nn.sigmoid(gate * ALPHA)
        act = ((up + 1.0) * glu).astype(jnp.bfloat16)
        y = jnp.dot(act, wd_ref[e], preferred_element_type=jnp.float32)
        y_ref[...] = (y + bd_ref[e]) * sw_ref[...]


@jax.jit
def _mlpblock(x, norm_w, router_w, router_b, w_gate_up, b_gate_up, w_down,
              b_down):
    rwt = router_w.T
    rb = router_b.reshape(1, E)
    bg = b_gate_up[:, 0::2].reshape(E, 1, F)
    bu = b_gate_up[:, 1::2].reshape(E, 1, F)
    wd = w_down.astype(jnp.bfloat16)
    bd = b_down.reshape(E, 1, D)
    nw = norm_w.reshape(1, D)

    wgu_i32 = jax.lax.bitcast_convert_type(
        w_gate_up.astype(jnp.bfloat16).reshape(E, D, F, 2), jnp.int32)
    wg, wu = pl.pallas_call(
        _deint_body,
        grid=(E,),
        in_specs=[pl.BlockSpec((1, D, F), lambda e_: (e_, 0, 0))],
        out_specs=[pl.BlockSpec((1, D, F), lambda e_: (e_, 0, 0)),
                   pl.BlockSpec((1, D, F), lambda e_: (e_, 0, 0))],
        out_shape=[jax.ShapeDtypeStruct((E, D, F), jnp.bfloat16),
                   jax.ShapeDtypeStruct((E, D, F), jnp.bfloat16)],
    )(wgu_i32)

    t, dest, wp, te = pl.pallas_call(
        _router_body,
        grid=(1,),
        in_specs=[
            pl.BlockSpec((T, D), lambda i: (0, 0)),
            pl.BlockSpec((1, D), lambda i: (0, 0)),
            pl.BlockSpec((D, E), lambda i: (0, 0)),
            pl.BlockSpec((1, E), lambda i: (0, 0)),
        ],
        out_specs=[
            pl.BlockSpec((T, D), lambda i: (0, 0)),
            pl.BlockSpec((T, 2), lambda i: (0, 0)),
            pl.BlockSpec((T, 2), lambda i: (0, 0)),
            pl.BlockSpec((64, 1), lambda i: (0, 0)),
        ],
        out_shape=[
            jax.ShapeDtypeStruct((T, D), jnp.float32),
            jax.ShapeDtypeStruct((T, 2), jnp.int32),
            jax.ShapeDtypeStruct((T, 2), jnp.float32),
            jax.ShapeDtypeStruct((64, 1), jnp.int32),
        ],
    )(x, nw, rwt, rb)

    dest2 = dest.reshape(2 * T // 128, 128)
    w2 = wp.reshape(2 * T // 128, 128)
    mesh = plsc.VectorSubcoreMesh(core_axis_name="c", subcore_axis_name="s")
    stid, sw = pl.kernel(
        _scatter_body,
        out_type=[
            jax.ShapeDtypeStruct((NALLOC,), jnp.int32),
            jax.ShapeDtypeStruct((NALLOC,), jnp.float32),
        ],
        mesh=mesh,
        scratch_types=[
            pltpu.VMEM((SPT,), jnp.int32),
            pltpu.VMEM((SPT,), jnp.float32),
            pltpu.VMEM((PPT // 128, 128), jnp.int32),
            pltpu.VMEM((PPT // 128, 128), jnp.int32),
            pltpu.VMEM((PPT // 128, 128), jnp.float32),
        ],
    )(dest2, w2)
    stid2 = stid[:NPAD].reshape(NPAD // GCH, GCH)
    slot_w = sw[:NPAD]
    gathered = pl.kernel(
        functools.partial(_gather_body, spt=SPT, gch=GCH),
        out_type=jax.ShapeDtypeStruct((NPAD, D), jnp.float32),
        mesh=plsc.VectorSubcoreMesh(core_axis_name="c",
                                    subcore_axis_name="s"),
        scratch_types=[
            pltpu.VMEM((SPT // GCH, GCH), jnp.int32),
            pltpu.VMEM((GCH, D), jnp.float32),
            pltpu.VMEM((GCH, D), jnp.float32),
            pltpu.SemaphoreType.DMA,
            pltpu.SemaphoreType.DMA,
            pltpu.SemaphoreType.DMA,
        ],
    )(stid2, t)

    te_flat = te.reshape(64)[:NTILES]
    y = pl.pallas_call(
        _ffn_body,
        grid_spec=pltpu.PrefetchScalarGridSpec(
            num_scalar_prefetch=1,
            grid=(NTILES,),
            in_specs=[
                pl.BlockSpec((BP, D), lambda ti, te: (ti, 0)),
                pl.BlockSpec((BP, 1), lambda ti, te: (ti, 0)),
                pl.BlockSpec((E, D, F), lambda ti, te: (0, 0, 0)),
                pl.BlockSpec((E, D, F), lambda ti, te: (0, 0, 0)),
                pl.BlockSpec((E, F, D), lambda ti, te: (0, 0, 0)),
                pl.BlockSpec((E, 1, F), lambda ti, te: (0, 0, 0)),
                pl.BlockSpec((E, 1, F), lambda ti, te: (0, 0, 0)),
                pl.BlockSpec((E, 1, D), lambda ti, te: (0, 0, 0)),
            ],
            out_specs=pl.BlockSpec((BP, D), lambda ti, te: (ti, 0)),
        ),
        out_shape=jax.ShapeDtypeStruct((NPAD, D), jnp.float32),
        compiler_params=pltpu.CompilerParams(
            dimension_semantics=("arbitrary",),
            vmem_limit_bytes=120 * 1024 * 1024,
        ),
    )(te_flat, gathered, slot_w.reshape(NPAD, 1), wg, wu, wd,
      bg, bu, bd)

    out = x + y[dest[:, 0]] + y[dest[:, 1]]
    return out
    CG = 32
    idxcat = jnp.concatenate([dest[:, 0], dest[:, 1]]).reshape(
        2 * T // CG, CG)
    yg = pl.kernel(
        functools.partial(_gather_body, spt=2 * T // 32, gch=CG),
        out_type=jax.ShapeDtypeStruct((2 * T, D), jnp.float32),
        mesh=plsc.VectorSubcoreMesh(core_axis_name="c",
                                    subcore_axis_name="s"),
        scratch_types=[
            pltpu.VMEM(((2 * T // 32) // CG, CG), jnp.int32),
            pltpu.VMEM((CG, D), jnp.float32),
            pltpu.VMEM((CG, D), jnp.float32),
            pltpu.SemaphoreType.DMA,
            pltpu.SemaphoreType.DMA,
            pltpu.SemaphoreType.DMA,
        ],
    )(idxcat, y)
    out = pl.pallas_call(
        _add_body,
        grid=(T // 256,),
        in_specs=[
            pl.BlockSpec((256, D), lambda i: (i, 0)),
            pl.BlockSpec((256, D), lambda i: (i, 0)),
            pl.BlockSpec((256, D), lambda i: (i, 0)),
        ],
        out_specs=pl.BlockSpec((256, D), lambda i: (i, 0)),
        out_shape=jax.ShapeDtypeStruct((T, D), jnp.float32),
    )(x, yg[:T], yg[T:])
    return out


def kernel(x, norm_w, router_w, router_b, w_gate_up, b_gate_up, w_down,
           b_down):
    return _mlpblock(x, norm_w, router_w, router_b, w_gate_up, b_gate_up,
                     w_down, b_down)

# --- scband reference (transcript-rebuilt; emitter-appended) ---
"""Pipeline reference for scband-mlpblock-11579231830230 (READ-ONLY COPY).

The authoritative reference and input builder live on the scoring server;
editing this copy changes nothing except your own understanding.
"""

import jax, jax.numpy as jnp
import numpy as np

T, D, F, E, TOP_K = 2048, 1024, 1024, 8, 2
LIMIT = 7.0
ALPHA = 1.702
EPS = 1e-5


def setup_inputs(seed: int = 0) -> dict:
    key = jax.random.key(seed)
    ks = jax.random.split(key, 8)
    x = jax.random.normal(ks[0], (T, D), dtype=jnp.float32)
    norm_w = jnp.ones((D,), dtype=jnp.float32)
    router_w = jax.random.normal(ks[1], (E, D), dtype=jnp.float32) * 0.02
    router_b = jnp.zeros((E,), dtype=jnp.float32)
    w_gate_up = jax.random.normal(ks[2], (E, D, 2 * F), dtype=jnp.float32) * 0.02
    b_gate_up = jnp.zeros((E, 2 * F), dtype=jnp.float32)
    w_down = jax.random.normal(ks[3], (E, F, D), dtype=jnp.float32) * 0.02
    b_down = jnp.zeros((E, D), dtype=jnp.float32)
    return {
        "x": x,
        "norm_w": norm_w,
        "router_w": router_w,
        "router_b": router_b,
        "w_gate_up": w_gate_up,
        "b_gate_up": b_gate_up,
        "w_down": w_down,
        "b_down": b_down,
    }


def _swiglu_oai(gate, up):
    gate = jnp.minimum(gate, LIMIT)
    up = jnp.clip(up, -LIMIT, LIMIT)
    glu = gate * jax.nn.sigmoid(gate * ALPHA)
    return (up + 1.0) * glu


def reference(x, norm_w, router_w, router_b, w_gate_up, b_gate_up, w_down, b_down):
    # RMSNorm
    t = x * jax.lax.rsqrt(jnp.mean(x * x, axis=-1, keepdims=True) + EPS) * norm_w
    # Router linear -> logits [T, E]
    g = t @ router_w.T + router_b
    # Top-k routing with renormalize=True (softmax over all experts, then renorm top-k)
    probs = jax.nn.softmax(g, axis=-1)
    vals, idx = jax.lax.top_k(probs, TOP_K)
    w = vals / jnp.sum(vals, axis=-1, keepdims=True)  # [T, TOP_K]
    # Dense all-expert compute (reference semantics of FusedMoE)
    h = jnp.einsum("td,edf->etf", t, w_gate_up) + b_gate_up[:, None, :]  # [E, T, 2F]
    gate = h[..., ::2]
    up = h[..., 1::2]
    act = _swiglu_oai(gate, up)  # [E, T, F]
    y = jnp.einsum("etf,efd->etd", act, w_down) + b_down[:, None, :]  # [E, T, D]
    # Combine weights: [T, E]
    cw = jnp.sum(jax.nn.one_hot(idx, E, dtype=w.dtype) * w[..., None], axis=1)
    out = jnp.einsum("etd,te->td", y, cw)
    # Residual
    return x + out

if __name__ == "__main__":
    import jax
    _d = setup_inputs()
    print(jax.jit(kernel)(*tuple(_d.values())))

</pallas_src>

<mosaic_0001>
#map = affine_map<(d0, d1) -> (0, 0)>
module attributes {stable_mosaic.version = 14 : i64} {
  func.func @_gather_body(%arg0: i32, %arg1: i32, %arg2: memref<128x40xi32, #tpu.memory_space<hbm>>, %arg3: memref<2048x1024xf32, #tpu.memory_space<hbm>>, %arg4: memref<5120x1024xf32, #tpu.memory_space<hbm>>, %arg5: memref<4x40xi32, #tpu.memory_space<vmem>>, %arg6: memref<40x1024xf32, #tpu.memory_space<vmem>>, %arg7: memref<40x1024xf32, #tpu.memory_space<vmem>>, %arg8: memref<!tpu.dma_semaphore, #tpu.memory_space<semaphore_mem>>, %arg9: memref<!tpu.dma_semaphore, #tpu.memory_space<semaphore_mem>>, %arg10: memref<!tpu.dma_semaphore, #tpu.memory_space<semaphore_mem>>) attributes {dimension_semantics = [#tpu.dimension_semantics<core_parallel>, #tpu.dimension_semantics<subcore_parallel>], iteration_bounds = array<i64: 2, 16>, scalar_prefetch = 0 : i64, scratch_operands = 6 : i64, tpu.core_type = #tpu.core_type<sc_vector_subcore>, window_params = [{transform_indices = #map}, {transform_indices = #map}, {transform_indices = #map}]} {
    %mul3A = arith.constant 16 : i32
    %mul3A_0 = arith.muli %arg0, %mul3A : i32
    %add3A = arith.addi %mul3A_0, %arg1 : i32
    %mul3A_1 = arith.constant 160 : i32
    %mul3A_2 = arith.muli %add3A, %mul3A_1 : i32
    %mul3A_3 = arith.constant 4 : i32
    %mul3A_4 = arith.muli %add3A, %mul3A_3 : i32
    "tpu.region"() ({
      %run_scoped3A = tpu.sem_alloc : memref<!tpu.dma_semaphore, #tpu.memory_space<semaphore_mem>>
      %dma_start3A_99 = arith.constant 0 : i32
      %dma_start3A_100 = tpu.memref_slice %arg2[%mul3A_4, %dma_start3A_99] : memref<128x40xi32, #tpu.memory_space<hbm>> -> memref<4x40xi32, #tpu.memory_space<hbm>>
      %dma_start3A_101 = arith.constant 0 : i32
      %dma_start3A_102 = tpu.memref_slice %arg2[%mul3A_4, %dma_start3A_101] : memref<128x40xi32, #tpu.memory_space<hbm>> -> memref<4x40xi32, #tpu.memory_space<hbm>>
      tpu.enqueue_dma source(%dma_start3A_102 : memref<4x40xi32, #tpu.memory_space<hbm>>) target(%arg5 : memref<4x40xi32, #tpu.memory_space<vmem>>) target_semaphore(%run_scoped3A : memref<!tpu.dma_semaphore, #tpu.memory_space<semaphore_mem>>)
      %dma_wait3A_103 = arith.constant 0 : i32
      %dma_wait3A_104 = tpu.memref_slice %arg2[%mul3A_4, %dma_wait3A_103] : memref<128x40xi32, #tpu.memory_space<hbm>> -> memref<4x40xi32, #tpu.memory_space<hbm>>
      %dma_wait3A_105 = arith.constant 0 : i32
      %dma_wait3A_106 = tpu.memref_slice %arg2[%mul3A_4, %dma_wait3A_105] : memref<128x40xi32, #tpu.memory_space<hbm>> -> memref<4x40xi32, #tpu.memory_space<hbm>>
      tpu.wait_dma2 semaphore(%run_scoped3A : memref<!tpu.dma_semaphore, #tpu.memory_space<semaphore_mem>>) src(%dma_wait3A_106 : memref<4x40xi32, #tpu.memory_space<hbm>>) dst(%arg5 : memref<4x40xi32, #tpu.memory_space<vmem>>)
      tpu.yield
    }) : () -> ()
    %dma_start3A = arith.constant 0 : i32
    %dma_start3A_5 = arith.constant 0 : i32
    %dma_start3A_6 = tpu.memref_slice %arg5[%dma_start3A, %dma_start3A_5] : memref<4x40xi32, #tpu.memory_space<vmem>> -> memref<1x40xi32, #tpu.memory_space<vmem>>
    %dma_start3A_7 = tpu.memref_squeeze %dma_start3A_6 : memref<1x40xi32, #tpu.memory_space<vmem>> -> memref<40xi32, #tpu.memory_space<vmem>>
    %dma_start3A_8 = arith.constant 0 : i32
    %dma_start3A_9 = arith.constant 0 : i32
    %dma_start3A_10 = tpu.memref_slice %arg3[%dma_start3A_8, %dma_start3A_9] : memref<2048x1024xf32, #tpu.memory_space<hbm>> -> memref<2048x1024xf32, #tpu.memory_space<hbm>>
    tpu.enqueue_indirect_dma source(%dma_start3A_10 : memref<2048x1024xf32, #tpu.memory_space<hbm>>) target(%arg6 : memref<40x1024xf32, #tpu.memory_space<vmem>>) offsets(%dma_start3A_7 : memref<40xi32, #tpu.memory_space<vmem>>) semaphore(%arg8 : memref<!tpu.dma_semaphore, #tpu.memory_space<semaphore_mem>>)
    %dma_start3A_11 = arith.constant 1 : i32
    %dma_start3A_12 = arith.constant 0 : i32
    %dma_start3A_13 = tpu.memref_slice %arg5[%dma_start3A_11, %dma_start3A_12] : memref<4x40xi32, #tpu.memory_space<vmem>> -> memref<1x40xi32, #tpu.memory_space<vmem>>
    %dma_start3A_14 = tpu.memref_squeeze %dma_start3A_13 : memref<1x40xi32, #tpu.memory_space<vmem>> -> memref<40xi32, #tpu.memory_space<vmem>>
    %dma_start3A_15 = arith.constant 0 : i32
    %dma_start3A_16 = arith.constant 0 : i32
    %dma_start3A_17 = tpu.memref_slice %arg3[%dma_start3A_15, %dma_start3A_16] : memref<2048x1024xf32, #tpu.memory_space<hbm>> -> memref<2048x1024xf32, #tpu.memory_space<hbm>>
    tpu.enqueue_indirect_dma source(%dma_start3A_17 : memref<2048x1024xf32, #tpu.memory_space<hbm>>) target(%arg7 : memref<40x1024xf32, #tpu.memory_space<vmem>>) offsets(%dma_start3A_14 : memref<40xi32, #tpu.memory_space<vmem>>) semaphore(%arg9 : memref<!tpu.dma_semaphore, #tpu.memory_space<semaphore_mem>>)
    %dma_wait3A = arith.constant 0 : i32
    %dma_wait3A_18 = arith.constant 0 : i32
    %dma_wait3A_19 = tpu.memref_slice %arg5[%dma_wait3A, %dma_wait3A_18] : memref<4x40xi32, #tpu.memory_space<vmem>> -> memref<1x40xi32, #tpu.memory_space<vmem>>
    %dma_wait3A_20 = tpu.memref_squeeze %dma_wait3A_19 : memref<1x40xi32, #tpu.memory_space<vmem>> -> memref<40xi32, #tpu.memory_space<vmem>>
    %dma_wait3A_21 = arith.constant 0 : i32
    %dma_wait3A_22 = arith.constant 0 : i32
    %dma_wait3A_23 = tpu.memref_slice %arg3[%dma_wait3A_21, %dma_wait3A_22] : memref<2048x1024xf32, #tpu.memory_space<hbm>> -> memref<2048x1024xf32, #tpu.memory_space<hbm>>
    tpu.wait_indirect_dma semaphore(%arg8 : memref<!tpu.dma_semaphore, #tpu.memory_space<semaphore_mem>>) src(%dma_wait3A_23 : memref<2048x1024xf32, #tpu.memory_space<hbm>>) dst(%arg6 : memref<40x1024xf32, #tpu.memory_space<vmem>>)
    %add3A_24 = arith.constant 0 : i32
    %add3A_25 = arith.addi %mul3A_2, %add3A_24 : i32
    %dma_start3A_26 = arith.constant 0 : i32
    %dma_start3A_27 = tpu.memref_slice %arg4[%add3A_25, %dma_start3A_26] : memref<5120x1024xf32, #tpu.memory_space<hbm>> -> memref<40x1024xf32, #tpu.memory_space<hbm>>
    %dma_start3A_28 = arith.constant 0 : i32
    %dma_start3A_29 = tpu.memref_slice %arg4[%add3A_25, %dma_start3A_28] : memref<5120x1024xf32, #tpu.memory_space<hbm>> -> memref<40x1024xf32, #tpu.memory_space<hbm>>
    tpu.enqueue_dma source(%arg6 : memref<40x1024xf32, #tpu.memory_space<vmem>>) target(%dma_start3A_29 : memref<40x1024xf32, #tpu.memory_space<hbm>>) target_semaphore(%arg10 : memref<!tpu.dma_semaphore, #tpu.memory_space<semaphore_mem>>)
    %dma_wait3A_30 = arith.constant 0 : i32
    %dma_wait3A_31 = tpu.memref_slice %arg4[%add3A_25, %dma_wait3A_30] : memref<5120x1024xf32, #tpu.memory_space<hbm>> -> memref<40x1024xf32, #tpu.memory_space<hbm>>
    %dma_wait3A_32 = arith.constant 0 : i32
    %dma_wait3A_33 = tpu.memref_slice %arg4[%add3A_25, %dma_wait3A_32] : memref<5120x1024xf32, #tpu.memory_space<hbm>> -> memref<40x1024xf32, #tpu.memory_space<hbm>>
    tpu.wait_dma2 semaphore(%arg10 : memref<!tpu.dma_semaphore, #tpu.memory_space<semaphore_mem>>) src(%arg6 : memref<40x1024xf32, #tpu.memory_space<vmem>>) dst(%dma_wait3A_33 : memref<40x1024xf32, #tpu.memory_space<hbm>>)
    %dma_start3A_34 = arith.constant 2 : i32
    %dma_start3A_35 = arith.constant 0 : i32
    %dma_start3A_36 = tpu.memref_slice %arg5[%dma_start3A_34, %dma_start3A_35] : memref<4x40xi32, #tpu.memory_space<vmem>> -> memref<1x40xi32, #tpu.memory_space<vmem>>
    %dma_start3A_37 = tpu.memref_squeeze %dma_start3A_36 : memref<1x40xi32, #tpu.memory_space<vmem>> -> memref<40xi32, #tpu.memory_space<vmem>>
    %dma_start3A_38 = arith.constant 0 : i32
    %dma_start3A_39 = arith.constant 0 : i32
    %dma_start3A_40 = tpu.memref_slice %arg3[%dma_start3A_38, %dma_start3A_39] : memref<2048x1024xf32, #tpu.memory_space<hbm>> -> memref<2048x1024xf32, #tpu.memory_space<hbm>>
    tpu.enqueue_indirect_dma source(%dma_start3A_40 : memref<2048x1024xf32, #tpu.memory_space<hbm>>) target(%arg6 : memref<40x1024xf32, #tpu.memory_space<vmem>>) offsets(%dma_start3A_37 : memref<40xi32, #tpu.memory_space<vmem>>) semaphore(%arg8 : memref<!tpu.dma_semaphore, #tpu.memory_space<semaphore_mem>>)
    %dma_wait3A_41 = arith.constant 1 : i32
    %dma_wait3A_42 = arith.constant 0 : i32
    %dma_wait3A_43 = tpu.memref_slice %arg5[%dma_wait3A_41, %dma_wait3A_42] : memref<4x40xi32, #tpu.memory_space<vmem>> -> memref<1x40xi32, #tpu.memory_space<vmem>>
    %dma_wait3A_44 = tpu.memref_squeeze %dma_wait3A_43 : memref<1x40xi32, #tpu.memory_space<vmem>> -> memref<40xi32, #tpu.memory_space<vmem>>
    %dma_wait3A_45 = arith.constant 0 : i32
    %dma_wait3A_46 = arith.constant 0 : i32
    %dma_wait3A_47 = tpu.memref_slice %arg3[%dma_wait3A_45, %dma_wait3A_46] : memref<2048x1024xf32, #tpu.memory_space<hbm>> -> memref<2048x1024xf32, #tpu.memory_space<hbm>>
    tpu.wait_indirect_dma semaphore(%arg9 : memref<!tpu.dma_semaphore, #tpu.memory_space<semaphore_mem>>) src(%dma_wait3A_47 : memref<2048x1024xf32, #tpu.memory_space<hbm>>) dst(%arg7 : memref<40x1024xf32, #tpu.memory_space<vmem>>)
    %add3A_48 = arith.constant 40 : i32
    %add3A_49 = arith.addi %mul3A_2, %add3A_48 : i32
    %dma_start3A_50 = arith.constant 0 : i32
    %dma_start3A_51 = tpu.memref_slice %arg4[%add3A_49, %dma_start3A_50] : memref<5120x1024xf32, #tpu.memory_space<hbm>> -> memref<40x1024xf32, #tpu.memory_space<hbm>>
    %dma_start3A_52 = arith.constant 0 : i32
    %dma_start3A_53 = tpu.memref_slice %arg4[%add3A_49, %dma_start3A_52] : memref<5120x1024xf32, #tpu.memory_space<hbm>> -> memref<40x1024xf32, #tpu.memory_space<hbm>>
    tpu.enqueue_dma source(%arg7 : memref<40x1024xf32, #tpu.memory_space<vmem>>) target(%dma_start3A_53 : memref<40x1024xf32, #tpu.memory_space<hbm>>) target_semaphore(%arg10 : memref<!tpu.dma_semaphore, #tpu.memory_space<semaphore_mem>>)
    %dma_wait3A_54 = arith.constant 0 : i32
    %dma_wait3A_55 = tpu.memref_slice %arg4[%add3A_49, %dma_wait3A_54] : memref<5120x1024xf32, #tpu.memory_space<hbm>> -> memref<40x1024xf32, #tpu.memory_space<hbm>>
    %dma_wait3A_56 = arith.constant 0 : i32
    %dma_wait3A_57 = tpu.memref_slice %arg4[%add3A_49, %dma_wait3A_56] : memref<5120x1024xf32, #tpu.memory_space<hbm>> -> memref<40x1024xf32, #tpu.memory_space<hbm>>
    tpu.wait_dma2 semaphore(%arg10 : memref<!tpu.dma_semaphore, #tpu.memory_space<semaphore_mem>>) src(%arg7 : memref<40x1024xf32, #tpu.memory_space<vmem>>) dst(%dma_wait3A_57 : memref<40x1024xf32, #tpu.memory_space<hbm>>)
    %dma_start3A_58 = arith.constant 3 : i32
    %dma_start3A_59 = arith.constant 0 : i32
    %dma_start3A_60 = tpu.memref_slice %arg5[%dma_start3A_58, %dma_start3A_59] : memref<4x40xi32, #tpu.memory_space<vmem>> -> memref<1x40xi32, #tpu.memory_space<vmem>>
    %dma_start3A_61 = tpu.memref_squeeze %dma_start3A_60 : memref<1x40xi32, #tpu.memory_space<vmem>> -> memref<40xi32, #tpu.memory_space<vmem>>
    %dma_start3A_62 = arith.constant 0 : i32
    %dma_start3A_63 = arith.constant 0 : i32
    %dma_start3A_64 = tpu.memref_slice %arg3[%dma_start3A_62, %dma_start3A_63] : memref<2048x1024xf32, #tpu.memory_space<hbm>> -> memref<2048x1024xf32, #tpu.memory_space<hbm>>
    tpu.enqueue_indirect_dma source(%dma_start3A_64 : memref<2048x1024xf32, #tpu.memory_space<hbm>>) target(%arg7 : memref<40x1024xf32, #tpu.memory_space<vmem>>) offsets(%dma_start3A_61 : memref<40xi32, #tpu.memory_space<vmem>>) semaphore(%arg9 : memref<!tpu.dma_semaphore, #tpu.memory_space<semaphore_mem>>)
    %dma_wait3A_65 = arith.constant 2 : i32
    %dma_wait3A_66 = arith.constant 0 : i32
    %dma_wait3A_67 = tpu.memref_slice %arg5[%dma_wait3A_65, %dma_wait3A_66] : memref<4x40xi32, #tpu.memory_space<vmem>> -> memref<1x40xi32, #tpu.memory_space<vmem>>
    %dma_wait3A_68 = tpu.memref_squeeze %dma_wait3A_67 : memref<1x40xi32, #tpu.memory_space<vmem>> -> memref<40xi32, #tpu.memory_space<vmem>>
    %dma_wait3A_69 = arith.constant 0 : i32
    %dma_wait3A_70 = arith.constant 0 : i32
    %dma_wait3A_71 = tpu.memref_slice %arg3[%dma_wait3A_69, %dma_wait3A_70] : memref<2048x1024xf32, #tpu.memory_space<hbm>> -> memref<2048x1024xf32, #tpu.memory_space<hbm>>
    tpu.wait_indirect_dma semaphore(%arg8 : memref<!tpu.dma_semaphore, #tpu.memory_space<semaphore_mem>>) src(%dma_wait3A_71 : memref<2048x1024xf32, #tpu.memory_space<hbm>>) dst(%arg6 : memref<40x1024xf32, #tpu.memory_space<vmem>>)
    %add3A_72 = arith.constant 80 : i32
    %add3A_73 = arith.addi %mul3A_2, %add3A_72 : i32
    %dma_start3A_74 = arith.constant 0 : i32
    %dma_start3A_75 = tpu.memref_slice %arg4[%add3A_73, %dma_start3A_74] : memref<5120x1024xf32, #tpu.memory_space<hbm>> -> memref<40x1024xf32, #tpu.memory_space<hbm>>
    %dma_start3A_76 = arith.constant 0 : i32
    %dma_start3A_77 = tpu.memref_slice %arg4[%add3A_73, %dma_start3A_76] : memref<5120x1024xf32, #tpu.memory_space<hbm>> -> memref<40x1024xf32, #tpu.memory_space<hbm>>
    tpu.enqueue_dma source(%arg6 : memref<40x1024xf32, #tpu.memory_space<vmem>>) target(%dma_start3A_77 : memref<40x1024xf32, #tpu.memory_space<hbm>>) target_semaphore(%arg10 : memref<!tpu.dma_semaphore, #tpu.memory_space<semaphore_mem>>)
    %dma_wait3A_78 = arith.constant 3 : i32
    %dma_wait3A_79 = arith.constant 0 : i32
    %dma_wait3A_80 = tpu.memref_slice %arg5[%dma_wait3A_78, %dma_wait3A_79] : memref<4x40xi32, #tpu.memory_space<vmem>> -> memref<1x40xi32, #tpu.memory_space<vmem>>
    %dma_wait3A_81 = tpu.memref_squeeze %dma_wait3A_80 : memref<1x40xi32, #tpu.memory_space<vmem>> -> memref<40xi32, #tpu.memory_space<vmem>>
    %dma_wait3A_82 = arith.constant 0 : i32
    %dma_wait3A_83 = arith.constant 0 : i32
    %dma_wait3A_84 = tpu.memref_slice %arg3[%dma_wait3A_82, %dma_wait3A_83] : memref<2048x1024xf32, #tpu.memory_space<hbm>> -> memref<2048x1024xf32, #tpu.memory_space<hbm>>
    tpu.wait_indirect_dma semaphore(%arg9 : memref<!tpu.dma_semaphore, #tpu.memory_space<semaphore_mem>>) src(%dma_wait3A_84 : memref<2048x1024xf32, #tpu.memory_space<hbm>>) dst(%arg7 : memref<40x1024xf32, #tpu.memory_space<vmem>>)
    %add3A_85 = arith.constant 120 : i32
    %add3A_86 = arith.addi %mul3A_2, %add3A_85 : i32
    %dma_start3A_87 = arith.constant 0 : i32
    %dma_start3A_88 = tpu.memref_slice %arg4[%add3A_86, %dma_start3A_87] : memref<5120x1024xf32, #tpu.memory_space<hbm>> -> memref<40x1024xf32, #tpu.memory_space<hbm>>
    %dma_start3A_89 = arith.constant 0 : i32
    %dma_start3A_90 = tpu.memref_slice %arg4[%add3A_86, %dma_start3A_89] : memref<5120x1024xf32, #tpu.memory_space<hbm>> -> memref<40x1024xf32, #tpu.memory_space<hbm>>
    tpu.enqueue_dma source(%arg7 : memref<40x1024xf32, #tpu.memory_space<vmem>>) target(%dma_start3A_90 : memref<40x1024xf32, #tpu.memory_space<hbm>>) target_semaphore(%arg10 : memref<!tpu.dma_semaphore, #tpu.memory_space<semaphore_mem>>)
    %dma_wait3A_91 = arith.constant 0 : i32
    %dma_wait3A_92 = tpu.memref_slice %arg4[%add3A_73, %dma_wait3A_91] : memref<5120x1024xf32, #tpu.memory_space<hbm>> -> memref<40x1024xf32, #tpu.memory_space<hbm>>
    %dma_wait3A_93 = arith.constant 0 : i32
    %dma_wait3A_94 = tpu.memref_slice %arg4[%add3A_73, %dma_wait3A_93] : memref<5120x1024xf32, #tpu.memory_space<hbm>> -> memref<40x1024xf32, #tpu.memory_space<hbm>>
    tpu.wait_dma2 semaphore(%arg10 : memref<!tpu.dma_semaphore, #tpu.memory_space<semaphore_mem>>) src(%arg6 : memref<40x1024xf32, #tpu.memory_space<vmem>>) dst(%dma_wait3A_94 : memref<40x1024xf32, #tpu.memory_space<hbm>>)
    %dma_wait3A_95 = arith.constant 0 : i32
    %dma_wait3A_96 = tpu.memref_slice %arg4[%add3A_86, %dma_wait3A_95] : memref<5120x1024xf32, #tpu.memory_space<hbm>> -> memref<40x1024xf32, #tpu.memory_space<hbm>>
    %dma_wait3A_97 = arith.constant 0 : i32
    %dma_wait3A_98 = tpu.memref_slice %arg4[%add3A_86, %dma_wait3A_97] : memref<5120x1024xf32, #tpu.memory_space<hbm>> -> memref<40x1024xf32, #tpu.memory_space<hbm>>
    tpu.wait_dma2 semaphore(%arg10 : memref<!tpu.dma_semaphore, #tpu.memory_space<semaphore_mem>>) src(%arg7 : memref<40x1024xf32, #tpu.memory_space<vmem>>) dst(%dma_wait3A_98 : memref<40x1024xf32, #tpu.memory_space<hbm>>)
    return
  }
}

#map = affine_map<(d0, d1) -> (0, 0)>
#map1 = affine_map<(d0, d1) -> (0)>
module attributes {stable_mosaic.version = 14 : i64} {
  func.func @_scatter_body(%arg0: i32, %arg1: i32, %arg2: memref<32x128xi32, #tpu.memory_space<hbm>>, %arg3: memref<32x128xf32, #tpu.memory_space<hbm>>, %arg4: memref<5136xi32, #tpu.memory_space<hbm>>, %arg5: memref<5136xf32, #tpu.memory_space<hbm>>, %arg6: memref<160xi32, #tpu.memory_space<vmem>>, %arg7: memref<160xf32, #tpu.memory_space<vmem>>, %arg8: memref<2x128xi32, #tpu.memory_space<vmem>>, %arg9: memref<2x128xi32, #tpu.memory_space<vmem>>, %arg10: memref<2x128xf32, #tpu.memory_space<vmem>>) attributes {dimension_semantics = [#tpu.dimension_semantics<core_parallel>, #tpu.dimension_semantics<subcore_parallel>], iteration_bounds = array<i64: 2, 16>, scalar_prefetch = 0 : i64, scratch_operands = 5 : i64, tpu.core_type = #tpu.core_type<sc_vector_subcore>, window_params = [{transform_indices = #map}, {transform_indices = #map}, {transform_indices = #map1}, {transform_indices = #map1}]} {
    %mul3A = arith.constant 2560 : i32
    %mul3A_0 = arith.muli %arg0, %mul3A : i32
    %mul3A_1 = arith.constant 160 : i32
    %mul3A_2 = arith.muli %arg1, %mul3A_1 : i32
    %add3A = arith.addi %mul3A_0, %mul3A_2 : i32
    %broadcast_in_dim3A = arith.constant 0 : i32
    %broadcast_in_dim3A_3 = vector.broadcast %broadcast_in_dim3A : i32 to vector<16xi32>
    %swap3A = arith.constant 0 : index
    %swap3A_4 = tpu.vector_load %arg6[%swap3A] {strides = array<i32>} : memref<160xi32, #tpu.memory_space<vmem>>, vector<16xi32>,
    %swap3A_5 = vector.shape_cast %swap3A_4 : vector<16xi32> to vector<16xi32>
    %swap3A_6 = vector.shape_cast %broadcast_in_dim3A_3 : vector<16xi32> to vector<16xi32>
    tpu.vector_store %arg6[%swap3A], %swap3A_6 {strides = array<i32>} : memref<160xi32, #tpu.memory_space<vmem>>, vector<16xi32>,
    %broadcast_in_dim3A_7 = arith.constant 0.000000e+00 : f32
    %broadcast_in_dim3A_8 = vector.broadcast %broadcast_in_dim3A_7 : f32 to vector<16xf32>
    %swap3A_9 = arith.constant 0 : index
    %swap3A_10 = tpu.vector_load %arg7[%swap3A_9] {strides = array<i32>} : memref<160xf32, #tpu.memory_space<vmem>>, vector<16xf32>,
    %swap3A_11 = vector.shape_cast %swap3A_10 : vector<16xf32> to vector<16xf32>
    %swap3A_12 = vector.shape_cast %broadcast_in_dim3A_8 : vector<16xf32> to vector<16xf32>
    tpu.vector_store %arg7[%swap3A_9], %swap3A_12 {strides = array<i32>} : memref<160xf32, #tpu.memory_space<vmem>>, vector<16xf32>,
    %broadcast_in_dim3A_13 = arith.constant 0 : i32
    %broadcast_in_dim3A_14 = vector.broadcast %broadcast_in_dim3A_13 : i32 to vector<16xi32>
    %swap3A_15 = arith.constant 16 : index
    %swap3A_16 = tpu.vector_load %arg6[%swap3A_15] {strides = array<i32>} : memref<160xi32, #tpu.memory_space<vmem>>, vector<16xi32>,
    %swap3A_17 = vector.shape_cast %swap3A_16 : vector<16xi32> to vector<16xi32>
    %swap3A_18 = vector.shape_cast %broadcast_in_dim3A_14 : vector<16xi32> to vector<16xi32>
    tpu.vector_store %arg6[%swap3A_15], %swap3A_18 {strides = array<i32>} : memref<160xi32, #tpu.memory_space<vmem>>, vector<16xi32>,
    %broadcast_in_dim3A_19 = arith.constant 0.000000e+00 : f32
    %broadcast_in_dim3A_20 = vector.broadcast %broadcast_in_dim3A_19 : f32 to vector<16xf32>
    %swap3A_21 = arith.constant 16 : index
    %swap3A_22 = tpu.vector_load %arg7[%swap3A_21] {strides = array<i32>} : memref<160xf32, #tpu.memory_space<vmem>>, vector<16xf32>,
    %swap3A_23 = vector.shape_cast %swap3A_22 : vector<16xf32> to vector<16xf32>
    %swap3A_24 = vector.shape_cast %broadcast_in_dim3A_20 : vector<16xf32> to vector<16xf32>
    tpu.vector_store %arg7[%swap3A_21], %swap3A_24 {strides = array<i32>} : memref<160xf32, #tpu.memory_space<vmem>>, vector<16xf32>,
    %broadcast_in_dim3A_25 = arith.constant 0 : i32
    %broadcast_in_dim3A_26 = vector.broadcast %broadcast_in_dim3A_25 : i32 to vector<16xi32>
    %swap3A_27 = arith.constant 32 : index
    %swap3A_28 = tpu.vector_load %arg6[%swap3A_27] {strides = array<i32>} : memref<160xi32, #tpu.memory_space<vmem>>, vector<16xi32>,
    %swap3A_29 = vector.shape_cast %swap3A_28 : vector<16xi32> to vector<16xi32>
    %swap3A_30 = vector.shape_cast %broadcast_in_dim3A_26 : vector<16xi32> to vector<16xi32>
    tpu.vector_store %arg6[%swap3A_27], %swap3A_30 {strides = array<i32>} : memref<160xi32, #tpu.memory_space<vmem>>, vector<16xi32>,
    %broadcast_in_dim3A_31 = arith.constant 0.000000e+00 : f32
    %broadcast_in_dim3A_32 = vector.broadcast %broadcast_in_dim3A_31 : f32 to vector<16xf32>
    %swap3A_33 = arith.constant 32 : index
    %swap3A_34 = tpu.vector_load %arg7[%swap3A_33] {strides = array<i32>} : memref<160xf32, #tpu.memory_space<vmem>>, vector<16xf32>,
    %swap3A_35 = vector.shape_cast %swap3A_34 : vector<16xf32> to vector<16xf32>
    %swap3A_36 = vector.shape_cast %broadcast_in_dim3A_32 : vector<16xf32> to vector<16xf32>
    tpu.vector_store %arg7[%swap3A_33], %swap3A_36 {strides = array<i32>} : memref<160xf32, #tpu.memory_space<vmem>>, vector<16xf32>,
    %broadcast_in_dim3A_37 = arith.constant 0 : i32
    %broadcast_in_dim3A_38 = vector.broadcast %broadcast_in_dim3A_37 : i32 to vector<16xi32>
    %swap3A_39 = arith.constant 48 : index
    %swap3A_40 = tpu.vector_load %arg6[%swap3A_39] {strides = array<i32>} : memref<160xi32, #tpu.memory_space<vmem>>, vector<16xi32>,
    %swap3A_41 = vector.shape_cast %swap3A_40 : vector<16xi32> to vector<16xi32>
    %swap3A_42 = vector.shape_cast %broadcast_in_dim3A_38 : vector<16xi32> to vector<16xi32>
    tpu.vector_store %arg6[%swap3A_39], %swap3A_42 {strides = array<i32>} : memref<160xi32, #tpu.memory_space<vmem>>, vector<16xi32>,
    %broadcast_in_dim3A_43 = arith.constant 0.000000e+00 : f32
    %broadcast_in_dim3A_44 = vector.broadcast %broadcast_in_dim3A_43 : f32 to vector<16xf32>
    %swap3A_45 = arith.constant 48 : index
    %swap3A_46 = tpu.vector_load %arg7[%swap3A_45] {strides = array<i32>} : memref<160xf32, #tpu.memory_space<vmem>>, vector<16xf32>,
    %swap3A_47 = vector.shape_cast %swap3A_46 : vector<16xf32> to vector<16xf32>
    %swap3A_48 = vector.shape_cast %broadcast_in_dim3A_44 : vector<16xf32> to vector<16xf32>
    tpu.vector_store %arg7[%swap3A_45], %swap3A_48 {strides = array<i32>} : memref<160xf32, #tpu.memory_space<vmem>>, vector<16xf32>,
    %broadcast_in_dim3A_49 = arith.constant 0 : i32
    %broadcast_in_dim3A_50 = vector.broadcast %broadcast_in_dim3A_49 : i32 to vector<16xi32>
    %swap3A_51 = arith.constant 64 : index
    %swap3A_52 = tpu.vector_load %arg6[%swap3A_51] {strides = array<i32>} : memref<160xi32, #tpu.memory_space<vmem>>, vector<16xi32>,
    %swap3A_53 = vector.shape_cast %swap3A_52 : vector<16xi32> to vector<16xi32>
    %swap3A_54 = vector.shape_cast %broadcast_in_dim3A_50 : vector<16xi32> to vector<16xi32>
    tpu.vector_store %arg6[%swap3A_51], %swap3A_54 {strides = array<i32>} : memref<160xi32, #tpu.memory_space<vmem>>, vector<16xi32>,
    %broadcast_in_dim3A_55 = arith.constant 0.000000e+00 : f32
    %broadcast_in_dim3A_56 = vector.broadcast %broadcast_in_dim3A_55 : f32 to vector<16xf32>
    %swap3A_57 = arith.constant 64 : index
    %swap3A_58 = tpu.vector_load %arg7[%swap3A_57] {strides = array<i32>} : memref<160xf32, #tpu.memory_space<vmem>>, vector<16xf32>,
    %swap3A_59 = vector.shape_cast %swap3A_58 : vector<16xf32> to vector<16xf32>
    %swap3A_60 = vector.shape_cast %broadcast_in_dim3A_56 : vector<16xf32> to vector<16xf32>
    tpu.vector_store %arg7[%swap3A_57], %swap3A_60 {strides = array<i32>} : memref<160xf32, #tpu.memory_space<vmem>>, vector<16xf32>,
    %broadcast_in_dim3A_61 = arith.constant 0 : i32
    %broadcast_in_dim3A_62 = vector.broadcast %broadcast_in_dim3A_61 : i32 to vector<16xi32>
    %swap3A_63 = arith.constant 80 : index
    %swap3A_64 = tpu.vector_load %arg6[%swap3A_63] {strides = array<i32>} : memref<160xi32, #tpu.memory_space<vmem>>, vector<16xi32>,
    %swap3A_65 = vector.shape_cast %swap3A_64 : vector<16xi32> to vector<16xi32>
    %swap3A_66 = vector.shape_cast %broadcast_in_dim3A_62 : vector<16xi32> to vector<16xi32>
    tpu.vector_store %arg6[%swap3A_63], %swap3A_66 {strides = array<i32>} : memref<160xi32, #tpu.memory_space<vmem>>, vector<16xi32>,
    %broadcast_in_dim3A_67 = arith.constant 0.000000e+00 : f32
    %broadcast_in_dim3A_68 = vector.broadcast %broadcast_in_dim3A_67 : f32 to vector<16xf32>
    %swap3A_69 = arith.constant 80 : index
    %swap3A_70 = tpu.vector_load %arg7[%swap3A_69] {strides = array<i32>} : memref<160xf32, #tpu.memory_space<vmem>>, vector<16xf32>,
    %swap3A_71 = vector.shape_cast %swap3A_70 : vector<16xf32> to vector<16xf32>
    %swap3A_72 = vector.shape_cast %broadcast_in_dim3A_68 : vector<16xf32> to vector<16xf32>
    tpu.vector_store %arg7[%swap3A_69], %swap3A_72 {strides = array<i32>} : memref<160xf32, #tpu.memory_space<vmem>>, vector<16xf32>,
    %broadcast_in_dim3A_73 = arith.constant 0 : i32
    %broadcast_in_dim3A_74 = vector.broadcast %broadcast_in_dim3A_73 : i32 to vector<16xi32>
    %swap3A_75 = arith.constant 96 : index
    %swap3A_76 = tpu.vector_load %arg6[%swap3A_75] {strides = array<i32>} : memref<160xi32, #tpu.memory_space<vmem>>, vector<16xi32>,
    %swap3A_77 = vector.shape_cast %swap3A_76 : vector<16xi32> to vector<16xi32>
    %swap3A_78 = vector.shape_cast %broadcast_in_dim3A_74 : vector<16xi32> to vector<16xi32>
    tpu.vector_store %arg6[%swap3A_75], %swap3A_78 {strides = array<i32>} : memref<160xi32, #tpu.memory_space<vmem>>, vector<16xi32>,
    %broadcast_in_dim3A_79 = arith.constant 0.000000e+00 : f32
    %broadcast_in_dim3A_80 = vector.broadcast %broadcast_in_dim3A_79 : f32 to vector<16xf32>
    %swap3A_81 = arith.constant 96 : index
    %swap3A_82 = tpu.vector_load %arg7[%swap3A_81] {strides = array<i32>} : memref<160xf32, #tpu.memory_space<vmem>>, vector<16xf32>,
    %swap3A_83 = vector.shape_cast %swap3A_82 : vector<16xf32> to vector<16xf32>
    %swap3A_84 = vector.shape_cast %broadcast_in_dim3A_80 : vector<16xf32> to vector<16xf32>
    tpu.vector_store %arg7[%swap3A_81], %swap3A_84 {strides = array<i32>} : memref<160xf32, #tpu.memory_space<vmem>>, vector<16xf32>,
    %broadcast_in_dim3A_85 = arith.constant 0 : i32
    %broadcast_in_dim3A_86 = vector.broadcast %broadcast_in_dim3A_85 : i32 to vector<16xi32>
    %swap3A_87 = arith.constant 112 : index
    %swap3A_88 = tpu.vector_load %arg6[%swap3A_87] {strides = array<i32>} : memref<160xi32, #tpu.memory_space<vmem>>, vector<16xi32>,
    %swap3A_89 = vector.shape_cast %swap3A_88 : vector<16xi32> to vector<16xi32>
    %swap3A_90 = vector.shape_cast %broadcast_in_dim3A_86 : vector<16xi32> to vector<16xi32>
    tpu.vector_store %arg6[%swap3A_87], %swap3A_90 {strides = array<i32>} : memref<160xi32, #tpu.memory_space<vmem>>, vector<16xi32>,
    %broadcast_in_dim3A_91 = arith.constant 0.000000e+00 : f32
    %broadcast_in_dim3A_92 = vector.broadcast %broadcast_in_dim3A_91 : f32 to vector<16xf32>
    %swap3A_93 = arith.constant 112 : index
    %swap3A_94 = tpu.vector_load %arg7[%swap3A_93] {strides = array<i32>} : memref<160xf32, #tpu.memory_space<vmem>>, vector<16xf32>,
    %swap3A_95 = vector.shape_cast %swap3A_94 : vector<16xf32> to vector<16xf32>
    %swap3A_96 = vector.shape_cast %broadcast_in_dim3A_92 : vector<16xf32> to vector<16xf32>
    tpu.vector_store %arg7[%swap3A_93], %swap3A_96 {strides = array<i32>} : memref<160xf32, #tpu.memory_space<vmem>>, vector<16xf32>,
    %broadcast_in_dim3A_97 = arith.constant 0 : i32
    %broadcast_in_dim3A_98 = vector.broadcast %broadcast_in_dim3A_97 : i32 to vector<16xi32>
    %swap3A_99 = arith.constant 128 : index
    %swap3A_100 = tpu.vector_load %arg6[%swap3A_99] {strides = array<i32>} : memref<160xi32, #tpu.memory_space<vmem>>, vector<16xi32>,
    %swap3A_101 = vector.shape_cast %swap3A_100 : vector<16xi32> to vector<16xi32>
    %swap3A_102 = vector.shape_cast %broadcast_in_dim3A_98 : vector<16xi32> to vector<16xi32>
    tpu.vector_store %arg6[%swap3A_99], %swap3A_102 {strides = array<i32>} : memref<160xi32, #tpu.memory_space<vmem>>, vector<16xi32>,
    %broadcast_in_dim3A_103 = arith.constant 0.000000e+00 : f32
    %broadcast_in_dim3A_104 = vector.broadcast %broadcast_in_dim3A_103 : f32 to vector<16xf32>
    %swap3A_105 = arith.constant 128 : index
    %swap3A_106 = tpu.vector_load %arg7[%swap3A_105] {strides = array<i32>} : memref<160xf32, #tpu.memory_space<vmem>>, vector<16xf32>,
    %swap3A_107 = vector.shape_cast %swap3A_106 : vector<16xf32> to vector<16xf32>
    %swap3A_108 = vector.shape_cast %broadcast_in_dim3A_104 : vector<16xf32> to vector<16xf32>
    tpu.vector_store %arg7[%swap3A_105], %swap3A_108 {strides = array<i32>} : memref<160xf32, #tpu.memory_space<vmem>>, vector<16xf32>,
    %broadcast_in_dim3A_109 = arith.constant 0 : i32
    %broadcast_in_dim3A_110 = vector.broadcast %broadcast_in_dim3A_109 : i32 to vector<16xi32>
    %swap3A_111 = arith.constant 144 : index
    %swap3A_112 = tpu.vector_load %arg6[%swap3A_111] {strides = array<i32>} : memref<160xi32, #tpu.memory_space<vmem>>, vector<16xi32>,
    %swap3A_113 = vector.shape_cast %swap3A_112 : vector<16xi32> to vector<16xi32>
    %swap3A_114 = vector.shape_cast %broadcast_in_dim3A_110 : vector<16xi32> to vector<16xi32>
    tpu.vector_store %arg6[%swap3A_111], %swap3A_114 {strides = array<i32>} : memref<160xi32, #tpu.memory_space<vmem>>, vector<16xi32>,
    %broadcast_in_dim3A_115 = arith.constant 0.000000e+00 : f32
    %broadcast_in_dim3A_116 = vector.broadcast %broadcast_in_dim3A_115 : f32 to vector<16xf32>
    %swap3A_117 = arith.constant 144 : index
    %swap3A_118 = tpu.vector_load %arg7[%swap3A_117] {strides = array<i32>} : memref<160xf32, #tpu.memory_space<vmem>>, vector<16xf32>,
    %swap3A_119 = vector.shape_cast %swap3A_118 : vector<16xf32> to vector<16xf32>
    %swap3A_120 = vector.shape_cast %broadcast_in_dim3A_116 : vector<16xf32> to vector<16xf32>
    tpu.vector_store %arg7[%swap3A_117], %swap3A_120 {strides = array<i32>} : memref<160xf32, #tpu.memory_space<vmem>>, vector<16xf32>,
    "tpu.region"() ({
      %run_scoped3A_707 = tpu.sem_alloc : memref<!tpu.dma_semaphore, #tpu.memory_space<semaphore_mem>>
      %dma_start3A = tpu.memref_slice %arg4[%add3A] : memref<5136xi32, #tpu.memory_space<hbm>> -> memref<160xi32, #tpu.memory_space<hbm>>
      %dma_start3A_708 = tpu.memref_slice %arg4[%add3A] : memref<5136xi32, #tpu.memory_space<hbm>> -> memref<160xi32, #tpu.memory_space<hbm>>
      tpu.enqueue_dma source(%arg6 : memref<160xi32, #tpu.memory_space<vmem>>) target(%dma_start3A_708 : memref<160xi32, #tpu.memory_space<hbm>>) target_semaphore(%run_scoped3A_707 : memref<!tpu.dma_semaphore, #tpu.memory_space<semaphore_mem>>)
      %dma_wait3A = tpu.memref_slice %arg4[%add3A] : memref<5136xi32, #tpu.memory_space<hbm>> -> memref<160xi32, #tpu.memory_space<hbm>>
      %dma_wait3A_709 = tpu.memref_slice %arg4[%add3A] : memref<5136xi32, #tpu.memory_space<hbm>> -> memref<160xi32, #tpu.memory_space<hbm>>
      tpu.wait_dma2 semaphore(%run_scoped3A_707 : memref<!tpu.dma_semaphore, #tpu.memory_space<semaphore_mem>>) src(%arg6 : memref<160xi32, #tpu.memory_space<vmem>>) dst(%dma_wait3A_709 : memref<160xi32, #tpu.memory_space<hbm>>)
      tpu.yield
    }) : () -> ()
    "tpu.region"() ({
      %run_scoped3A_707 = tpu.sem_alloc : memref<!tpu.dma_semaphore, #tpu.memory_space<semaphore_mem>>
      %dma_start3A = tpu.memref_slice %arg5[%add3A] : memref<5136xf32, #tpu.memory_space<hbm>> -> memref<160xf32, #tpu.memory_space<hbm>>
      %dma_start3A_708 = tpu.memref_slice %arg5[%add3A] : memref<5136xf32, #tpu.memory_space<hbm>> -> memref<160xf32, #tpu.memory_space<hbm>>
      tpu.enqueue_dma source(%arg7 : memref<160xf32, #tpu.memory_space<vmem>>) target(%dma_start3A_708 : memref<160xf32, #tpu.memory_space<hbm>>) target_semaphore(%run_scoped3A_707 : memref<!tpu.dma_semaphore, #tpu.memory_space<semaphore_mem>>)
      %dma_wait3A = tpu.memref_slice %arg5[%add3A] : memref<5136xf32, #tpu.memory_space<hbm>> -> memref<160xf32, #tpu.memory_space<hbm>>
      %dma_wait3A_709 = tpu.memref_slice %arg5[%add3A] : memref<5136xf32, #tpu.memory_space<hbm>> -> memref<160xf32, #tpu.memory_space<hbm>>
      tpu.wait_dma2 semaphore(%run_scoped3A_707 : memref<!tpu.dma_semaphore, #tpu.memory_space<semaphore_mem>>) src(%arg7 : memref<160xf32, #tpu.memory_space<vmem>>) dst(%dma_wait3A_709 : memref<160xf32, #tpu.memory_space<hbm>>)
      tpu.yield
    }) : () -> ()
    %barrier3A = arith.constant 0 : index
    tpu.barrier barrier_id(%barrier3A)
    %mul3A_121 = arith.constant 256 : i32
    %mul3A_122 = arith.muli %arg1, %mul3A_121 : i32
    %mul3A_123 = arith.constant 2 : i32
    %mul3A_124 = arith.muli %arg1, %mul3A_123 : i32
    "tpu.region"() ({
      %run_scoped3A_707 = tpu.sem_alloc : memref<!tpu.dma_semaphore, #tpu.memory_space<semaphore_mem>>
      %dma_start3A = arith.constant 0 : i32
      %dma_start3A_708 = tpu.memref_slice %arg2[%mul3A_124, %dma_start3A] : memref<32x128xi32, #tpu.memory_space<hbm>> -> memref<2x128xi32, #tpu.memory_space<hbm>>
      %dma_start3A_709 = arith.constant 0 : i32
      %dma_start3A_710 = tpu.memref_slice %arg2[%mul3A_124, %dma_start3A_709] : memref<32x128xi32, #tpu.memory_space<hbm>> -> memref<2x128xi32, #tpu.memory_space<hbm>>
      tpu.enqueue_dma source(%dma_start3A_710 : memref<2x128xi32, #tpu.memory_space<hbm>>) target(%arg8 : memref<2x128xi32, #tpu.memory_space<vmem>>) target_semaphore(%run_scoped3A_707 : memref<!tpu.dma_semaphore, #tpu.memory_space<semaphore_mem>>)
      %dma_wait3A = arith.constant 0 : i32
      %dma_wait3A_711 = tpu.memref_slice %arg2[%mul3A_124, %dma_wait3A] : memref<32x128xi32, #tpu.memory_space<hbm>> -> memref<2x128xi32, #tpu.memory_space<hbm>>
      %dma_wait3A_712 = arith.constant 0 : i32
      %dma_wait3A_713 = tpu.memref_slice %arg2[%mul3A_124, %dma_wait3A_712] : memref<32x128xi32, #tpu.memory_space<hbm>> -> memref<2x128xi32, #tpu.memory_space<hbm>>
      tpu.wait_dma2 semaphore(%run_scoped3A_707 : memref<!tpu.dma_semaphore, #tpu.memory_space<semaphore_mem>>) src(%dma_wait3A_713 : memref<2x128xi32, #tpu.memory_space<hbm>>) dst(%arg8 : memref<2x128xi32, #tpu.memory_space<vmem>>)
      tpu.yield
    }) : () -> ()
    %mul3A_125 = arith.constant 2 : i32
    %mul3A_126 = arith.muli %arg1, %mul3A_125 : i32
    "tpu.region"() ({
      %run_scoped3A_707 = tpu.sem_alloc : memref<!tpu.dma_semaphore, #tpu.memory_space<semaphore_mem>>
      %dma_start3A = arith.constant 0 : i32
      %dma_start3A_708 = tpu.memref_slice %arg3[%mul3A_126, %dma_start3A] : memref<32x128xf32, #tpu.memory_space<hbm>> -> memref<2x128xf32, #tpu.memory_space<hbm>>
      %dma_start3A_709 = arith.constant 0 : i32
      %dma_start3A_710 = tpu.memref_slice %arg3[%mul3A_126, %dma_start3A_709] : memref<32x128xf32, #tpu.memory_space<hbm>> -> memref<2x128xf32, #tpu.memory_space<hbm>>
      tpu.enqueue_dma source(%dma_start3A_710 : memref<2x128xf32, #tpu.memory_space<hbm>>) target(%arg10 : memref<2x128xf32, #tpu.memory_space<vmem>>) target_semaphore(%run_scoped3A_707 : memref<!tpu.dma_semaphore, #tpu.memory_space<semaphore_mem>>)
      %dma_wait3A = arith.constant 0 : i32
      %dma_wait3A_711 = tpu.memref_slice %arg3[%mul3A_126, %dma_wait3A] : memref<32x128xf32, #tpu.memory_space<hbm>> -> memref<2x128xf32, #tpu.memory_space<hbm>>
      %dma_wait3A_712 = arith.constant 0 : i32
      %dma_wait3A_713 = tpu.memref_slice %arg3[%mul3A_126, %dma_wait3A_712] : memref<32x128xf32, #tpu.memory_space<hbm>> -> memref<2x128xf32, #tpu.memory_space<hbm>>
      tpu.wait_dma2 semaphore(%run_scoped3A_707 : memref<!tpu.dma_semaphore, #tpu.memory_space<semaphore_mem>>) src(%dma_wait3A_713 : memref<2x128xf32, #tpu.memory_space<hbm>>) dst(%arg10 : memref<2x128xf32, #tpu.memory_space<vmem>>)
      tpu.yield
    }) : () -> ()
    %mul3A_127 = arith.constant 8 : i32
    %mul3A_128 = arith.muli %mul3A_127, %arg0 : i32
    %add3A_129 = arith.constant 5120 : i32
    %add3A_130 = arith.addi %add3A_129, %mul3A_128 : i32
    %get3A = arith.constant 0 : i32
    %get3A_131 = arith.index_cast %get3A : i32 to index
    %get3A_132 = arith.constant 0 : index
    %get3A_133 = tpu.vector_load %arg8[%get3A_131, %get3A_132] {strides = array<i32>} : memref<2x128xi32, #tpu.memory_space<vmem>>, vector<1x16xi32>,
    %get3A_134 = vector.shape_cast %get3A_133 : vector<1x16xi32> to vector<16xi32>
    %ge3A = vector.broadcast %mul3A_0 : i32 to vector<16xi32>
    %ge3A_135 = arith.cmpi sge, %get3A_134, %ge3A : vector<16xi32>
    %add3A_136 = arith.constant 2560 : i32
    %add3A_137 = arith.addi %mul3A_0, %add3A_136 : i32
    %lt3A = vector.broadcast %add3A_137 : i32 to vector<16xi32>
    %lt3A_138 = arith.cmpi slt, %get3A_134, %lt3A : vector<16xi32>
    %and3A = arith.andi %ge3A_135, %lt3A_138 : vector<16xi1>
    %broadcast_in_dim3A_139 = vector.broadcast %add3A_130 : i32 to vector<16xi32>
    %select_n3A = arith.select %and3A, %get3A_134, %broadcast_in_dim3A_139 : vector<16xi1>, vector<16xi32>
    %swap3A_140 = arith.constant 0 : i32
    %swap3A_141 = arith.index_cast %swap3A_140 : i32 to index
    %swap3A_142 = arith.constant 0 : index
    %swap3A_143 = tpu.vector_load %arg8[%swap3A_141, %swap3A_142] {strides = array<i32>} : memref<2x128xi32, #tpu.memory_space<vmem>>, vector<1x16xi32>,
    %swap3A_144 = vector.shape_cast %swap3A_143 : vector<1x16xi32> to vector<16xi32>
    %swap3A_145 = vector.shape_cast %select_n3A : vector<16xi32> to vector<1x16xi32>
    tpu.vector_store %arg8[%swap3A_141, %swap3A_142], %swap3A_145 {strides = array<i32>} : memref<2x128xi32, #tpu.memory_space<vmem>>, vector<1x16xi32>,
    %iota3A = tpu.iota {dimensions = array<i32: 0>} : vector<16xi32>
    %add3A_146 = arith.constant 0 : i32
    %add3A_147 = arith.addi %mul3A_122, %add3A_146 : i32
    %add3A_148 = arith.constant 0 : i32
    %add3A_149 = arith.addi %add3A_147, %add3A_148 : i32
    %add3A_150 = vector.broadcast %add3A_149 : i32 to vector<16xi32>
    %add3A_151 = arith.addi %iota3A, %add3A_150 : vector<16xi32>
    %shift_right_arithmetic3A = arith.constant 1 : i32
    %shift_right_arithmetic3A_152 = vector.broadcast %shift_right_arithmetic3A : i32 to vector<16xi32>
    %shift_right_arithmetic3A_153 = arith.shrsi %add3A_151, %shift_right_arithmetic3A_152 : vector<16xi32>
    %swap3A_154 = arith.constant 0 : i32
    %swap3A_155 = arith.index_cast %swap3A_154 : i32 to index
    %swap3A_156 = arith.constant 0 : index
    %swap3A_157 = tpu.vector_load %arg9[%swap3A_155, %swap3A_156] {strides = array<i32>} : memref<2x128xi32, #tpu.memory_space<vmem>>, vector<1x16xi32>,
    %swap3A_158 = vector.shape_cast %swap3A_157 : vector<1x16xi32> to vector<16xi32>
    %swap3A_159 = vector.shape_cast %shift_right_arithmetic3A_153 : vector<16xi32> to vector<1x16xi32>
    tpu.vector_store %arg9[%swap3A_155, %swap3A_156], %swap3A_159 {strides = array<i32>} : memref<2x128xi32, #tpu.memory_space<vmem>>, vector<1x16xi32>,
    %get3A_160 = arith.constant 0 : i32
    %get3A_161 = arith.index_cast %get3A_160 : i32 to index
    %get3A_162 = arith.constant 16 : index
    %get3A_163 = tpu.vector_load %arg8[%get3A_161, %get3A_162] {strides = array<i32>} : memref<2x128xi32, #tpu.memory_space<vmem>>, vector<1x16xi32>,
    %get3A_164 = vector.shape_cast %get3A_163 : vector<1x16xi32> to vector<16xi32>
    %ge3A_165 = vector.broadcast %mul3A_0 : i32 to vector<16xi32>
    %ge3A_166 = arith.cmpi sge, %get3A_164, %ge3A_165 : vector<16xi32>
    %add3A_167 = arith.constant 2560 : i32
    %add3A_168 = arith.addi %mul3A_0, %add3A_167 : i32
    %lt3A_169 = vector.broadcast %add3A_168 : i32 to vector<16xi32>
    %lt3A_170 = arith.cmpi slt, %get3A_164, %lt3A_169 : vector<16xi32>
    %and3A_171 = arith.andi %ge3A_166, %lt3A_170 : vector<16xi1>
    %broadcast_in_dim3A_172 = vector.broadcast %add3A_130 : i32 to vector<16xi32>
    %select_n3A_173 = arith.select %and3A_171, %get3A_164, %broadcast_in_dim3A_172 : vector<16xi1>, vector<16xi32>
    %swap3A_174 = arith.constant 0 : i32
    %swap3A_175 = arith.index_cast %swap3A_174 : i32 to index
    %swap3A_176 = arith.constant 16 : index
    %swap3A_177 = tpu.vector_load %arg8[%swap3A_175, %swap3A_176] {strides = array<i32>} : memref<2x128xi32, #tpu.memory_space<vmem>>, vector<1x16xi32>,
    %swap3A_178 = vector.shape_cast %swap3A_177 : vector<1x16xi32> to vector<16xi32>
    %swap3A_179 = vector.shape_cast %select_n3A_173 : vector<16xi32> to vector<1x16xi32>
    tpu.vector_store %arg8[%swap3A_175, %swap3A_176], %swap3A_179 {strides = array<i32>} : memref<2x128xi32, #tpu.memory_space<vmem>>, vector<1x16xi32>,
    %iota3A_180 = tpu.iota {dimensions = array<i32: 0>} : vector<16xi32>
    %add3A_181 = arith.constant 0 : i32
    %add3A_182 = arith.addi %mul3A_122, %add3A_181 : i32
    %add3A_183 = arith.constant 16 : i32
    %add3A_184 = arith.addi %add3A_182, %add3A_183 : i32
    %add3A_185 = vector.broadcast %add3A_184 : i32 to vector<16xi32>
    %add3A_186 = arith.addi %iota3A_180, %add3A_185 : vector<16xi32>
    %shift_right_arithmetic3A_187 = arith.constant 1 : i32
    %shift_right_arithmetic3A_188 = vector.broadcast %shift_right_arithmetic3A_187 : i32 to vector<16xi32>
    %shift_right_arithmetic3A_189 = arith.shrsi %add3A_186, %shift_right_arithmetic3A_188 : vector<16xi32>
    %swap3A_190 = arith.constant 0 : i32
    %swap3A_191 = arith.index_cast %swap3A_190 : i32 to index
    %swap3A_192 = arith.constant 16 : index
    %swap3A_193 = tpu.vector_load %arg9[%swap3A_191, %swap3A_192] {strides = array<i32>} : memref<2x128xi32, #tpu.memory_space<vmem>>, vector<1x16xi32>,
    %swap3A_194 = vector.shape_cast %swap3A_193 : vector<1x16xi32> to vector<16xi32>
    %swap3A_195 = vector.shape_cast %shift_right_arithmetic3A_189 : vector<16xi32> to vector<1x16xi32>
    tpu.vector_store %arg9[%swap3A_191, %swap3A_192], %swap3A_195 {strides = array<i32>} : memref<2x128xi32, #tpu.memory_space<vmem>>, vector<1x16xi32>,
    %get3A_196 = arith.constant 0 : i32
    %get3A_197 = arith.index_cast %get3A_196 : i32 to index
    %get3A_198 = arith.constant 32 : index
    %get3A_199 = tpu.vector_load %arg8[%get3A_197, %get3A_198] {strides = array<i32>} : memref<2x128xi32, #tpu.memory_space<vmem>>, vector<1x16xi32>,
    %get3A_200 = vector.shape_cast %get3A_199 : vector<1x16xi32> to vector<16xi32>
    %ge3A_201 = vector.broadcast %mul3A_0 : i32 to vector<16xi32>
    %ge3A_202 = arith.cmpi sge, %get3A_200, %ge3A_201 : vector<16xi32>
    %add3A_203 = arith.constant 2560 : i32
    %add3A_204 = arith.addi %mul3A_0, %add3A_203 : i32
    %lt3A_205 = vector.broadcast %add3A_204 : i32 to vector<16xi32>
    %lt3A_206 = arith.cmpi slt, %get3A_200, %lt3A_205 : vector<16xi32>
    %and3A_207 = arith.andi %ge3A_202, %lt3A_206 : vector<16xi1>
    %broadcast_in_dim3A_208 = vector.broadcast %add3A_130 : i32 to vector<16xi32>
    %select_n3A_209 = arith.select %and3A_207, %get3A_200, %broadcast_in_dim3A_208 : vector<16xi1>, vector<16xi32>
    %swap3A_210 = arith.constant 0 : i32
    %swap3A_211 = arith.index_cast %swap3A_210 : i32 to index
    %swap3A_212 = arith.constant 32 : index
    %swap3A_213 = tpu.vector_load %arg8[%swap3A_211, %swap3A_212] {strides = array<i32>} : memref<2x128xi32, #tpu.memory_space<vmem>>, vector<1x16xi32>,
    %swap3A_214 = vector.shape_cast %swap3A_213 : vector<1x16xi32> to vector<16xi32>
    %swap3A_215 = vector.shape_cast %select_n3A_209 : vector<16xi32> to vector<1x16xi32>
    tpu.vector_store %arg8[%swap3A_211, %swap3A_212], %swap3A_215 {strides = array<i32>} : memref<2x128xi32, #tpu.memory_space<vmem>>, vector<1x16xi32>,
    %iota3A_216 = tpu.iota {dimensions = array<i32: 0>} : vector<16xi32>
    %add3A_217 = arith.constant 0 : i32
    %add3A_218 = arith.addi %mul3A_122, %add3A_217 : i32
    %add3A_219 = arith.constant 32 : i32
    %add3A_220 = arith.addi %add3A_218, %add3A_219 : i32
    %add3A_221 = vector.broadcast %add3A_220 : i32 to vector<16xi32>
    %add3A_222 = arith.addi %iota3A_216, %add3A_221 : vector<16xi32>
    %shift_right_arithmetic3A_223 = arith.constant 1 : i32
    %shift_right_arithmetic3A_224 = vector.broadcast %shift_right_arithmetic3A_223 : i32 to vector<16xi32>
    %shift_right_arithmetic3A_225 = arith.shrsi %add3A_222, %shift_right_arithmetic3A_224 : vector<16xi32>
    %swap3A_226 = arith.constant 0 : i32
    %swap3A_227 = arith.index_cast %swap3A_226 : i32 to index
    %swap3A_228 = arith.constant 32 : index
    %swap3A_229 = tpu.vector_load %arg9[%swap3A_227, %swap3A_228] {strides = array<i32>} : memref<2x128xi32, #tpu.memory_space<vmem>>, vector<1x16xi32>,
    %swap3A_230 = vector.shape_cast %swap3A_229 : vector<1x16xi32> to vector<16xi32>
    %swap3A_231 = vector.shape_cast %shift_right_arithmetic3A_225 : vector<16xi32> to vector<1x16xi32>
    tpu.vector_store %arg9[%swap3A_227, %swap3A_228], %swap3A_231 {strides = array<i32>} : memref<2x128xi32, #tpu.memory_space<vmem>>, vector<1x16xi32>,
    %get3A_232 = arith.constant 0 : i32
    %get3A_233 = arith.index_cast %get3A_232 : i32 to index
    %get3A_234 = arith.constant 48 : index
    %get3A_235 = tpu.vector_load %arg8[%get3A_233, %get3A_234] {strides = array<i32>} : memref<2x128xi32, #tpu.memory_space<vmem>>, vector<1x16xi32>,
    %get3A_236 = vector.shape_cast %get3A_235 : vector<1x16xi32> to vector<16xi32>
    %ge3A_237 = vector.broadcast %mul3A_0 : i32 to vector<16xi32>
    %ge3A_238 = arith.cmpi sge, %get3A_236, %ge3A_237 : vector<16xi32>
    %add3A_239 = arith.constant 2560 : i32
    %add3A_240 = arith.addi %mul3A_0, %add3A_239 : i32
    %lt3A_241 = vector.broadcast %add3A_240 : i32 to vector<16xi32>
    %lt3A_242 = arith.cmpi slt, %get3A_236, %lt3A_241 : vector<16xi32>
    %and3A_243 = arith.andi %ge3A_238, %lt3A_242 : vector<16xi1>
    %broadcast_in_dim3A_244 = vector.broadcast %add3A_130 : i32 to vector<16xi32>
    %select_n3A_245 = arith.select %and3A_243, %get3A_236, %broadcast_in_dim3A_244 : vector<16xi1>, vector<16xi32>
    %swap3A_246 = arith.constant 0 : i32
    %swap3A_247 = arith.index_cast %swap3A_246 : i32 to index
    %swap3A_248 = arith.constant 48 : index
    %swap3A_249 = tpu.vector_load %arg8[%swap3A_247, %swap3A_248] {strides = array<i32>} : memref<2x128xi32, #tpu.memory_space<vmem>>, vector<1x16xi32>,
    %swap3A_250 = vector.shape_cast %swap3A_249 : vector<1x16xi32> to vector<16xi32>
    %swap3A_251 = vector.shape_cast %select_n3A_245 : vector<16xi32> to vector<1x16xi32>
    tpu.vector_store %arg8[%swap3A_247, %swap3A_248], %swap3A_251 {strides = array<i32>} : memref<2x128xi32, #tpu.memory_space<vmem>>, vector<1x16xi32>,
    %iota3A_252 = tpu.iota {dimensions = array<i32: 0>} : vector<16xi32>
    %add3A_253 = arith.constant 0 : i32
    %add3A_254 = arith.addi %mul3A_122, %add3A_253 : i32
    %add3A_255 = arith.constant 48 : i32
    %add3A_256 = arith.addi %add3A_254, %add3A_255 : i32
    %add3A_257 = vector.broadcast %add3A_256 : i32 to vector<16xi32>
    %add3A_258 = arith.addi %iota3A_252, %add3A_257 : vector<16xi32>
    %shift_right_arithmetic3A_259 = arith.constant 1 : i32
    %shift_right_arithmetic3A_260 = vector.broadcast %shift_right_arithmetic3A_259 : i32 to vector<16xi32>
    %shift_right_arithmetic3A_261 = arith.shrsi %add3A_258, %shift_right_arithmetic3A_260 : vector<16xi32>
    %swap3A_262 = arith.constant 0 : i32
    %swap3A_263 = arith.index_cast %swap3A_262 : i32 to index
    %swap3A_264 = arith.constant 48 : index
    %swap3A_265 = tpu.vector_load %arg9[%swap3A_263, %swap3A_264] {strides = array<i32>} : memref<2x128xi32, #tpu.memory_space<vmem>>, vector<1x16xi32>,
    %swap3A_266 = vector.shape_cast %swap3A_265 : vector<1x16xi32> to vector<16xi32>
    %swap3A_267 = vector.shape_cast %shift_right_arithmetic3A_261 : vector<16xi32> to vector<1x16xi32>
    tpu.vector_store %arg9[%swap3A_263, %swap3A_264], %swap3A_267 {strides = array<i32>} : memref<2x128xi32, #tpu.memory_space<vmem>>, vector<1x16xi32>,
    %get3A_268 = arith.constant 0 : i32
    %get3A_269 = arith.index_cast %get3A_268 : i32 to index
    %get3A_270 = arith.constant 64 : index
    %get3A_271 = tpu.vector_load %arg8[%get3A_269, %get3A_270] {strides = array<i32>} : memref<2x128xi32, #tpu.memory_space<vmem>>, vector<1x16xi32>,
    %get3A_272 = vector.shape_cast %get3A_271 : vector<1x16xi32> to vector<16xi32>
    %ge3A_273 = vector.broadcast %mul3A_0 : i32 to vector<16xi32>
    %ge3A_274 = arith.cmpi sge, %get3A_272, %ge3A_273 : vector<16xi32>
    %add3A_275 = arith.constant 2560 : i32
    %add3A_276 = arith.addi %mul3A_0, %add3A_275 : i32
    %lt3A_277 = vector.broadcast %add3A_276 : i32 to vector<16xi32>
    %lt3A_278 = arith.cmpi slt, %get3A_272, %lt3A_277 : vector<16xi32>
    %and3A_279 = arith.andi %ge3A_274, %lt3A_278 : vector<16xi1>
    %broadcast_in_dim3A_280 = vector.broadcast %add3A_130 : i32 to vector<16xi32>
    %select_n3A_281 = arith.select %and3A_279, %get3A_272, %broadcast_in_dim3A_280 : vector<16xi1>, vector<16xi32>
    %swap3A_282 = arith.constant 0 : i32
    %swap3A_283 = arith.index_cast %swap3A_282 : i32 to index
    %swap3A_284 = arith.constant 64 : index
    %swap3A_285 = tpu.vector_load %arg8[%swap3A_283, %swap3A_284] {strides = array<i32>} : memref<2x128xi32, #tpu.memory_space<vmem>>, vector<1x16xi32>,
    %swap3A_286 = vector.shape_cast %swap3A_285 : vector<1x16xi32> to vector<16xi32>
    %swap3A_287 = vector.shape_cast %select_n3A_281 : vector<16xi32> to vector<1x16xi32>
    tpu.vector_store %arg8[%swap3A_283, %swap3A_284], %swap3A_287 {strides = array<i32>} : memref<2x128xi32, #tpu.memory_space<vmem>>, vector<1x16xi32>,
    %iota3A_288 = tpu.iota {dimensions = array<i32: 0>} : vector<16xi32>
    %add3A_289 = arith.constant 0 : i32
    %add3A_290 = arith.addi %mul3A_122, %add3A_289 : i32
    %add3A_291 = arith.constant 64 : i32
    %add3A_292 = arith.addi %add3A_290, %add3A_291 : i32
    %add3A_293 = vector.broadcast %add3A_292 : i32 to vector<16xi32>
    %add3A_294 = arith.addi %iota3A_288, %add3A_293 : vector<16xi32>
    %shift_right_arithmetic3A_295 = arith.constant 1 : i32
    %shift_right_arithmetic3A_296 = vector.broadcast %shift_right_arithmetic3A_295 : i32 to vector<16xi32>
    %shift_right_arithmetic3A_297 = arith.shrsi %add3A_294, %shift_right_arithmetic3A_296 : vector<16xi32>
    %swap3A_298 = arith.constant 0 : i32
    %swap3A_299 = arith.index_cast %swap3A_298 : i32 to index
    %swap3A_300 = arith.constant 64 : index
    %swap3A_301 = tpu.vector_load %arg9[%swap3A_299, %swap3A_300] {strides = array<i32>} : memref<2x128xi32, #tpu.memory_space<vmem>>, vector<1x16xi32>,
    %swap3A_302 = vector.shape_cast %swap3A_301 : vector<1x16xi32> to vector<16xi32>
    %swap3A_303 = vector.shape_cast %shift_right_arithmetic3A_297 : vector<16xi32> to vector<1x16xi32>
    tpu.vector_store %arg9[%swap3A_299, %swap3A_300], %swap3A_303 {strides = array<i32>} : memref<2x128xi32, #tpu.memory_space<vmem>>, vector<1x16xi32>,
    %get3A_304 = arith.constant 0 : i32
    %get3A_305 = arith.index_cast %get3A_304 : i32 to index
    %get3A_306 = arith.constant 80 : index
    %get3A_307 = tpu.vector_load %arg8[%get3A_305, %get3A_306] {strides = array<i32>} : memref<2x128xi32, #tpu.memory_space<vmem>>, vector<1x16xi32>,
    %get3A_308 = vector.shape_cast %get3A_307 : vector<1x16xi32> to vector<16xi32>
    %ge3A_309 = vector.broadcast %mul3A_0 : i32 to vector<16xi32>
    %ge3A_310 = arith.cmpi sge, %get3A_308, %ge3A_309 : vector<16xi32>
    %add3A_311 = arith.constant 2560 : i32
    %add3A_312 = arith.addi %mul3A_0, %add3A_311 : i32
    %lt3A_313 = vector.broadcast %add3A_312 : i32 to vector<16xi32>
    %lt3A_314 = arith.cmpi slt, %get3A_308, %lt3A_313 : vector<16xi32>
    %and3A_315 = arith.andi %ge3A_310, %lt3A_314 : vector<16xi1>
    %broadcast_in_dim3A_316 = vector.broadcast %add3A_130 : i32 to vector<16xi32>
    %select_n3A_317 = arith.select %and3A_315, %get3A_308, %broadcast_in_dim3A_316 : vector<16xi1>, vector<16xi32>
    %swap3A_318 = arith.constant 0 : i32
    %swap3A_319 = arith.index_cast %swap3A_318 : i32 to index
    %swap3A_320 = arith.constant 80 : index
    %swap3A_321 = tpu.vector_load %arg8[%swap3A_319, %swap3A_320] {strides = array<i32>} : memref<2x128xi32, #tpu.memory_space<vmem>>, vector<1x16xi32>,
    %swap3A_322 = vector.shape_cast %swap3A_321 : vector<1x16xi32> to vector<16xi32>
    %swap3A_323 = vector.shape_cast %select_n3A_317 : vector<16xi32> to vector<1x16xi32>
    tpu.vector_store %arg8[%swap3A_319, %swap3A_320], %swap3A_323 {strides = array<i32>} : memref<2x128xi32, #tpu.memory_space<vmem>>, vector<1x16xi32>,
    %iota3A_324 = tpu.iota {dimensions = array<i32: 0>} : vector<16xi32>
    %add3A_325 = arith.constant 0 : i32
    %add3A_326 = arith.addi %mul3A_122, %add3A_325 : i32
    %add3A_327 = arith.constant 80 : i32
    %add3A_328 = arith.addi %add3A_326, %add3A_327 : i32
    %add3A_329 = vector.broadcast %add3A_328 : i32 to vector<16xi32>
    %add3A_330 = arith.addi %iota3A_324, %add3A_329 : vector<16xi32>
    %shift_right_arithmetic3A_331 = arith.constant 1 : i32
    %shift_right_arithmetic3A_332 = vector.broadcast %shift_right_arithmetic3A_331 : i32 to vector<16xi32>
    %shift_right_arithmetic3A_333 = arith.shrsi %add3A_330, %shift_right_arithmetic3A_332 : vector<16xi32>
    %swap3A_334 = arith.constant 0 : i32
    %swap3A_335 = arith.index_cast %swap3A_334 : i32 to index
    %swap3A_336 = arith.constant 80 : index
    %swap3A_337 = tpu.vector_load %arg9[%swap3A_335, %swap3A_336] {strides = array<i32>} : memref<2x128xi32, #tpu.memory_space<vmem>>, vector<1x16xi32>,
    %swap3A_338 = vector.shape_cast %swap3A_337 : vector<1x16xi32> to vector<16xi32>
    %swap3A_339 = vector.shape_cast %shift_right_arithmetic3A_333 : vector<16xi32> to vector<1x16xi32>
    tpu.vector_store %arg9[%swap3A_335, %swap3A_336], %swap3A_339 {strides = array<i32>} : memref<2x128xi32, #tpu.memory_space<vmem>>, vector<1x16xi32>,
    %get3A_340 = arith.constant 0 : i32
    %get3A_341 = arith.index_cast %get3A_340 : i32 to index
    %get3A_342 = arith.constant 96 : index
    %get3A_343 = tpu.vector_load %arg8[%get3A_341, %get3A_342] {strides = array<i32>} : memref<2x128xi32, #tpu.memory_space<vmem>>, vector<1x16xi32>,
    %get3A_344 = vector.shape_cast %get3A_343 : vector<1x16xi32> to vector<16xi32>
    %ge3A_345 = vector.broadcast %mul3A_0 : i32 to vector<16xi32>
    %ge3A_346 = arith.cmpi sge, %get3A_344, %ge3A_345 : vector<16xi32>
    %add3A_347 = arith.constant 2560 : i32
    %add3A_348 = arith.addi %mul3A_0, %add3A_347 : i32
    %lt3A_349 = vector.broadcast %add3A_348 : i32 to vector<16xi32>
    %lt3A_350 = arith.cmpi slt, %get3A_344, %lt3A_349 : vector<16xi32>
    %and3A_351 = arith.andi %ge3A_346, %lt3A_350 : vector<16xi1>
    %broadcast_in_dim3A_352 = vector.broadcast %add3A_130 : i32 to vector<16xi32>
    %select_n3A_353 = arith.select %and3A_351, %get3A_344, %broadcast_in_dim3A_352 : vector<16xi1>, vector<16xi32>
    %swap3A_354 = arith.constant 0 : i32
    %swap3A_355 = arith.index_cast %swap3A_354 : i32 to index
    %swap3A_356 = arith.constant 96 : index
    %swap3A_357 = tpu.vector_load %arg8[%swap3A_355, %swap3A_356] {strides = array<i32>} : memref<2x128xi32, #tpu.memory_space<vmem>>, vector<1x16xi32>,
    %swap3A_358 = vector.shape_cast %swap3A_357 : vector<1x16xi32> to vector<16xi32>
    %swap3A_359 = vector.shape_cast %select_n3A_353 : vector<16xi32> to vector<1x16xi32>
    tpu.vector_store %arg8[%swap3A_355, %swap3A_356], %swap3A_359 {strides = array<i32>} : memref<2x128xi32, #tpu.memory_space<vmem>>, vector<1x16xi32>,
    %iota3A_360 = tpu.iota {dimensions = array<i32: 0>} : vector<16xi32>
    %add3A_361 = arith.constant 0 : i32
    %add3A_362 = arith.addi %mul3A_122, %add3A_361 : i32
    %add3A_363 = arith.constant 96 : i32
    %add3A_364 = arith.addi %add3A_362, %add3A_363 : i32
    %add3A_365 = vector.broadcast %add3A_364 : i32 to vector<16xi32>
    %add3A_366 = arith.addi %iota3A_360, %add3A_365 : vector<16xi32>
    %shift_right_arithmetic3A_367 = arith.constant 1 : i32
    %shift_right_arithmetic3A_368 = vector.broadcast %shift_right_arithmetic3A_367 : i32 to vector<16xi32>
    %shift_right_arithmetic3A_369 = arith.shrsi %add3A_366, %shift_right_arithmetic3A_368 : vector<16xi32>
    %swap3A_370 = arith.constant 0 : i32
    %swap3A_371 = arith.index_cast %swap3A_370 : i32 to index
    %swap3A_372 = arith.constant 96 : index
    %swap3A_373 = tpu.vector_load %arg9[%swap3A_371, %swap3A_372] {strides = array<i32>} : memref<2x128xi32, #tpu.memory_space<vmem>>, vector<1x16xi32>,
    %swap3A_374 = vector.shape_cast %swap3A_373 : vector<1x16xi32> to vector<16xi32>
    %swap3A_375 = vector.shape_cast %shift_right_arithmetic3A_369 : vector<16xi32> to vector<1x16xi32>
    tpu.vector_store %arg9[%swap3A_371, %swap3A_372], %swap3A_375 {strides = array<i32>} : memref<2x128xi32, #tpu.memory_space<vmem>>, vector<1x16xi32>,
    %get3A_376 = arith.constant 0 : i32
    %get3A_377 = arith.index_cast %get3A_376 : i32 to index
    %get3A_378 = arith.constant 112 : index
    %get3A_379 = tpu.vector_load %arg8[%get3A_377, %get3A_378] {strides = array<i32>} : memref<2x128xi32, #tpu.memory_space<vmem>>, vector<1x16xi32>,
    %get3A_380 = vector.shape_cast %get3A_379 : vector<1x16xi32> to vector<16xi32>
    %ge3A_381 = vector.broadcast %mul3A_0 : i32 to vector<16xi32>
    %ge3A_382 = arith.cmpi sge, %get3A_380, %ge3A_381 : vector<16xi32>
    %add3A_383 = arith.constant 2560 : i32
    %add3A_384 = arith.addi %mul3A_0, %add3A_383 : i32
    %lt3A_385 = vector.broadcast %add3A_384 : i32 to vector<16xi32>
    %lt3A_386 = arith.cmpi slt, %get3A_380, %lt3A_385 : vector<16xi32>
    %and3A_387 = arith.andi %ge3A_382, %lt3A_386 : vector<16xi1>
    %broadcast_in_dim3A_388 = vector.broadcast %add3A_130 : i32 to vector<16xi32>
    %select_n3A_389 = arith.select %and3A_387, %get3A_380, %broadcast_in_dim3A_388 : vector<16xi1>, vector<16xi32>
    %swap3A_390 = arith.constant 0 : i32
    %swap3A_391 = arith.index_cast %swap3A_390 : i32 to index
    %swap3A_392 = arith.constant 112 : index
    %swap3A_393 = tpu.vector_load %arg8[%swap3A_391, %swap3A_392] {strides = array<i32>} : memref<2x128xi32, #tpu.memory_space<vmem>>, vector<1x16xi32>,
    %swap3A_394 = vector.shape_cast %swap3A_393 : vector<1x16xi32> to vector<16xi32>
    %swap3A_395 = vector.shape_cast %select_n3A_389 : vector<16xi32> to vector<1x16xi32>
    tpu.vector_store %arg8[%swap3A_391, %swap3A_392], %swap3A_395 {strides = array<i32>} : memref<2x128xi32, #tpu.memory_space<vmem>>, vector<1x16xi32>,
    %iota3A_396 = tpu.iota {dimensions = array<i32: 0>} : vector<16xi32>
    %add3A_397 = arith.constant 0 : i32
    %add3A_398 = arith.addi %mul3A_122, %add3A_397 : i32
    %add3A_399 = arith.constant 112 : i32
    %add3A_400 = arith.addi %add3A_398, %add3A_399 : i32
    %add3A_401 = vector.broadcast %add3A_400 : i32 to vector<16xi32>
    %add3A_402 = arith.addi %iota3A_396, %add3A_401 : vector<16xi32>
    %shift_right_arithmetic3A_403 = arith.constant 1 : i32
    %shift_right_arithmetic3A_404 = vector.broadcast %shift_right_arithmetic3A_403 : i32 to vector<16xi32>
    %shift_right_arithmetic3A_405 = arith.shrsi %add3A_402, %shift_right_arithmetic3A_404 : vector<16xi32>
    %swap3A_406 = arith.constant 0 : i32
    %swap3A_407 = arith.index_cast %swap3A_406 : i32 to index
    %swap3A_408 = arith.constant 112 : index
    %swap3A_409 = tpu.vector_load %arg9[%swap3A_407, %swap3A_408] {strides = array<i32>} : memref<2x128xi32, #tpu.memory_space<vmem>>, vector<1x16xi32>,
    %swap3A_410 = vector.shape_cast %swap3A_409 : vector<1x16xi32> to vector<16xi32>
    %swap3A_411 = vector.shape_cast %shift_right_arithmetic3A_405 : vector<16xi32> to vector<1x16xi32>
    tpu.vector_store %arg9[%swap3A_407, %swap3A_408], %swap3A_411 {strides = array<i32>} : memref<2x128xi32, #tpu.memory_space<vmem>>, vector<1x16xi32>,
    %get3A_412 = arith.constant 1 : i32
    %get3A_413 = arith.index_cast %get3A_412 : i32 to index
    %get3A_414 = arith.constant 0 : index
    %get3A_415 = tpu.vector_load %arg8[%get3A_413, %get3A_414] {strides = array<i32>} : memref<2x128xi32, #tpu.memory_space<vmem>>, vector<1x16xi32>,
    %get3A_416 = vector.shape_cast %get3A_415 : vector<1x16xi32> to vector<16xi32>
    %ge3A_417 = vector.broadcast %mul3A_0 : i32 to vector<16xi32>
    %ge3A_418 = arith.cmpi sge, %get3A_416, %ge3A_417 : vector<16xi32>
    %add3A_419 = arith.constant 2560 : i32
    %add3A_420 = arith.addi %mul3A_0, %add3A_419 : i32
    %lt3A_421 = vector.broadcast %add3A_420 : i32 to vector<16xi32>
    %lt3A_422 = arith.cmpi slt, %get3A_416, %lt3A_421 : vector<16xi32>
    %and3A_423 = arith.andi %ge3A_418, %lt3A_422 : vector<16xi1>
    %broadcast_in_dim3A_424 = vector.broadcast %add3A_130 : i32 to vector<16xi32>
    %select_n3A_425 = arith.select %and3A_423, %get3A_416, %broadcast_in_dim3A_424 : vector<16xi1>, vector<16xi32>
    %swap3A_426 = arith.constant 1 : i32
    %swap3A_427 = arith.index_cast %swap3A_426 : i32 to index
    %swap3A_428 = arith.constant 0 : index
    %swap3A_429 = tpu.vector_load %arg8[%swap3A_427, %swap3A_428] {strides = array<i32>} : memref<2x128xi32, #tpu.memory_space<vmem>>, vector<1x16xi32>,
    %swap3A_430 = vector.shape_cast %swap3A_429 : vector<1x16xi32> to vector<16xi32>
    %swap3A_431 = vector.shape_cast %select_n3A_425 : vector<16xi32> to vector<1x16xi32>
    tpu.vector_store %arg8[%swap3A_427, %swap3A_428], %swap3A_431 {strides = array<i32>} : memref<2x128xi32, #tpu.memory_space<vmem>>, vector<1x16xi32>,
    %iota3A_432 = tpu.iota {dimensions = array<i32: 0>} : vector<16xi32>
    %add3A_433 = arith.constant 128 : i32
    %add3A_434 = arith.addi %mul3A_122, %add3A_433 : i32
    %add3A_435 = arith.constant 0 : i32
    %add3A_436 = arith.addi %add3A_434, %add3A_435 : i32
    %add3A_437 = vector.broadcast %add3A_436 : i32 to vector<16xi32>
    %add3A_438 = arith.addi %iota3A_432, %add3A_437 : vector<16xi32>
    %shift_right_arithmetic3A_439 = arith.constant 1 : i32
    %shift_right_arithmetic3A_440 = vector.broadcast %shift_right_arithmetic3A_439 : i32 to vector<16xi32>
    %shift_right_arithmetic3A_441 = arith.shrsi %add3A_438, %shift_right_arithmetic3A_440 : vector<16xi32>
    %swap3A_442 = arith.constant 1 : i32
    %swap3A_443 = arith.index_cast %swap3A_442 : i32 to index
    %swap3A_444 = arith.constant 0 : index
    %swap3A_445 = tpu.vector_load %arg9[%swap3A_443, %swap3A_444] {strides = array<i32>} : memref<2x128xi32, #tpu.memory_space<vmem>>, vector<1x16xi32>,
    %swap3A_446 = vector.shape_cast %swap3A_445 : vector<1x16xi32> to vector<16xi32>
    %swap3A_447 = vector.shape_cast %shift_right_arithmetic3A_441 : vector<16xi32> to vector<1x16xi32>
    tpu.vector_store %arg9[%swap3A_443, %swap3A_444], %swap3A_447 {strides = array<i32>} : memref<2x128xi32, #tpu.memory_space<vmem>>, vector<1x16xi32>,
    %get3A_448 = arith.constant 1 : i32
    %get3A_449 = arith.index_cast %get3A_448 : i32 to index
    %get3A_450 = arith.constant 16 : index
    %get3A_451 = tpu.vector_load %arg8[%get3A_449, %get3A_450] {strides = array<i32>} : memref<2x128xi32, #tpu.memory_space<vmem>>, vector<1x16xi32>,
    %get3A_452 = vector.shape_cast %get3A_451 : vector<1x16xi32> to vector<16xi32>
    %ge3A_453 = vector.broadcast %mul3A_0 : i32 to vector<16xi32>
    %ge3A_454 = arith.cmpi sge, %get3A_452, %ge3A_453 : vector<16xi32>
    %add3A_455 = arith.constant 2560 : i32
    %add3A_456 = arith.addi %mul3A_0, %add3A_455 : i32
    %lt3A_457 = vector.broadcast %add3A_456 : i32 to vector<16xi32>
    %lt3A_458 = arith.cmpi slt, %get3A_452, %lt3A_457 : vector<16xi32>
    %and3A_459 = arith.andi %ge3A_454, %lt3A_458 : vector<16xi1>
    %broadcast_in_dim3A_460 = vector.broadcast %add3A_130 : i32 to vector<16xi32>
    %select_n3A_461 = arith.select %and3A_459, %get3A_452, %broadcast_in_dim3A_460 : vector<16xi1>, vector<16xi32>
    %swap3A_462 = arith.constant 1 : i32
    %swap3A_463 = arith.index_cast %swap3A_462 : i32 to index
    %swap3A_464 = arith.constant 16 : index
    %swap3A_465 = tpu.vector_load %arg8[%swap3A_463, %swap3A_464] {strides = array<i32>} : memref<2x128xi32, #tpu.memory_space<vmem>>, vector<1x16xi32>,
    %swap3A_466 = vector.shape_cast %swap3A_465 : vector<1x16xi32> to vector<16xi32>
    %swap3A_467 = vector.shape_cast %select_n3A_461 : vector<16xi32> to vector<1x16xi32>
    tpu.vector_store %arg8[%swap3A_463, %swap3A_464], %swap3A_467 {strides = array<i32>} : memref<2x128xi32, #tpu.memory_space<vmem>>, vector<1x16xi32>,
    %iota3A_468 = tpu.iota {dimensions = array<i32: 0>} : vector<16xi32>
    %add3A_469 = arith.constant 128 : i32
    %add3A_470 = arith.addi %mul3A_122, %add3A_469 : i32
    %add3A_471 = arith.constant 16 : i32
    %add3A_472 = arith.addi %add3A_470, %add3A_471 : i32
    %add3A_473 = vector.broadcast %add3A_472 : i32 to vector<16xi32>
    %add3A_474 = arith.addi %iota3A_468, %add3A_473 : vector<16xi32>
    %shift_right_arithmetic3A_475 = arith.constant 1 : i32
    %shift_right_arithmetic3A_476 = vector.broadcast %shift_right_arithmetic3A_475 : i32 to vector<16xi32>
    %shift_right_arithmetic3A_477 = arith.shrsi %add3A_474, %shift_right_arithmetic3A_476 : vector<16xi32>
    %swap3A_478 = arith.constant 1 : i32
    %swap3A_479 = arith.index_cast %swap3A_478 : i32 to index
    %swap3A_480 = arith.constant 16 : index
    %swap3A_481 = tpu.vector_load %arg9[%swap3A_479, %swap3A_480] {strides = array<i32>} : memref<2x128xi32, #tpu.memory_space<vmem>>, vector<1x16xi32>,
    %swap3A_482 = vector.shape_cast %swap3A_481 : vector<1x16xi32> to vector<16xi32>
    %swap3A_483 = vector.shape_cast %shift_right_arithmetic3A_477 : vector<16xi32> to vector<1x16xi32>
    tpu.vector_store %arg9[%swap3A_479, %swap3A_480], %swap3A_483 {strides = array<i32>} : memref<2x128xi32, #tpu.memory_space<vmem>>, vector<1x16xi32>,
    %get3A_484 = arith.constant 1 : i32
    %get3A_485 = arith.index_cast %get3A_484 : i32 to index
    %get3A_486 = arith.constant 32 : index
    %get3A_487 = tpu.vector_load %arg8[%get3A_485, %get3A_486] {strides = array<i32>} : memref<2x128xi32, #tpu.memory_space<vmem>>, vector<1x16xi32>,
    %get3A_488 = vector.shape_cast %get3A_487 : vector<1x16xi32> to vector<16xi32>
    %ge3A_489 = vector.broadcast %mul3A_0 : i32 to vector<16xi32>
    %ge3A_490 = arith.cmpi sge, %get3A_488, %ge3A_489 : vector<16xi32>
    %add3A_491 = arith.constant 2560 : i32
    %add3A_492 = arith.addi %mul3A_0, %add3A_491 : i32
    %lt3A_493 = vector.broadcast %add3A_492 : i32 to vector<16xi32>
    %lt3A_494 = arith.cmpi slt, %get3A_488, %lt3A_493 : vector<16xi32>
    %and3A_495 = arith.andi %ge3A_490, %lt3A_494 : vector<16xi1>
    %broadcast_in_dim3A_496 = vector.broadcast %add3A_130 : i32 to vector<16xi32>
    %select_n3A_497 = arith.select %and3A_495, %get3A_488, %broadcast_in_dim3A_496 : vector<16xi1>, vector<16xi32>
    %swap3A_498 = arith.constant 1 : i32
    %swap3A_499 = arith.index_cast %swap3A_498 : i32 to index
    %swap3A_500 = arith.constant 32 : index
    %swap3A_501 = tpu.vector_load %arg8[%swap3A_499, %swap3A_500] {strides = array<i32>} : memref<2x128xi32, #tpu.memory_space<vmem>>, vector<1x16xi32>,
    %swap3A_502 = vector.shape_cast %swap3A_501 : vector<1x16xi32> to vector<16xi32>
    %swap3A_503 = vector.shape_cast %select_n3A_497 : vector<16xi32> to vector<1x16xi32>
    tpu.vector_store %arg8[%swap3A_499, %swap3A_500], %swap3A_503 {strides = array<i32>} : memref<2x128xi32, #tpu.memory_space<vmem>>, vector<1x16xi32>,
    %iota3A_504 = tpu.iota {dimensions = array<i32: 0>} : vector<16xi32>
    %add3A_505 = arith.constant 128 : i32
    %add3A_506 = arith.addi %mul3A_122, %add3A_505 : i32
    %add3A_507 = arith.constant 32 : i32
    %add3A_508 = arith.addi %add3A_506, %add3A_507 : i32
    %add3A_509 = vector.broadcast %add3A_508 : i32 to vector<16xi32>
    %add3A_510 = arith.addi %iota3A_504, %add3A_509 : vector<16xi32>
    %shift_right_arithmetic3A_511 = arith.constant 1 : i32
    %shift_right_arithmetic3A_512 = vector.broadcast %shift_right_arithmetic3A_511 : i32 to vector<16xi32>
    %shift_right_arithmetic3A_513 = arith.shrsi %add3A_510, %shift_right_arithmetic3A_512 : vector<16xi32>
    %swap3A_514 = arith.constant 1 : i32
    %swap3A_515 = arith.index_cast %swap3A_514 : i32 to index
    %swap3A_516 = arith.constant 32 : index
    %swap3A_517 = tpu.vector_load %arg9[%swap3A_515, %swap3A_516] {strides = array<i32>} : memref<2x128xi32, #tpu.memory_space<vmem>>, vector<1x16xi32>,
    %swap3A_518 = vector.shape_cast %swap3A_517 : vector<1x16xi32> to vector<16xi32>
    %swap3A_519 = vector.shape_cast %shift_right_arithmetic3A_513 : vector<16xi32> to vector<1x16xi32>
    tpu.vector_store %arg9[%swap3A_515, %swap3A_516], %swap3A_519 {strides = array<i32>} : memref<2x128xi32, #tpu.memory_space<vmem>>, vector<1x16xi32>,
    %get3A_520 = arith.constant 1 : i32
    %get3A_521 = arith.index_cast %get3A_520 : i32 to index
    %get3A_522 = arith.constant 48 : index
    %get3A_523 = tpu.vector_load %arg8[%get3A_521, %get3A_522] {strides = array<i32>} : memref<2x128xi32, #tpu.memory_space<vmem>>, vector<1x16xi32>,
    %get3A_524 = vector.shape_cast %get3A_523 : vector<1x16xi32> to vector<16xi32>
    %ge3A_525 = vector.broadcast %mul3A_0 : i32 to vector<16xi32>
    %ge3A_526 = arith.cmpi sge, %get3A_524, %ge3A_525 : vector<16xi32>
    %add3A_527 = arith.constant 2560 : i32
    %add3A_528 = arith.addi %mul3A_0, %add3A_527 : i32
    %lt3A_529 = vector.broadcast %add3A_528 : i32 to vector<16xi32>
    %lt3A_530 = arith.cmpi slt, %get3A_524, %lt3A_529 : vector<16xi32>
    %and3A_531 = arith.andi %ge3A_526, %lt3A_530 : vector<16xi1>
    %broadcast_in_dim3A_532 = vector.broadcast %add3A_130 : i32 to vector<16xi32>
    %select_n3A_533 = arith.select %and3A_531, %get3A_524, %broadcast_in_dim3A_532 : vector<16xi1>, vector<16xi32>
    %swap3A_534 = arith.constant 1 : i32
    %swap3A_535 = arith.index_cast %swap3A_534 : i32 to index
    %swap3A_536 = arith.constant 48 : index
    %swap3A_537 = tpu.vector_load %arg8[%swap3A_535, %swap3A_536] {strides = array<i32>} : memref<2x128xi32, #tpu.memory_space<vmem>>, vector<1x16xi32>,
    %swap3A_538 = vector.shape_cast %swap3A_537 : vector<1x16xi32> to vector<16xi32>
    %swap3A_539 = vector.shape_cast %select_n3A_533 : vector<16xi32> to vector<1x16xi32>
    tpu.vector_store %arg8[%swap3A_535, %swap3A_536], %swap3A_539 {strides = array<i32>} : memref<2x128xi32, #tpu.memory_space<vmem>>, vector<1x16xi32>,
    %iota3A_540 = tpu.iota {dimensions = array<i32: 0>} : vector<16xi32>
    %add3A_541 = arith.constant 128 : i32
    %add3A_542 = arith.addi %mul3A_122, %add3A_541 : i32
    %add3A_543 = arith.constant 48 : i32
    %add3A_544 = arith.addi %add3A_542, %add3A_543 : i32
    %add3A_545 = vector.broadcast %add3A_544 : i32 to vector<16xi32>
    %add3A_546 = arith.addi %iota3A_540, %add3A_545 : vector<16xi32>
    %shift_right_arithmetic3A_547 = arith.constant 1 : i32
    %shift_right_arithmetic3A_548 = vector.broadcast %shift_right_arithmetic3A_547 : i32 to vector<16xi32>
    %shift_right_arithmetic3A_549 = arith.shrsi %add3A_546, %shift_right_arithmetic3A_548 : vector<16xi32>
    %swap3A_550 = arith.constant 1 : i32
    %swap3A_551 = arith.index_cast %swap3A_550 : i32 to index
    %swap3A_552 = arith.constant 48 : index
    %swap3A_553 = tpu.vector_load %arg9[%swap3A_551, %swap3A_552] {strides = array<i32>} : memref<2x128xi32, #tpu.memory_space<vmem>>, vector<1x16xi32>,
    %swap3A_554 = vector.shape_cast %swap3A_553 : vector<1x16xi32> to vector<16xi32>
    %swap3A_555 = vector.shape_cast %shift_right_arithmetic3A_549 : vector<16xi32> to vector<1x16xi32>
    tpu.vector_store %arg9[%swap3A_551, %swap3A_552], %swap3A_555 {strides = array<i32>} : memref<2x128xi32, #tpu.memory_space<vmem>>, vector<1x16xi32>,
    %get3A_556 = arith.constant 1 : i32
    %get3A_557 = arith.index_cast %get3A_556 : i32 to index
    %get3A_558 = arith.constant 64 : index
    %get3A_559 = tpu.vector_load %arg8[%get3A_557, %get3A_558] {strides = array<i32>} : memref<2x128xi32, #tpu.memory_space<vmem>>, vector<1x16xi32>,
    %get3A_560 = vector.shape_cast %get3A_559 : vector<1x16xi32> to vector<16xi32>
    %ge3A_561 = vector.broadcast %mul3A_0 : i32 to vector<16xi32>
    %ge3A_562 = arith.cmpi sge, %get3A_560, %ge3A_561 : vector<16xi32>
    %add3A_563 = arith.constant 2560 : i32
    %add3A_564 = arith.addi %mul3A_0, %add3A_563 : i32
    %lt3A_565 = vector.broadcast %add3A_564 : i32 to vector<16xi32>
    %lt3A_566 = arith.cmpi slt, %get3A_560, %lt3A_565 : vector<16xi32>
    %and3A_567 = arith.andi %ge3A_562, %lt3A_566 : vector<16xi1>
    %broadcast_in_dim3A_568 = vector.broadcast %add3A_130 : i32 to vector<16xi32>
    %select_n3A_569 = arith.select %and3A_567, %get3A_560, %broadcast_in_dim3A_568 : vector<16xi1>, vector<16xi32>
    %swap3A_570 = arith.constant 1 : i32
    %swap3A_571 = arith.index_cast %swap3A_570 : i32 to index
    %swap3A_572 = arith.constant 64 : index
    %swap3A_573 = tpu.vector_load %arg8[%swap3A_571, %swap3A_572] {strides = array<i32>} : memref<2x128xi32, #tpu.memory_space<vmem>>, vector<1x16xi32>,
    %swap3A_574 = vector.shape_cast %swap3A_573 : vector<1x16xi32> to vector<16xi32>
    %swap3A_575 = vector.shape_cast %select_n3A_569 : vector<16xi32> to vector<1x16xi32>
    tpu.vector_store %arg8[%swap3A_571, %swap3A_572], %swap3A_575 {strides = array<i32>} : memref<2x128xi32, #tpu.memory_space<vmem>>, vector<1x16xi32>,
    %iota3A_576 = tpu.iota {dimensions = array<i32: 0>} : vector<16xi32>
    %add3A_577 = arith.constant 128 : i32
    %add3A_578 = arith.addi %mul3A_122, %add3A_577 : i32
    %add3A_579 = arith.constant 64 : i32
    %add3A_580 = arith.addi %add3A_578, %add3A_579 : i32
    %add3A_581 = vector.broadcast %add3A_580 : i32 to vector<16xi32>
    %add3A_582 = arith.addi %iota3A_576, %add3A_581 : vector<16xi32>
    %shift_right_arithmetic3A_583 = arith.constant 1 : i32
    %shift_right_arithmetic3A_584 = vector.broadcast %shift_right_arithmetic3A_583 : i32 to vector<16xi32>
    %shift_right_arithmetic3A_585 = arith.shrsi %add3A_582, %shift_right_arithmetic3A_584 : vector<16xi32>
    %swap3A_586 = arith.constant 1 : i32
    %swap3A_587 = arith.index_cast %swap3A_586 : i32 to index
    %swap3A_588 = arith.constant 64 : index
    %swap3A_589 = tpu.vector_load %arg9[%swap3A_587, %swap3A_588] {strides = array<i32>} : memref<2x128xi32, #tpu.memory_space<vmem>>, vector<1x16xi32>,
    %swap3A_590 = vector.shape_cast %swap3A_589 : vector<1x16xi32> to vector<16xi32>
    %swap3A_591 = vector.shape_cast %shift_right_arithmetic3A_585 : vector<16xi32> to vector<1x16xi32>
    tpu.vector_store %arg9[%swap3A_587, %swap3A_588], %swap3A_591 {strides = array<i32>} : memref<2x128xi32, #tpu.memory_space<vmem>>, vector<1x16xi32>,
    %get3A_592 = arith.constant 1 : i32
    %get3A_593 = arith.index_cast %get3A_592 : i32 to index
    %get3A_594 = arith.constant 80 : index
    %get3A_595 = tpu.vector_load %arg8[%get3A_593, %get3A_594] {strides = array<i32>} : memref<2x128xi32, #tpu.memory_space<vmem>>, vector<1x16xi32>,
    %get3A_596 = vector.shape_cast %get3A_595 : vector<1x16xi32> to vector<16xi32>
    %ge3A_597 = vector.broadcast %mul3A_0 : i32 to vector<16xi32>
    %ge3A_598 = arith.cmpi sge, %get3A_596, %ge3A_597 : vector<16xi32>
    %add3A_599 = arith.constant 2560 : i32
    %add3A_600 = arith.addi %mul3A_0, %add3A_599 : i32
    %lt3A_601 = vector.broadcast %add3A_600 : i32 to vector<16xi32>
    %lt3A_602 = arith.cmpi slt, %get3A_596, %lt3A_601 : vector<16xi32>
    %and3A_603 = arith.andi %ge3A_598, %lt3A_602 : vector<16xi1>
    %broadcast_in_dim3A_604 = vector.broadcast %add3A_130 : i32 to vector<16xi32>
    %select_n3A_605 = arith.select %and3A_603, %get3A_596, %broadcast_in_dim3A_604 : vector<16xi1>, vector<16xi32>
    %swap3A_606 = arith.constant 1 : i32
    %swap3A_607 = arith.index_cast %swap3A_606 : i32 to index
    %swap3A_608 = arith.constant 80 : index
    %swap3A_609 = tpu.vector_load %arg8[%swap3A_607, %swap3A_608] {strides = array<i32>} : memref<2x128xi32, #tpu.memory_space<vmem>>, vector<1x16xi32>,
    %swap3A_610 = vector.shape_cast %swap3A_609 : vector<1x16xi32> to vector<16xi32>
    %swap3A_611 = vector.shape_cast %select_n3A_605 : vector<16xi32> to vector<1x16xi32>
    tpu.vector_store %arg8[%swap3A_607, %swap3A_608], %swap3A_611 {strides = array<i32>} : memref<2x128xi32, #tpu.memory_space<vmem>>, vector<1x16xi32>,
    %iota3A_612 = tpu.iota {dimensions = array<i32: 0>} : vector<16xi32>
    %add3A_613 = arith.constant 128 : i32
    %add3A_614 = arith.addi %mul3A_122, %add3A_613 : i32
    %add3A_615 = arith.constant 80 : i32
    %add3A_616 = arith.addi %add3A_614, %add3A_615 : i32
    %add3A_617 = vector.broadcast %add3A_616 : i32 to vector<16xi32>
    %add3A_618 = arith.addi %iota3A_612, %add3A_617 : vector<16xi32>
    %shift_right_arithmetic3A_619 = arith.constant 1 : i32
    %shift_right_arithmetic3A_620 = vector.broadcast %shift_right_arithmetic3A_619 : i32 to vector<16xi32>
    %shift_right_arithmetic3A_621 = arith.shrsi %add3A_618, %shift_right_arithmetic3A_620 : vector<16xi32>
    %swap3A_622 = arith.constant 1 : i32
    %swap3A_623 = arith.index_cast %swap3A_622 : i32 to index
    %swap3A_624 = arith.constant 80 : index
    %swap3A_625 = tpu.vector_load %arg9[%swap3A_623, %swap3A_624] {strides = array<i32>} : memref<2x128xi32, #tpu.memory_space<vmem>>, vector<1x16xi32>,
    %swap3A_626 = vector.shape_cast %swap3A_625 : vector<1x16xi32> to vector<16xi32>
    %swap3A_627 = vector.shape_cast %shift_right_arithmetic3A_621 : vector<16xi32> to vector<1x16xi32>
    tpu.vector_store %arg9[%swap3A_623, %swap3A_624], %swap3A_627 {strides = array<i32>} : memref<2x128xi32, #tpu.memory_space<vmem>>, vector<1x16xi32>,
    %get3A_628 = arith.constant 1 : i32
    %get3A_629 = arith.index_cast %get3A_628 : i32 to index
    %get3A_630 = arith.constant 96 : index
    %get3A_631 = tpu.vector_load %arg8[%get3A_629, %get3A_630] {strides = array<i32>} : memref<2x128xi32, #tpu.memory_space<vmem>>, vector<1x16xi32>,
    %get3A_632 = vector.shape_cast %get3A_631 : vector<1x16xi32> to vector<16xi32>
    %ge3A_633 = vector.broadcast %mul3A_0 : i32 to vector<16xi32>
    %ge3A_634 = arith.cmpi sge, %get3A_632, %ge3A_633 : vector<16xi32>
    %add3A_635 = arith.constant 2560 : i32
    %add3A_636 = arith.addi %mul3A_0, %add3A_635 : i32
    %lt3A_637 = vector.broadcast %add3A_636 : i32 to vector<16xi32>
    %lt3A_638 = arith.cmpi slt, %get3A_632, %lt3A_637 : vector<16xi32>
    %and3A_639 = arith.andi %ge3A_634, %lt3A_638 : vector<16xi1>
    %broadcast_in_dim3A_640 = vector.broadcast %add3A_130 : i32 to vector<16xi32>
    %select_n3A_641 = arith.select %and3A_639, %get3A_632, %broadcast_in_dim3A_640 : vector<16xi1>, vector<16xi32>
    %swap3A_642 = arith.constant 1 : i32
    %swap3A_643 = arith.index_cast %swap3A_642 : i32 to index
    %swap3A_644 = arith.constant 96 : index
    %swap3A_645 = tpu.vector_load %arg8[%swap3A_643, %swap3A_644] {strides = array<i32>} : memref<2x128xi32, #tpu.memory_space<vmem>>, vector<1x16xi32>,
    %swap3A_646 = vector.shape_cast %swap3A_645 : vector<1x16xi32> to vector<16xi32>
    %swap3A_647 = vector.shape_cast %select_n3A_641 : vector<16xi32> to vector<1x16xi32>
    tpu.vector_store %arg8[%swap3A_643, %swap3A_644], %swap3A_647 {strides = array<i32>} : memref<2x128xi32, #tpu.memory_space<vmem>>, vector<1x16xi32>,
    %iota3A_648 = tpu.iota {dimensions = array<i32: 0>} : vector<16xi32>
    %add3A_649 = arith.constant 128 : i32
    %add3A_650 = arith.addi %mul3A_122, %add3A_649 : i32
    %add3A_651 = arith.constant 96 : i32
    %add3A_652 = arith.addi %add3A_650, %add3A_651 : i32
    %add3A_653 = vector.broadcast %add3A_652 : i32 to vector<16xi32>
    %add3A_654 = arith.addi %iota3A_648, %add3A_653 : vector<16xi32>
    %shift_right_arithmetic3A_655 = arith.constant 1 : i32
    %shift_right_arithmetic3A_656 = vector.broadcast %shift_right_arithmetic3A_655 : i32 to vector<16xi32>
    %shift_right_arithmetic3A_657 = arith.shrsi %add3A_654, %shift_right_arithmetic3A_656 : vector<16xi32>
    %swap3A_658 = arith.constant 1 : i32
    %swap3A_659 = arith.index_cast %swap3A_658 : i32 to index
    %swap3A_660 = arith.constant 96 : index
    %swap3A_661 = tpu.vector_load %arg9[%swap3A_659, %swap3A_660] {strides = array<i32>} : memref<2x128xi32, #tpu.memory_space<vmem>>, vector<1x16xi32>,
    %swap3A_662 = vector.shape_cast %swap3A_661 : vector<1x16xi32> to vector<16xi32>
    %swap3A_663 = vector.shape_cast %shift_right_arithmetic3A_657 : vector<16xi32> to vector<1x16xi32>
    tpu.vector_store %arg9[%swap3A_659, %swap3A_660], %swap3A_663 {strides = array<i32>} : memref<2x128xi32, #tpu.memory_space<vmem>>, vector<1x16xi32>,
    %get3A_664 = arith.constant 1 : i32
    %get3A_665 = arith.index_cast %get3A_664 : i32 to index
    %get3A_666 = arith.constant 112 : index
    %get3A_667 = tpu.vector_load %arg8[%get3A_665, %get3A_666] {strides = array<i32>} : memref<2x128xi32, #tpu.memory_space<vmem>>, vector<1x16xi32>,
    %get3A_668 = vector.shape_cast %get3A_667 : vector<1x16xi32> to vector<16xi32>
    %ge3A_669 = vector.broadcast %mul3A_0 : i32 to vector<16xi32>
    %ge3A_670 = arith.cmpi sge, %get3A_668, %ge3A_669 : vector<16xi32>
    %add3A_671 = arith.constant 2560 : i32
    %add3A_672 = arith.addi %mul3A_0, %add3A_671 : i32
    %lt3A_673 = vector.broadcast %add3A_672 : i32 to vector<16xi32>
    %lt3A_674 = arith.cmpi slt, %get3A_668, %lt3A_673 : vector<16xi32>
    %and3A_675 = arith.andi %ge3A_670, %lt3A_674 : vector<16xi1>
    %broadcast_in_dim3A_676 = vector.broadcast %add3A_130 : i32 to vector<16xi32>
    %select_n3A_677 = arith.select %and3A_675, %get3A_668, %broadcast_in_dim3A_676 : vector<16xi1>, vector<16xi32>
    %swap3A_678 = arith.constant 1 : i32
    %swap3A_679 = arith.index_cast %swap3A_678 : i32 to index
    %swap3A_680 = arith.constant 112 : index
    %swap3A_681 = tpu.vector_load %arg8[%swap3A_679, %swap3A_680] {strides = array<i32>} : memref<2x128xi32, #tpu.memory_space<vmem>>, vector<1x16xi32>,
    %swap3A_682 = vector.shape_cast %swap3A_681 : vector<1x16xi32> to vector<16xi32>
    %swap3A_683 = vector.shape_cast %select_n3A_677 : vector<16xi32> to vector<1x16xi32>
    tpu.vector_store %arg8[%swap3A_679, %swap3A_680], %swap3A_683 {strides = array<i32>} : memref<2x128xi32, #tpu.memory_space<vmem>>, vector<1x16xi32>,
    %iota3A_684 = tpu.iota {dimensions = array<i32: 0>} : vector<16xi32>
    %add3A_685 = arith.constant 128 : i32
    %add3A_686 = arith.addi %mul3A_122, %add3A_685 : i32
    %add3A_687 = arith.constant 112 : i32
    %add3A_688 = arith.addi %add3A_686, %add3A_687 : i32
    %add3A_689 = vector.broadcast %add3A_688 : i32 to vector<16xi32>
    %add3A_690 = arith.addi %iota3A_684, %add3A_689 : vector<16xi32>
    %shift_right_arithmetic3A_691 = arith.constant 1 : i32
    %shift_right_arithmetic3A_692 = vector.broadcast %shift_right_arithmetic3A_691 : i32 to vector<16xi32>
    %shift_right_arithmetic3A_693 = arith.shrsi %add3A_690, %shift_right_arithmetic3A_692 : vector<16xi32>
    %swap3A_694 = arith.constant 1 : i32
    %swap3A_695 = arith.index_cast %swap3A_694 : i32 to index
    %swap3A_696 = arith.constant 112 : index
    %swap3A_697 = tpu.vector_load %arg9[%swap3A_695, %swap3A_696] {strides = array<i32>} : memref<2x128xi32, #tpu.memory_space<vmem>>, vector<1x16xi32>,
    %swap3A_698 = vector.shape_cast %swap3A_697 : vector<1x16xi32> to vector<16xi32>
    %swap3A_699 = vector.shape_cast %shift_right_arithmetic3A_693 : vector<16xi32> to vector<1x16xi32>
    tpu.vector_store %arg9[%swap3A_695, %swap3A_696], %swap3A_699 {strides = array<i32>} : memref<2x128xi32, #tpu.memory_space<vmem>>, vector<1x16xi32>,
    %run_scoped3A = arith.constant 0 : i32
    %run_scoped3A_700 = arith.constant 0 : i32
    "tpu.region"() ({
      %run_scoped3A_707 = tpu.sem_alloc : memref<!tpu.dma_semaphore, #tpu.memory_space<semaphore_mem>>
      %dma_start3A = arith.constant 0 : i32
      %dma_start3A_708 = tpu.memref_slice %arg9[%run_scoped3A, %dma_start3A] : memref<2x128xi32, #tpu.memory_space<vmem>> -> memref<1x128xi32, #tpu.memory_space<vmem>>
      %dma_start3A_709 = tpu.memref_squeeze %dma_start3A_708 : memref<1x128xi32, #tpu.memory_space<vmem>> -> memref<128xi32, #tpu.memory_space<vmem>>
      %dma_start3A_710 = arith.constant 0 : i32
      %dma_start3A_711 = tpu.memref_slice %arg8[%run_scoped3A_700, %dma_start3A_710] : memref<2x128xi32, #tpu.memory_space<vmem>> -> memref<1x128xi32, #tpu.memory_space<vmem>>
      %dma_start3A_712 = tpu.memref_squeeze %dma_start3A_711 : memref<1x128xi32, #tpu.memory_space<vmem>> -> memref<128xi32, #tpu.memory_space<vmem>>
      %dma_start3A_713 = arith.constant 0 : i32
      %dma_start3A_714 = tpu.memref_slice %arg4[%dma_start3A_713] : memref<5136xi32, #tpu.memory_space<hbm>> -> memref<5136xi32, #tpu.memory_space<hbm>>
      tpu.enqueue_indirect_dma source(%dma_start3A_709 : memref<128xi32, #tpu.memory_space<vmem>>) target(%dma_start3A_714 : memref<5136xi32, #tpu.memory_space<hbm>>) offsets(%dma_start3A_712 : memref<128xi32, #tpu.memory_space<vmem>>) semaphore(%run_scoped3A_707 : memref<!tpu.dma_semaphore, #tpu.memory_space<semaphore_mem>>)
      %dma_wait3A = arith.constant 0 : i32
      %dma_wait3A_715 = tpu.memref_slice %arg9[%run_scoped3A, %dma_wait3A] : memref<2x128xi32, #tpu.memory_space<vmem>> -> memref<1x128xi32, #tpu.memory_space<vmem>>
      %dma_wait3A_716 = tpu.memref_squeeze %dma_wait3A_715 : memref<1x128xi32, #tpu.memory_space<vmem>> -> memref<128xi32, #tpu.memory_space<vmem>>
      %dma_wait3A_717 = arith.constant 0 : i32
      %dma_wait3A_718 = tpu.memref_slice %arg8[%run_scoped3A_700, %dma_wait3A_717] : memref<2x128xi32, #tpu.memory_space<vmem>> -> memref<1x128xi32, #tpu.memory_space<vmem>>
      %dma_wait3A_719 = tpu.memref_squeeze %dma_wait3A_718 : memref<1x128xi32, #tpu.memory_space<vmem>> -> memref<128xi32, #tpu.memory_space<vmem>>
      %dma_wait3A_720 = arith.constant 0 : i32
      %dma_wait3A_721 = tpu.memref_slice %arg4[%dma_wait3A_720] : memref<5136xi32, #tpu.memory_space<hbm>> -> memref<5136xi32, #tpu.memory_space<hbm>>
      tpu.wait_indirect_dma semaphore(%run_scoped3A_707 : memref<!tpu.dma_semaphore, #tpu.memory_space<semaphore_mem>>) src(%dma_wait3A_716 : memref<128xi32, #tpu.memory_space<vmem>>) dst(%dma_wait3A_721 : memref<5136xi32, #tpu.memory_space<hbm>>)
      tpu.yield
    }) : () -> ()
    %run_scoped3A_701 = arith.constant 0 : i32
    %run_scoped3A_702 = arith.constant 0 : i32
    "tpu.region"() ({
      %run_scoped3A_707 = tpu.sem_alloc : memref<!tpu.dma_semaphore, #tpu.memory_space<semaphore_mem>>
      %dma_start3A = arith.constant 0 : i32
      %dma_start3A_708 = tpu.memref_slice %arg10[%run_scoped3A_701, %dma_start3A] : memref<2x128xf32, #tpu.memory_space<vmem>> -> memref<1x128xf32, #tpu.memory_space<vmem>>
      %dma_start3A_709 = tpu.memref_squeeze %dma_start3A_708 : memref<1x128xf32, #tpu.memory_space<vmem>> -> memref<128xf32, #tpu.memory_space<vmem>>
      %dma_start3A_710 = arith.constant 0 : i32
      %dma_start3A_711 = tpu.memref_slice %arg8[%run_scoped3A_702, %dma_start3A_710] : memref<2x128xi32, #tpu.memory_space<vmem>> -> memref<1x128xi32, #tpu.memory_space<vmem>>
      %dma_start3A_712 = tpu.memref_squeeze %dma_start3A_711 : memref<1x128xi32, #tpu.memory_space<vmem>> -> memref<128xi32, #tpu.memory_space<vmem>>
      %dma_start3A_713 = arith.constant 0 : i32
      %dma_start3A_714 = tpu.memref_slice %arg5[%dma_start3A_713] : memref<5136xf32, #tpu.memory_space<hbm>> -> memref<5136xf32, #tpu.memory_space<hbm>>
      tpu.enqueue_indirect_dma source(%dma_start3A_709 : memref<128xf32, #tpu.memory_space<vmem>>) target(%dma_start3A_714 : memref<5136xf32, #tpu.memory_space<hbm>>) offsets(%dma_start3A_712 : memref<128xi32, #tpu.memory_space<vmem>>) semaphore(%run_scoped3A_707 : memref<!tpu.dma_semaphore, #tpu.memory_space<semaphore_mem>>)
      %dma_wait3A = arith.constant 0 : i32
      %dma_wait3A_715 = tpu.memref_slice %arg10[%run_scoped3A_701, %dma_wait3A] : memref<2x128xf32, #tpu.memory_space<vmem>> -> memref<1x128xf32, #tpu.memory_space<vmem>>
      %dma_wait3A_716 = tpu.memref_squeeze %dma_wait3A_715 : memref<1x128xf32, #tpu.memory_space<vmem>> -> memref<128xf32, #tpu.memory_space<vmem>>
      %dma_wait3A_717 = arith.constant 0 : i32
      %dma_wait3A_718 = tpu.memref_slice %arg8[%run_scoped3A_702, %dma_wait3A_717] : memref<2x128xi32, #tpu.memory_space<vmem>> -> memref<1x128xi32, #tpu.memory_space<vmem>>
      %dma_wait3A_719 = tpu.memref_squeeze %dma_wait3A_718 : memref<1x128xi32, #tpu.memory_space<vmem>> -> memref<128xi32, #tpu.memory_space<vmem>>
      %dma_wait3A_720 = arith.constant 0 : i32
      %dma_wait3A_721 = tpu.memref_slice %arg5[%dma_wait3A_720] : memref<5136xf32, #tpu.memory_space<hbm>> -> memref<5136xf32, #tpu.memory_space<hbm>>
      tpu.wait_indirect_dma semaphore(%run_scoped3A_707 : memref<!tpu.dma_semaphore, #tpu.memory_space<semaphore_mem>>) src(%dma_wait3A_716 : memref<128xf32, #tpu.memory_space<vmem>>) dst(%dma_wait3A_721 : memref<5136xf32, #tpu.memory_space<hbm>>)
      tpu.yield
    }) : () -> ()
    %run_scoped3A_703 = arith.constant 1 : i32
    %run_scoped3A_704 = arith.constant 1 : i32
    "tpu.region"() ({
      %run_scoped3A_707 = tpu.sem_alloc : memref<!tpu.dma_semaphore, #tpu.memory_space<semaphore_mem>>
      %dma_start3A = arith.constant 0 : i32
      %dma_start3A_708 = tpu.memref_slice %arg9[%run_scoped3A_703, %dma_start3A] : memref<2x128xi32, #tpu.memory_space<vmem>> -> memref<1x128xi32, #tpu.memory_space<vmem>>
      %dma_start3A_709 = tpu.memref_squeeze %dma_start3A_708 : memref<1x128xi32, #tpu.memory_space<vmem>> -> memref<128xi32, #tpu.memory_space<vmem>>
      %dma_start3A_710 = arith.constant 0 : i32
      %dma_start3A_711 = tpu.memref_slice %arg8[%run_scoped3A_704, %dma_start3A_710] : memref<2x128xi32, #tpu.memory_space<vmem>> -> memref<1x128xi32, #tpu.memory_space<vmem>>
      %dma_start3A_712 = tpu.memref_squeeze %dma_start3A_711 : memref<1x128xi32, #tpu.memory_space<vmem>> -> memref<128xi32, #tpu.memory_space<vmem>>
      %dma_start3A_713 = arith.constant 0 : i32
      %dma_start3A_714 = tpu.memref_slice %arg4[%dma_start3A_713] : memref<5136xi32, #tpu.memory_space<hbm>> -> memref<5136xi32, #tpu.memory_space<hbm>>
      tpu.enqueue_indirect_dma source(%dma_start3A_709 : memref<128xi32, #tpu.memory_space<vmem>>) target(%dma_start3A_714 : memref<5136xi32, #tpu.memory_space<hbm>>) offsets(%dma_start3A_712 : memref<128xi32, #tpu.memory_space<vmem>>) semaphore(%run_scoped3A_707 : memref<!tpu.dma_semaphore, #tpu.memory_space<semaphore_mem>>)
      %dma_wait3A = arith.constant 0 : i32
      %dma_wait3A_715 = tpu.memref_slice %arg9[%run_scoped3A_703, %dma_wait3A] : memref<2x128xi32, #tpu.memory_space<vmem>> -> memref<1x128xi32, #tpu.memory_space<vmem>>
      %dma_wait3A_716 = tpu.memref_squeeze %dma_wait3A_715 : memref<1x128xi32, #tpu.memory_space<vmem>> -> memref<128xi32, #tpu.memory_space<vmem>>
      %dma_wait3A_717 = arith.constant 0 : i32
      %dma_wait3A_718 = tpu.memref_slice %arg8[%run_scoped3A_704, %dma_wait3A_717] : memref<2x128xi32, #tpu.memory_space<vmem>> -> memref<1x128xi32, #tpu.memory_space<vmem>>
      %dma_wait3A_719 = tpu.memref_squeeze %dma_wait3A_718 : memref<1x128xi32, #tpu.memory_space<vmem>> -> memref<128xi32, #tpu.memory_space<vmem>>
      %dma_wait3A_720 = arith.constant 0 : i32
      %dma_wait3A_721 = tpu.memref_slice %arg4[%dma_wait3A_720] : memref<5136xi32, #tpu.memory_space<hbm>> -> memref<5136xi32, #tpu.memory_space<hbm>>
      tpu.wait_indirect_dma semaphore(%run_scoped3A_707 : memref<!tpu.dma_semaphore, #tpu.memory_space<semaphore_mem>>) src(%dma_wait3A_716 : memref<128xi32, #tpu.memory_space<vmem>>) dst(%dma_wait3A_721 : memref<5136xi32, #tpu.memory_space<hbm>>)
      tpu.yield
    }) : () -> ()
    %run_scoped3A_705 = arith.constant 1 : i32
    %run_scoped3A_706 = arith.constant 1 : i32
    "tpu.region"() ({
      %run_scoped3A_707 = tpu.sem_alloc : memref<!tpu.dma_semaphore, #tpu.memory_space<semaphore_mem>>
      %dma_start3A = arith.constant 0 : i32
      %dma_start3A_708 = tpu.memref_slice %arg10[%run_scoped3A_705, %dma_start3A] : memref<2x128xf32, #tpu.memory_space<vmem>> -> memref<1x128xf32, #tpu.memory_space<vmem>>
      %dma_start3A_709 = tpu.memref_squeeze %dma_start3A_708 : memref<1x128xf32, #tpu.memory_space<vmem>> -> memref<128xf32, #tpu.memory_space<vmem>>
      %dma_start3A_710 = arith.constant 0 : i32
      %dma_start3A_711 = tpu.memref_slice %arg8[%run_scoped3A_706, %dma_start3A_710] : memref<2x128xi32, #tpu.memory_space<vmem>> -> memref<1x128xi32, #tpu.memory_space<vmem>>
      %dma_start3A_712 = tpu.memref_squeeze %dma_start3A_711 : memref<1x128xi32, #tpu.memory_space<vmem>> -> memref<128xi32, #tpu.memory_space<vmem>>
      %dma_start3A_713 = arith.constant 0 : i32
      %dma_start3A_714 = tpu.memref_slice %arg5[%dma_start3A_713] : memref<5136xf32, #tpu.memory_space<hbm>> -> memref<5136xf32, #tpu.memory_space<hbm>>
      tpu.enqueue_indirect_dma source(%dma_start3A_709 : memref<128xf32, #tpu.memory_space<vmem>>) target(%dma_start3A_714 : memref<5136xf32, #tpu.memory_space<hbm>>) offsets(%dma_start3A_712 : memref<128xi32, #tpu.memory_space<vmem>>) semaphore(%run_scoped3A_707 : memref<!tpu.dma_semaphore, #tpu.memory_space<semaphore_mem>>)
      %dma_wait3A = arith.constant 0 : i32
      %dma_wait3A_715 = tpu.memref_slice %arg10[%run_scoped3A_705, %dma_wait3A] : memref<2x128xf32, #tpu.memory_space<vmem>> -> memref<1x128xf32, #tpu.memory_space<vmem>>
      %dma_wait3A_716 = tpu.memref_squeeze %dma_wait3A_715 : memref<1x128xf32, #tpu.memory_space<vmem>> -> memref<128xf32, #tpu.memory_space<vmem>>
      %dma_wait3A_717 = arith.constant 0 : i32
      %dma_wait3A_718 = tpu.memref_slice %arg8[%run_scoped3A_706, %dma_wait3A_717] : memref<2x128xi32, #tpu.memory_space<vmem>> -> memref<1x128xi32, #tpu.memory_space<vmem>>
      %dma_wait3A_719 = tpu.memref_squeeze %dma_wait3A_718 : memref<1x128xi32, #tpu.memory_space<vmem>> -> memref<128xi32, #tpu.memory_space<vmem>>
      %dma_wait3A_720 = arith.constant 0 : i32
      %dma_wait3A_721 = tpu.memref_slice %arg5[%dma_wait3A_720] : memref<5136xf32, #tpu.memory_space<hbm>> -> memref<5136xf32, #tpu.memory_space<hbm>>
      tpu.wait_indirect_dma semaphore(%run_scoped3A_707 : memref<!tpu.dma_semaphore, #tpu.memory_space<semaphore_mem>>) src(%dma_wait3A_716 : memref<128xf32, #tpu.memory_space<vmem>>) dst(%dma_wait3A_721 : memref<5136xf32, #tpu.memory_space<hbm>>)
      tpu.yield
    }) : () -> ()
    return
  }
}

module attributes {stable_mosaic.version = 14 : i64} {
  func.func @_router_body(%arg0: i32, %arg1: memref<2048x1024xf32, #tpu.memory_space<vmem>>, %arg2: memref<1x1024xf32, #tpu.memory_space<vmem>>, %arg3: memref<1024x8xf32, #tpu.memory_space<vmem>>, %arg4: memref<1x8xf32, #tpu.memory_space<vmem>>, %arg5: memref<2048x1024xf32, #tpu.memory_space<vmem>>, %arg6: memref<2048x2xi32, #tpu.memory_space<vmem>>, %arg7: memref<2048x2xf32, #tpu.memory_space<vmem>>, %arg8: memref<64x1xi32, #tpu.memory_space<vmem>>) attributes {dimension_semantics = [#tpu.dimension_semantics<arbitrary>], iteration_bounds = array<i64: 1>, scalar_prefetch = 0 : i64, scratch_operands = 0 : i64, tpu.core_type = #tpu.core_type<tc>, window_params = [{pipeline_mode = #tpu.pipeline_mode<synchronous>, transform_indices = @transform_0, window_bounds = array<i64: 2048, 1024>}, {pipeline_mode = #tpu.pipeline_mode<synchronous>, transform_indices = @transform_1, window_bounds = array<i64: 1, 1024>}, {pipeline_mode = #tpu.pipeline_mode<synchronous>, transform_indices = @transform_2, window_bounds = array<i64: 1024, 8>}, {pipeline_mode = #tpu.pipeline_mode<synchronous>, transform_indices = @transform_3, window_bounds = array<i64: 1, 8>}, {pipeline_mode = #tpu.pipeline_mode<synchronous>, transform_indices = @transform_4, window_bounds = array<i64: 2048, 1024>}, {pipeline_mode = #tpu.pipeline_mode<synchronous>, transform_indices = @transform_5, window_bounds = array<i64: 2048, 2>}, {pipeline_mode = #tpu.pipeline_mode<synchronous>, transform_indices = @transform_6, window_bounds = array<i64: 2048, 2>}, {pipeline_mode = #tpu.pipeline_mode<synchronous>, transform_indices = @transform_7, window_bounds = array<i64: 64, 1>}]} {
    %get3A = arith.constant 0 : index
    %get3A_0 = arith.constant 0 : index
    %get3A_1 = vector.load %arg1[%get3A, %get3A_0] : memref<2048x1024xf32, #tpu.memory_space<vmem>>, vector<2048x1024xf32>
    %mul3A = arith.mulf %get3A_1, %get3A_1 : vector<2048x1024xf32>
    %reduce_sum3A = arith.constant dense<0.000000e+00> : vector<2048xf32>
    %reduce_sum3A_2 = vector.multi_reduction <add>, %mul3A, %reduce_sum3A [1] : vector<2048x1024xf32> to vector<2048xf32>
    %broadcast_in_dim3A = vector.shape_cast %reduce_sum3A_2 : vector<2048xf32> to vector<2048x1xf32>
    %div3A = arith.constant 1.024000e+03 : f32
    %div3A_3 = vector.broadcast %div3A : f32 to vector<2048x1xf32>
    %div3A_4 = arith.divf %broadcast_in_dim3A, %div3A_3 : vector<2048x1xf32>
    %add3A = arith.constant 9.99999974E-6 : f32
    %add3A_5 = vector.broadcast %add3A : f32 to vector<2048x1xf32>
    %add3A_6 = arith.addf %div3A_4, %add3A_5 : vector<2048x1xf32>
    %rsqrt3A = math.rsqrt %add3A_6 : vector<2048x1xf32>
    %mul3A_7 = vector.broadcast %rsqrt3A : vector<2048x1xf32> to vector<2048x1024xf32>
    %mul3A_8 = arith.mulf %get3A_1, %mul3A_7 : vector<2048x1024xf32>
    %get3A_9 = arith.constant 0 : index
    %get3A_10 = arith.constant 0 : index
    %get3A_11 = vector.load %arg2[%get3A_9, %get3A_10] : memref<1x1024xf32, #tpu.memory_space<vmem>>, vector<1x1024xf32>
    %mul3A_12 = vector.broadcast %get3A_11 : vector<1x1024xf32> to vector<2048x1024xf32>
    %mul3A_13 = arith.mulf %mul3A_8, %mul3A_12 : vector<2048x1024xf32>
    %swap3A = arith.constant 0 : index
    %swap3A_14 = arith.constant 0 : index
    %swap3A_15 = vector.load %arg5[%swap3A, %swap3A_14] : memref<2048x1024xf32, #tpu.memory_space<vmem>>, vector<2048x1024xf32>
    tpu.vector_store %arg5[%swap3A, %swap3A_14], %mul3A_13 {strides = array<i32>} : memref<2048x1024xf32, #tpu.memory_space<vmem>>, vector<2048x1024xf32>,
    %get3A_16 = arith.constant 0 : index
    %get3A_17 = arith.constant 0 : index
    %get3A_18 = vector.load %arg3[%get3A_16, %get3A_17] : memref<1024x8xf32, #tpu.memory_space<vmem>>, vector<1024x8xf32>
    %dot_general3A = arith.constant dense<0.000000e+00> : vector<2048x8xf32>
    %dot_general3A_19 = tpu.matmul %mul3A_13, %get3A_18, %dot_general3A {dimension_numbers = #tpu.dot_dimension_numbers<[1], [0], [0], [1], [0, 0, 1, 1], [], []>, transpose_lhs_hint = false} : vector<2048x1024xf32>, vector<1024x8xf32>, vector<2048x8xf32> -> vector<2048x8xf32>
    %get3A_20 = arith.constant 0 : index
    %get3A_21 = arith.constant 0 : index
    %get3A_22 = vector.load %arg4[%get3A_20, %get3A_21] : memref<1x8xf32, #tpu.memory_space<vmem>>, vector<1x8xf32>
    %add3A_23 = vector.broadcast %get3A_22 : vector<1x8xf32> to vector<2048x8xf32>
    %add3A_24 = arith.addf %dot_general3A_19, %add3A_23 : vector<2048x8xf32>
    %reduce_max3A = arith.constant dense<0xFF800000> : vector<2048xf32>
    %reduce_max3A_25 = vector.multi_reduction <maximumf>, %add3A_24, %reduce_max3A [1] : vector<2048x8xf32> to vector<2048xf32>
    %broadcast_in_dim3A_26 = vector.shape_cast %reduce_max3A_25 : vector<2048xf32> to vector<2048x1xf32>
    %sub3A = vector.broadcast %broadcast_in_dim3A_26 : vector<2048x1xf32> to vector<2048x8xf32>
    %sub3A_27 = arith.subf %add3A_24, %sub3A : vector<2048x8xf32>
    %exp3A = math.exp %sub3A_27 : vector<2048x8xf32>
    %reduce_sum3A_28 = arith.constant dense<0.000000e+00> : vector<2048xf32>
    %reduce_sum3A_29 = vector.multi_reduction <add>, %exp3A, %reduce_sum3A_28 [1] : vector<2048x8xf32> to vector<2048xf32>
    %broadcast_in_dim3A_30 = vector.shape_cast %reduce_sum3A_29 : vector<2048xf32> to vector<2048x1xf32>
    %div3A_31 = vector.broadcast %broadcast_in_dim3A_30 : vector<2048x1xf32> to vector<2048x8xf32>
    %div3A_32 = arith.divf %exp3A, %div3A_31 : vector<2048x8xf32>
    %iota3A = tpu.iota {dimensions = array<i32: 1>} : vector<2048x8xi32>
    %reduce_max3A_33 = arith.constant dense<0xFF800000> : vector<2048xf32>
    %reduce_max3A_34 = vector.multi_reduction <maximumf>, %div3A_32, %reduce_max3A_33 [1] : vector<2048x8xf32> to vector<2048xf32>
    %broadcast_in_dim3A_35 = vector.shape_cast %reduce_max3A_34 : vector<2048xf32> to vector<2048x1xf32>
    %ge3A = vector.broadcast %broadcast_in_dim3A_35 : vector<2048x1xf32> to vector<2048x8xf32>
    %ge3A_36 = arith.cmpf oge, %div3A_32, %ge3A : vector<2048x8xf32>
    %jit3A = arith.constant 8 : i32
    %broadcast_in_dim3A_37 = vector.broadcast %jit3A : i32 to vector<2048x8xi32>
    %select_n3A = arith.select %ge3A_36, %iota3A, %broadcast_in_dim3A_37 : vector<2048x8xi1>, vector<2048x8xi32>
    %reduce_min3A = arith.constant dense<2147483647> : vector<2048xi32>
    %reduce_min3A_38 = vector.multi_reduction <minsi>, %select_n3A, %reduce_min3A [1] : vector<2048x8xi32> to vector<2048xi32>
    %broadcast_in_dim3A_39 = vector.shape_cast %reduce_min3A_38 : vector<2048xi32> to vector<2048x1xi32>
    %eq3A = vector.broadcast %broadcast_in_dim3A_39 : vector<2048x1xi32> to vector<2048x8xi32>
    %eq3A_40 = arith.cmpi eq, %iota3A, %eq3A : vector<2048x8xi32>
    %jit3A_41 = arith.constant 0xFF800000 : f32
    %broadcast_in_dim3A_42 = vector.broadcast %jit3A_41 : f32 to vector<2048x8xf32>
    %select_n3A_43 = arith.select %eq3A_40, %broadcast_in_dim3A_42, %div3A_32 : vector<2048x8xi1>, vector<2048x8xf32>
    %reduce_max3A_44 = arith.constant dense<0xFF800000> : vector<2048xf32>
    %reduce_max3A_45 = vector.multi_reduction <maximumf>, %select_n3A_43, %reduce_max3A_44 [1] : vector<2048x8xf32> to vector<2048xf32>
    %broadcast_in_dim3A_46 = vector.shape_cast %reduce_max3A_45 : vector<2048xf32> to vector<2048x1xf32>
    %ge3A_47 = vector.broadcast %broadcast_in_dim3A_46 : vector<2048x1xf32> to vector<2048x8xf32>
    %ge3A_48 = arith.cmpf oge, %select_n3A_43, %ge3A_47 : vector<2048x8xf32>
    %jit3A_49 = arith.constant 8 : i32
    %broadcast_in_dim3A_50 = vector.broadcast %jit3A_49 : i32 to vector<2048x8xi32>
    %select_n3A_51 = arith.select %ge3A_48, %iota3A, %broadcast_in_dim3A_50 : vector<2048x8xi1>, vector<2048x8xi32>
    %reduce_min3A_52 = arith.constant dense<2147483647> : vector<2048xi32>
    %reduce_min3A_53 = vector.multi_reduction <minsi>, %select_n3A_51, %reduce_min3A_52 [1] : vector<2048x8xi32> to vector<2048xi32>
    %broadcast_in_dim3A_54 = vector.shape_cast %reduce_min3A_53 : vector<2048xi32> to vector<2048x1xi32>
    %add3A_55 = arith.addf %broadcast_in_dim3A_35, %broadcast_in_dim3A_46 : vector<2048x1xf32>
    %div3A_56 = arith.divf %broadcast_in_dim3A_35, %add3A_55 : vector<2048x1xf32>
    %div3A_57 = arith.divf %broadcast_in_dim3A_46, %add3A_55 : vector<2048x1xf32>
    %concatenate3A = tpu.concatenate %div3A_56, %div3A_57 in 1 : vector<2048x1xf32>, vector<2048x1xf32> -> vector<2048x2xf32>
    %swap3A_58 = arith.constant 0 : index
    %swap3A_59 = arith.constant 0 : index
    %swap3A_60 = vector.load %arg7[%swap3A_58, %swap3A_59] : memref<2048x2xf32, #tpu.memory_space<vmem>>, vector<2048x2xf32>
    tpu.vector_store %arg7[%swap3A_58, %swap3A_59], %concatenate3A {strides = array<i32>} : memref<2048x2xf32, #tpu.memory_space<vmem>>, vector<2048x2xf32>,
    %eq3A_61 = vector.broadcast %broadcast_in_dim3A_39 : vector<2048x1xi32> to vector<2048x8xi32>
    %eq3A_62 = arith.cmpi eq, %iota3A, %eq3A_61 : vector<2048x8xi32>
    %eq3A_63 = vector.broadcast %broadcast_in_dim3A_54 : vector<2048x1xi32> to vector<2048x8xi32>
    %eq3A_64 = arith.cmpi eq, %iota3A, %eq3A_63 : vector<2048x8xi32>
    %or3A = arith.ori %eq3A_62, %eq3A_64 : vector<2048x8xi1>
    %convert_element_type3A = arith.extui %or3A : vector<2048x8xi1> to vector<2048x8xi32>
    %convert_element_type3A_65 = arith.sitofp %convert_element_type3A : vector<2048x8xi32> to vector<2048x8xf32>
    %convert_element_type3A_66 = arith.truncf %convert_element_type3A_65 : vector<2048x8xf32> to vector<2048x8xbf16>
    %iota3A_67 = tpu.iota {dimensions = array<i32: 0>} : vector<2048x2048xi32>
    %iota3A_68 = tpu.iota {dimensions = array<i32: 1>} : vector<2048x2048xi32>
    %gt3A = arith.cmpi sgt, %iota3A_67, %iota3A_68 : vector<2048x2048xi32>
    %convert_element_type3A_69 = arith.extui %gt3A : vector<2048x2048xi1> to vector<2048x2048xi32>
    %convert_element_type3A_70 = arith.sitofp %convert_element_type3A_69 : vector<2048x2048xi32> to vector<2048x2048xf32>
    %convert_element_type3A_71 = arith.truncf %convert_element_type3A_70 : vector<2048x2048xf32> to vector<2048x2048xbf16>
    %dot_general3A_72 = arith.constant dense<0.000000e+00> : vector<2048x8xf32>
    %dot_general3A_73 = tpu.matmul %convert_element_type3A_71, %convert_element_type3A_66, %dot_general3A_72 {dimension_numbers = #tpu.dot_dimension_numbers<[1], [0], [0], [1], [0, 0, 1, 1], [], []>, transpose_lhs_hint = false} : vector<2048x2048xbf16>, vector<2048x8xbf16>, vector<2048x8xf32> -> vector<2048x8xf32>
    %convert_element_type3A_74 = arith.extf %convert_element_type3A_66 : vector<2048x8xbf16> to vector<2048x8xf32>
    %reduce_sum3A_75 = arith.constant dense<0.000000e+00> : vector<8xf32>
    %reduce_sum3A_76 = vector.multi_reduction <add>, %convert_element_type3A_74, %reduce_sum3A_75 [0] : vector<2048x8xf32> to vector<8xf32>
    %broadcast_in_dim3A_77 = vector.shape_cast %reduce_sum3A_76 : vector<8xf32> to vector<1x8xf32>
    %div3A_78 = arith.constant 1.280000e+02 : f32
    %div3A_79 = vector.broadcast %div3A_78 : f32 to vector<1x8xf32>
    %div3A_80 = arith.divf %broadcast_in_dim3A_77, %div3A_79 : vector<1x8xf32>
    %ceil3A = math.ceil %div3A_80 : vector<1x8xf32>
    %mul3A_81 = arith.constant 1.280000e+02 : f32
    %mul3A_82 = vector.broadcast %mul3A_81 : f32 to vector<1x8xf32>
    %mul3A_83 = arith.mulf %ceil3A, %mul3A_82 : vector<1x8xf32>
    %iota3A_84 = tpu.iota {dimensions = array<i32: 0>} : vector<8x8xi32>
    %iota3A_85 = tpu.iota {dimensions = array<i32: 1>} : vector<8x8xi32>
    %lt3A = arith.cmpi slt, %iota3A_84, %iota3A_85 : vector<8x8xi32>
    %convert_element_type3A_86 = arith.extui %lt3A : vector<8x8xi1> to vector<8x8xi32>
    %convert_element_type3A_87 = arith.sitofp %convert_element_type3A_86 : vector<8x8xi32> to vector<8x8xf32>
    %dot_general3A_88 = arith.constant dense<0.000000e+00> : vector<1x8xf32>
    %dot_general3A_89 = tpu.matmul %mul3A_83, %convert_element_type3A_87, %dot_general3A_88 {dimension_numbers = #tpu.dot_dimension_numbers<[1], [0], [0], [1], [0, 0, 1, 1], [], []>, transpose_lhs_hint = false} : vector<1x8xf32>, vector<8x8xf32>, vector<1x8xf32> -> vector<1x8xf32>
    %reduce_sum3A_90 = arith.constant dense<0.000000e+00> : vector<1xf32>
    %reduce_sum3A_91 = vector.multi_reduction <add>, %mul3A_83, %reduce_sum3A_90 [1] : vector<1x8xf32> to vector<1xf32>
    %broadcast_in_dim3A_92 = vector.shape_cast %reduce_sum3A_91 : vector<1xf32> to vector<1x1xf32>
    %broadcast_in_dim3A_93 = vector.shape_cast %dot_general3A_89 : vector<1x8xf32> to vector<1x8xf32>
    %broadcast_in_dim3A_94 = vector.broadcast %broadcast_in_dim3A_93 : vector<1x8xf32> to vector<2048x8xf32>
    %eq3A_95 = vector.broadcast %broadcast_in_dim3A_39 : vector<2048x1xi32> to vector<2048x8xi32>
    %eq3A_96 = arith.cmpi eq, %iota3A, %eq3A_95 : vector<2048x8xi32>
    %jit3A_97 = arith.constant 0.000000e+00 : f32
    %broadcast_in_dim3A_98 = vector.broadcast %jit3A_97 : f32 to vector<2048x8xf32>
    %select_n3A_99 = arith.select %eq3A_96, %broadcast_in_dim3A_94, %broadcast_in_dim3A_98 : vector<2048x8xi1>, vector<2048x8xf32>
    %reduce_sum3A_100 = arith.constant dense<0.000000e+00> : vector<2048xf32>
    %reduce_sum3A_101 = vector.multi_reduction <add>, %select_n3A_99, %reduce_sum3A_100 [1] : vector<2048x8xf32> to vector<2048xf32>
    %broadcast_in_dim3A_102 = vector.shape_cast %reduce_sum3A_101 : vector<2048xf32> to vector<2048x1xf32>
    %eq3A_103 = vector.broadcast %broadcast_in_dim3A_39 : vector<2048x1xi32> to vector<2048x8xi32>
    %eq3A_104 = arith.cmpi eq, %iota3A, %eq3A_103 : vector<2048x8xi32>
    %jit3A_105 = arith.constant 0.000000e+00 : f32
    %broadcast_in_dim3A_106 = vector.broadcast %jit3A_105 : f32 to vector<2048x8xf32>
    %select_n3A_107 = arith.select %eq3A_104, %dot_general3A_73, %broadcast_in_dim3A_106 : vector<2048x8xi1>, vector<2048x8xf32>
    %reduce_sum3A_108 = arith.constant dense<0.000000e+00> : vector<2048xf32>
    %reduce_sum3A_109 = vector.multi_reduction <add>, %select_n3A_107, %reduce_sum3A_108 [1] : vector<2048x8xf32> to vector<2048xf32>
    %broadcast_in_dim3A_110 = vector.shape_cast %reduce_sum3A_109 : vector<2048xf32> to vector<2048x1xf32>
    %add3A_111 = arith.addf %broadcast_in_dim3A_102, %broadcast_in_dim3A_110 : vector<2048x1xf32>
    %eq3A_112 = vector.broadcast %broadcast_in_dim3A_54 : vector<2048x1xi32> to vector<2048x8xi32>
    %eq3A_113 = arith.cmpi eq, %iota3A, %eq3A_112 : vector<2048x8xi32>
    %jit3A_114 = arith.constant 0.000000e+00 : f32
    %broadcast_in_dim3A_115 = vector.broadcast %jit3A_114 : f32 to vector<2048x8xf32>
    %select_n3A_116 = arith.select %eq3A_113, %broadcast_in_dim3A_94, %broadcast_in_dim3A_115 : vector<2048x8xi1>, vector<2048x8xf32>
    %reduce_sum3A_117 = arith.constant dense<0.000000e+00> : vector<2048xf32>
    %reduce_sum3A_118 = vector.multi_reduction <add>, %select_n3A_116, %reduce_sum3A_117 [1] : vector<2048x8xf32> to vector<2048xf32>
    %broadcast_in_dim3A_119 = vector.shape_cast %reduce_sum3A_118 : vector<2048xf32> to vector<2048x1xf32>
    %eq3A_120 = vector.broadcast %broadcast_in_dim3A_54 : vector<2048x1xi32> to vector<2048x8xi32>
    %eq3A_121 = arith.cmpi eq, %iota3A, %eq3A_120 : vector<2048x8xi32>
    %jit3A_122 = arith.constant 0.000000e+00 : f32
    %broadcast_in_dim3A_123 = vector.broadcast %jit3A_122 : f32 to vector<2048x8xf32>
    %select_n3A_124 = arith.select %eq3A_121, %dot_general3A_73, %broadcast_in_dim3A_123 : vector<2048x8xi1>, vector<2048x8xf32>
    %reduce_sum3A_125 = arith.constant dense<0.000000e+00> : vector<2048xf32>
    %reduce_sum3A_126 = vector.multi_reduction <add>, %select_n3A_124, %reduce_sum3A_125 [1] : vector<2048x8xf32> to vector<2048xf32>
    %broadcast_in_dim3A_127 = vector.shape_cast %reduce_sum3A_126 : vector<2048xf32> to vector<2048x1xf32>
    %add3A_128 = arith.addf %broadcast_in_dim3A_119, %broadcast_in_dim3A_127 : vector<2048x1xf32>
    %concatenate3A_129 = tpu.concatenate %add3A_111, %add3A_128 in 1 : vector<2048x1xf32>, vector<2048x1xf32> -> vector<2048x2xf32>
    %convert_element_type3A_130 = arith.fptosi %concatenate3A_129 : vector<2048x2xf32> to vector<2048x2xi32>
    %swap3A_131 = arith.constant 0 : index
    %swap3A_132 = arith.constant 0 : index
    %swap3A_133 = vector.load %arg6[%swap3A_131, %swap3A_132] : memref<2048x2xi32, #tpu.memory_space<vmem>>, vector<2048x2xi32>
    tpu.vector_store %arg6[%swap3A_131, %swap3A_132], %convert_element_type3A_130 {strides = array<i32>} : memref<2048x2xi32, #tpu.memory_space<vmem>>, vector<2048x2xi32>,
    %iota3A_134 = tpu.iota {dimensions = array<i32: 0>} : vector<64x8xi32>
    %mul3A_135 = arith.constant 128 : i32
    %mul3A_136 = vector.broadcast %mul3A_135 : i32 to vector<64x8xi32>
    %mul3A_137 = arith.muli %iota3A_134, %mul3A_136 : vector<64x8xi32>
    %convert_element_type3A_138 = arith.sitofp %mul3A_137 : vector<64x8xi32> to vector<64x8xf32>
    %broadcast_in_dim3A_139 = vector.shape_cast %dot_general3A_89 : vector<1x8xf32> to vector<1x8xf32>
    %broadcast_in_dim3A_140 = vector.broadcast %broadcast_in_dim3A_139 : vector<1x8xf32> to vector<64x8xf32>
    %le3A = arith.cmpf ole, %broadcast_in_dim3A_140, %convert_element_type3A_138 : vector<64x8xf32>
    %convert_element_type3A_141 = arith.extui %le3A : vector<64x8xi1> to vector<64x8xi32>
    %reduce_sum3A_142 = arith.constant dense<0> : vector<64xi32>
    %reduce_sum3A_143 = vector.multi_reduction <add>, %convert_element_type3A_141, %reduce_sum3A_142 [1] : vector<64x8xi32> to vector<64xi32>
    %broadcast_in_dim3A_144 = vector.shape_cast %reduce_sum3A_143 : vector<64xi32> to vector<64x1xi32>
    %sub3A_145 = arith.constant 1 : i32
    %sub3A_146 = vector.broadcast %sub3A_145 : i32 to vector<64x1xi32>
    %sub3A_147 = arith.subi %broadcast_in_dim3A_144, %sub3A_146 : vector<64x1xi32>
    %slice3A = vector.extract_strided_slice %convert_element_type3A_138 {offsets = [0, 0], sizes = [64, 1], strides = [1, 1]} : vector<64x8xf32> to vector<64x1xf32>
    %lt3A_148 = vector.broadcast %broadcast_in_dim3A_92 : vector<1x1xf32> to vector<64x1xf32>
    %lt3A_149 = arith.cmpf olt, %slice3A, %lt3A_148 : vector<64x1xf32>
    %jit3A_150 = arith.constant -1 : i32
    %broadcast_in_dim3A_151 = vector.broadcast %jit3A_150 : i32 to vector<64x1xi32>
    %select_n3A_152 = arith.select %lt3A_149, %sub3A_147, %broadcast_in_dim3A_151 : vector<64x1xi1>, vector<64x1xi32>
    %swap3A_153 = arith.constant 0 : index
    %swap3A_154 = arith.constant 0 : index
    %swap3A_155 = vector.load %arg8[%swap3A_153, %swap3A_154] : memref<64x1xi32, #tpu.memory_space<vmem>>, vector<64x1xi32>
    tpu.vector_store %arg8[%swap3A_153, %swap3A_154], %select_n3A_152 {strides = array<i32>} : memref<64x1xi32, #tpu.memory_space<vmem>>, vector<64x1xi32>,
    return
  }
  func.func @transform_0(%arg0: i32) -> (i32, i32) {
    %c0_i32 = arith.constant 0 : i32
    %c0_i32_0 = arith.constant 0 : i32
    %c0_i32_1 = arith.constant 0 : i32
    return %c0_i32, %c0_i32_0 : i32, i32
  }
  func.func @transform_1(%arg0: i32) -> (i32, i32) {
    %c0_i32 = arith.constant 0 : i32
    %c0_i32_0 = arith.constant 0 : i32
    %c0_i32_1 = arith.constant 0 : i32
    return %c0_i32, %c0_i32_0 : i32, i32
  }
  func.func @transform_2(%arg0: i32) -> (i32, i32) {
    %c0_i32 = arith.constant 0 : i32
    %c0_i32_0 = arith.constant 0 : i32
    %c0_i32_1 = arith.constant 0 : i32
    return %c0_i32, %c0_i32_0 : i32, i32
  }
  func.func @transform_3(%arg0: i32) -> (i32, i32) {
    %c0_i32 = arith.constant 0 : i32
    %c0_i32_0 = arith.constant 0 : i32
    %c0_i32_1 = arith.constant 0 : i32
    return %c0_i32, %c0_i32_0 : i32, i32
  }
  func.func @transform_4(%arg0: i32) -> (i32, i32) {
    %c0_i32 = arith.constant 0 : i32
    %c0_i32_0 = arith.constant 0 : i32
    %c0_i32_1 = arith.constant 0 : i32
    return %c0_i32, %c0_i32_0 : i32, i32
  }
  func.func @transform_5(%arg0: i32) -> (i32, i32) {
    %c0_i32 = arith.constant 0 : i32
    %c0_i32_0 = arith.constant 0 : i32
    %c0_i32_1 = arith.constant 0 : i32
    return %c0_i32, %c0_i32_0 : i32, i32
  }
  func.func @transform_6(%arg0: i32) -> (i32, i32) {
    %c0_i32 = arith.constant 0 : i32
    %c0_i32_0 = arith.constant 0 : i32
    %c0_i32_1 = arith.constant 0 : i32
    return %c0_i32, %c0_i32_0 : i32, i32
  }
  func.func @transform_7(%arg0: i32) -> (i32, i32) {
    %c0_i32 = arith.constant 0 : i32
    %c0_i32_0 = arith.constant 0 : i32
    %c0_i32_1 = arith.constant 0 : i32
    return %c0_i32, %c0_i32_0 : i32, i32
  }
}

module attributes {stable_mosaic.version = 14 : i64} {
  func.func @_deint_body(%arg0: i32, %arg1: memref<1x1024x1024xi32, #tpu.memory_space<vmem>>, %arg2: memref<1x1024x1024xbf16, #tpu.memory_space<vmem>>, %arg3: memref<1x1024x1024xbf16, #tpu.memory_space<vmem>>) attributes {dimension_semantics = [#tpu.dimension_semantics<arbitrary>], iteration_bounds = array<i64: 8>, scalar_prefetch = 0 : i64, scratch_operands = 0 : i64, tpu.core_type = #tpu.core_type<tc>, window_params = [{transform_indices = @transform_0, window_bounds = array<i64: 1, 1024, 1024>}, {transform_indices = @transform_1, window_bounds = array<i64: 1, 1024, 1024>}, {transform_indices = @transform_2, window_bounds = array<i64: 1, 1024, 1024>}]} {
    %get3A = arith.constant 0 : index
    %get3A_0 = arith.constant 0 : index
    %get3A_1 = arith.constant 0 : index
    %get3A_2 = vector.load %arg1[%get3A, %get3A_0, %get3A_1] : memref<1x1024x1024xi32, #tpu.memory_space<vmem>>, vector<1x1024x1024xi32>
    %get3A_3 = vector.shape_cast %get3A_2 : vector<1x1024x1024xi32> to vector<1024x1024xi32>
    %shift_left3A = arith.constant 16 : i32
    %shift_left3A_4 = vector.broadcast %shift_left3A : i32 to vector<1024x1024xi32>
    %shift_left3A_5 = arith.shli %get3A_3, %shift_left3A_4 : vector<1024x1024xi32>
    %bitcast_convert_type3A = tpu.bitcast %shift_left3A_5 : vector<1024x1024xi32> -> vector<1024x1024xf32>
    %convert_element_type3A = arith.truncf %bitcast_convert_type3A : vector<1024x1024xf32> to vector<1024x1024xbf16>
    %swap3A = arith.constant 0 : index
    %swap3A_6 = arith.constant 0 : index
    %swap3A_7 = arith.constant 0 : index
    %swap3A_8 = vector.load %arg2[%swap3A, %swap3A_6, %swap3A_7] : memref<1x1024x1024xbf16, #tpu.memory_space<vmem>>, vector<1x1024x1024xbf16>
    %swap3A_9 = vector.shape_cast %swap3A_8 : vector<1x1024x1024xbf16> to vector<1024x1024xbf16>
    %swap3A_10 = vector.shape_cast %convert_element_type3A : vector<1024x1024xbf16> to vector<1x1024x1024xbf16>
    tpu.vector_store %arg2[%swap3A, %swap3A_6, %swap3A_7], %swap3A_10 {strides = array<i32>} : memref<1x1024x1024xbf16, #tpu.memory_space<vmem>>, vector<1x1024x1024xbf16>,
    %and3A = arith.constant -65536 : i32
    %and3A_11 = vector.broadcast %and3A : i32 to vector<1024x1024xi32>
    %and3A_12 = arith.andi %get3A_3, %and3A_11 : vector<1024x1024xi32>
    %bitcast_convert_type3A_13 = tpu.bitcast %and3A_12 : vector<1024x1024xi32> -> vector<1024x1024xf32>
    %convert_element_type3A_14 = arith.truncf %bitcast_convert_type3A_13 : vector<1024x1024xf32> to vector<1024x1024xbf16>
    %swap3A_15 = arith.constant 0 : index
    %swap3A_16 = arith.constant 0 : index
    %swap3A_17 = arith.constant 0 : index
    %swap3A_18 = vector.load %arg3[%swap3A_15, %swap3A_16, %swap3A_17] : memref<1x1024x1024xbf16, #tpu.memory_space<vmem>>, vector<1x1024x1024xbf16>
    %swap3A_19 = vector.shape_cast %swap3A_18 : vector<1x1024x1024xbf16> to vector<1024x1024xbf16>
    %swap3A_20 = vector.shape_cast %convert_element_type3A_14 : vector<1024x1024xbf16> to vector<1x1024x1024xbf16>
    tpu.vector_store %arg3[%swap3A_15, %swap3A_16, %swap3A_17], %swap3A_20 {strides = array<i32>} : memref<1x1024x1024xbf16, #tpu.memory_space<vmem>>, vector<1x1024x1024xbf16>,
    return
  }
  func.func @transform_0(%arg0: i32) -> (i32, i32, i32) {
    %c0_i32 = arith.constant 0 : i32
    %c0_i32_0 = arith.constant 0 : i32
    %c0_i32_1 = arith.constant 0 : i32
    return %arg0, %c0_i32, %c0_i32_0 : i32, i32, i32
  }
  func.func @transform_1(%arg0: i32) -> (i32, i32, i32) {
    %c0_i32 = arith.constant 0 : i32
    %c0_i32_0 = arith.constant 0 : i32
    %c0_i32_1 = arith.constant 0 : i32
    return %arg0, %c0_i32, %c0_i32_0 : i32, i32, i32
  }
  func.func @transform_2(%arg0: i32) -> (i32, i32, i32) {
    %c0_i32 = arith.constant 0 : i32
    %c0_i32_0 = arith.constant 0 : i32
    %c0_i32_1 = arith.constant 0 : i32
    return %arg0, %c0_i32, %c0_i32_0 : i32, i32, i32
  }
}

module attributes {stable_mosaic.version = 14 : i64} {
  func.func @_ffn_body(%arg0: i32, %arg1: memref<40xi32, #tpu.memory_space<smem>>, %arg2: memref<128x1024xf32, #tpu.memory_space<vmem>>, %arg3: memref<128x1xf32, #tpu.memory_space<vmem>>, %arg4: memref<8x1024x1024xbf16, #tpu.memory_space<vmem>>, %arg5: memref<8x1024x1024xbf16, #tpu.memory_space<vmem>>, %arg6: memref<8x1024x1024xbf16, #tpu.memory_space<vmem>>, %arg7: memref<8x1x1024xf32, #tpu.memory_space<vmem>>, %arg8: memref<8x1x1024xf32, #tpu.memory_space<vmem>>, %arg9: memref<8x1x1024xf32, #tpu.memory_space<vmem>>, %arg10: memref<128x1024xf32, #tpu.memory_space<vmem>>) attributes {dimension_semantics = [#tpu.dimension_semantics<arbitrary>], iteration_bounds = array<i64: 40>, scalar_prefetch = 1 : i64, scratch_operands = 0 : i64, tpu.core_type = #tpu.core_type<tc>, window_params = [{transform_indices = @transform_0, window_bounds = array<i64: 128, 1024>}, {transform_indices = @transform_1, window_bounds = array<i64: 128, 1>}, {pipeline_mode = #tpu.pipeline_mode<synchronous>, transform_indices = @transform_2, window_bounds = array<i64: 8, 1024, 1024>}, {pipeline_mode = #tpu.pipeline_mode<synchronous>, transform_indices = @transform_3, window_bounds = array<i64: 8, 1024, 1024>}, {pipeline_mode = #tpu.pipeline_mode<synchronous>, transform_indices = @transform_4, window_bounds = array<i64: 8, 1024, 1024>}, {pipeline_mode = #tpu.pipeline_mode<synchronous>, transform_indices = @transform_5, window_bounds = array<i64: 8, 1, 1024>}, {pipeline_mode = #tpu.pipeline_mode<synchronous>, transform_indices = @transform_6, window_bounds = array<i64: 8, 1, 1024>}, {pipeline_mode = #tpu.pipeline_mode<synchronous>, transform_indices = @transform_7, window_bounds = array<i64: 8, 1, 1024>}, {transform_indices = @transform_8, window_bounds = array<i64: 128, 1024>}]} {
    %get3A = arith.index_cast %arg0 : i32 to index
    %get3A_0 = memref.load %arg1[%get3A] : memref<40xi32, #tpu.memory_space<smem>>
    %max3A = arith.constant 0 : i32
    %max3A_1 = arith.maxsi %get3A_0, %max3A : i32
    %get3A_2 = arith.index_cast %arg0 : i32 to index
    %get3A_3 = memref.load %arg1[%get3A_2] : memref<40xi32, #tpu.memory_space<smem>>
    %ge3A = arith.constant 0 : i32
    %ge3A_4 = arith.cmpi sge, %get3A_3, %ge3A : i32
    %convert_element_type3A = arith.extui %ge3A_4 : i1 to i32
    %cond3A = arith.constant 0 : i32
    %cond3A_5 = arith.cmpi ne, %convert_element_type3A, %cond3A : i32
    scf.if %cond3A_5 {
      %get3A_6 = arith.constant 0 : index
      %get3A_7 = arith.constant 0 : index
      %get3A_8 = vector.load %arg2[%get3A_6, %get3A_7] : memref<128x1024xf32, #tpu.memory_space<vmem>>, vector<128x1024xf32>
      %convert_element_type3A_9 = arith.truncf %get3A_8 : vector<128x1024xf32> to vector<128x1024xbf16>
      %get3A_10 = arith.index_cast %max3A_1 : i32 to index
      %get3A_11 = arith.constant 0 : index
      %get3A_12 = arith.constant 0 : index
      %get3A_13 = vector.load %arg4[%get3A_10, %get3A_11, %get3A_12] : memref<8x1024x1024xbf16, #tpu.memory_space<vmem>>, vector<1x1024x1024xbf16>
      %get3A_14 = vector.shape_cast %get3A_13 : vector<1x1024x1024xbf16> to vector<1024x1024xbf16>
      %dot_general3A = arith.constant dense<0.000000e+00> : vector<128x1024xf32>
      %dot_general3A_15 = tpu.matmul %convert_element_type3A_9, %get3A_14, %dot_general3A {dimension_numbers = #tpu.dot_dimension_numbers<[1], [0], [0], [1], [0, 0, 1, 1], [], []>, transpose_lhs_hint = false} : vector<128x1024xbf16>, vector<1024x1024xbf16>, vector<128x1024xf32> -> vector<128x1024xf32>
      %get3A_16 = arith.index_cast %max3A_1 : i32 to index
      %get3A_17 = arith.constant 0 : index
      %get3A_18 = arith.constant 0 : index
      %get3A_19 = vector.load %arg7[%get3A_16, %get3A_17, %get3A_18] : memref<8x1x1024xf32, #tpu.memory_space<vmem>>, vector<1x1x1024xf32>
      %get3A_20 = vector.shape_cast %get3A_19 : vector<1x1x1024xf32> to vector<1x1024xf32>
      %add3A = vector.broadcast %get3A_20 : vector<1x1024xf32> to vector<128x1024xf32>
      %add3A_21 = arith.addf %dot_general3A_15, %add3A : vector<128x1024xf32>
      %get3A_22 = arith.index_cast %max3A_1 : i32 to index
      %get3A_23 = arith.constant 0 : index
      %get3A_24 = arith.constant 0 : index
      %get3A_25 = vector.load %arg5[%get3A_22, %get3A_23, %get3A_24] : memref<8x1024x1024xbf16, #tpu.memory_space<vmem>>, vector<1x1024x1024xbf16>
      %get3A_26 = vector.shape_cast %get3A_25 : vector<1x1024x1024xbf16> to vector<1024x1024xbf16>
      %dot_general3A_27 = arith.constant dense<0.000000e+00> : vector<128x1024xf32>
      %dot_general3A_28 = tpu.matmul %convert_element_type3A_9, %get3A_26, %dot_general3A_27 {dimension_numbers = #tpu.dot_dimension_numbers<[1], [0], [0], [1], [0, 0, 1, 1], [], []>, transpose_lhs_hint = false} : vector<128x1024xbf16>, vector<1024x1024xbf16>, vector<128x1024xf32> -> vector<128x1024xf32>
      %get3A_29 = arith.index_cast %max3A_1 : i32 to index
      %get3A_30 = arith.constant 0 : index
      %get3A_31 = arith.constant 0 : index
      %get3A_32 = vector.load %arg8[%get3A_29, %get3A_30, %get3A_31] : memref<8x1x1024xf32, #tpu.memory_space<vmem>>, vector<1x1x1024xf32>
      %get3A_33 = vector.shape_cast %get3A_32 : vector<1x1x1024xf32> to vector<1x1024xf32>
      %add3A_34 = vector.broadcast %get3A_33 : vector<1x1024xf32> to vector<128x1024xf32>
      %add3A_35 = arith.addf %dot_general3A_28, %add3A_34 : vector<128x1024xf32>
      %min3A = arith.constant 7.000000e+00 : f32
      %min3A_36 = vector.broadcast %min3A : f32 to vector<128x1024xf32>
      %min3A_37 = arith.minimumf %add3A_21, %min3A_36 : vector<128x1024xf32>
      %jit3A = arith.constant -7.000000e+00 : f32
      %jit3A_38 = arith.constant 7.000000e+00 : f32
      %max3A_39 = vector.broadcast %jit3A : f32 to vector<128x1024xf32>
      %max3A_40 = arith.maximumf %max3A_39, %add3A_35 : vector<128x1024xf32>
      %min3A_41 = vector.broadcast %jit3A_38 : f32 to vector<128x1024xf32>
      %min3A_42 = arith.minimumf %min3A_41, %max3A_40 : vector<128x1024xf32>
      %mul3A = arith.constant 1.702000e+00 : f32
      %mul3A_43 = vector.broadcast %mul3A : f32 to vector<128x1024xf32>
      %mul3A_44 = arith.mulf %min3A_37, %mul3A_43 : vector<128x1024xf32>
      %logistic3A = arith.negf %mul3A_44 : vector<128x1024xf32>
      %logistic3A_45 = math.exp %logistic3A : vector<128x1024xf32>
      %logistic3A_46 = arith.constant 1.000000e+00 : f32
      %logistic3A_47 = vector.broadcast %logistic3A_46 : f32 to vector<128x1024xf32>
      %logistic3A_48 = arith.addf %logistic3A_47, %logistic3A_45 : vector<128x1024xf32>
      %logistic3A_49 = arith.divf %logistic3A_47, %logistic3A_48 : vector<128x1024xf32>
      %mul3A_50 = arith.mulf %min3A_37, %logistic3A_49 : vector<128x1024xf32>
      %add3A_51 = arith.constant 1.000000e+00 : f32
      %add3A_52 = vector.broadcast %add3A_51 : f32 to vector<128x1024xf32>
      %add3A_53 = arith.addf %min3A_42, %add3A_52 : vector<128x1024xf32>
      %mul3A_54 = arith.mulf %add3A_53, %mul3A_50 : vector<128x1024xf32>
      %convert_element_type3A_55 = arith.truncf %mul3A_54 : vector<128x1024xf32> to vector<128x1024xbf16>
      %get3A_56 = arith.index_cast %max3A_1 : i32 to index
      %get3A_57 = arith.constant 0 : index
      %get3A_58 = arith.constant 0 : index
      %get3A_59 = vector.load %arg6[%get3A_56, %get3A_57, %get3A_58] : memref<8x1024x1024xbf16, #tpu.memory_space<vmem>>, vector<1x1024x1024xbf16>
      %get3A_60 = vector.shape_cast %get3A_59 : vector<1x1024x1024xbf16> to vector<1024x1024xbf16>
      %dot_general3A_61 = arith.constant dense<0.000000e+00> : vector<128x1024xf32>
      %dot_general3A_62 = tpu.matmul %convert_element_type3A_55, %get3A_60, %dot_general3A_61 {dimension_numbers = #tpu.dot_dimension_numbers<[1], [0], [0], [1], [0, 0, 1, 1], [], []>, transpose_lhs_hint = false} : vector<128x1024xbf16>, vector<1024x1024xbf16>, vector<128x1024xf32> -> vector<128x1024xf32>
      %get3A_63 = arith.index_cast %max3A_1 : i32 to index
      %get3A_64 = arith.constant 0 : index
      %get3A_65 = arith.constant 0 : index
      %get3A_66 = vector.load %arg9[%get3A_63, %get3A_64, %get3A_65] : memref<8x1x1024xf32, #tpu.memory_space<vmem>>, vector<1x1x1024xf32>
      %get3A_67 = vector.shape_cast %get3A_66 : vector<1x1x1024xf32> to vector<1x1024xf32>
      %add3A_68 = vector.broadcast %get3A_67 : vector<1x1024xf32> to vector<128x1024xf32>
      %add3A_69 = arith.addf %dot_general3A_62, %add3A_68 : vector<128x1024xf32>
      %get3A_70 = arith.constant 0 : index
      %get3A_71 = arith.constant 0 : index
      %get3A_72 = vector.load %arg3[%get3A_70, %get3A_71] : memref<128x1xf32, #tpu.memory_space<vmem>>, vector<128x1xf32>
      %mul3A_73 = vector.broadcast %get3A_72 : vector<128x1xf32> to vector<128x1024xf32>
      %mul3A_74 = arith.mulf %add3A_69, %mul3A_73 : vector<128x1024xf32>
      %swap3A = arith.constant 0 : index
      %swap3A_75 = arith.constant 0 : index
      %swap3A_76 = vector.load %arg10[%swap3A, %swap3A_75] : memref<128x1024xf32, #tpu.memory_space<vmem>>, vector<128x1024xf32>
      tpu.vector_store %arg10[%swap3A, %swap3A_75], %mul3A_74 {strides = array<i32>} : memref<128x1024xf32, #tpu.memory_space<vmem>>, vector<128x1024xf32>,
    } else {
    }
    return
  }
  func.func @transform_0(%arg0: i32, %arg1: memref<40xi32, #tpu.memory_space<smem>>) -> (i32, i32) {
    %c0_i32 = arith.constant 0 : i32
    %c0_i32_0 = arith.constant 0 : i32
    return %arg0, %c0_i32 : i32, i32
  }
  func.func @transform_1(%arg0: i32, %arg1: memref<40xi32, #tpu.memory_space<smem>>) -> (i32, i32) {
    %c0_i32 = arith.constant 0 : i32
    %c0_i32_0 = arith.constant 0 : i32
    return %arg0, %c0_i32 : i32, i32
  }
  func.func @transform_2(%arg0: i32, %arg1: memref<40xi32, #tpu.memory_space<smem>>) -> (i32, i32, i32) {
    %c0_i32 = arith.constant 0 : i32
    %c0_i32_0 = arith.constant 0 : i32
    %c0_i32_1 = arith.constant 0 : i32
    %c0_i32_2 = arith.constant 0 : i32
    return %c0_i32, %c0_i32_0, %c0_i32_1 : i32, i32, i32
  }
  func.func @transform_3(%arg0: i32, %arg1: memref<40xi32, #tpu.memory_space<smem>>) -> (i32, i32, i32) {
    %c0_i32 = arith.constant 0 : i32
    %c0_i32_0 = arith.constant 0 : i32
    %c0_i32_1 = arith.constant 0 : i32
    %c0_i32_2 = arith.constant 0 : i32
    return %c0_i32, %c0_i32_0, %c0_i32_1 : i32, i32, i32
  }
  func.func @transform_4(%arg0: i32, %arg1: memref<40xi32, #tpu.memory_space<smem>>) -> (i32, i32, i32) {
    %c0_i32 = arith.constant 0 : i32
    %c0_i32_0 = arith.constant 0 : i32
    %c0_i32_1 = arith.constant 0 : i32
    %c0_i32_2 = arith.constant 0 : i32
    return %c0_i32, %c0_i32_0, %c0_i32_1 : i32, i32, i32
  }
  func.func @transform_5(%arg0: i32, %arg1: memref<40xi32, #tpu.memory_space<smem>>) -> (i32, i32, i32) {
    %c0_i32 = arith.constant 0 : i32
    %c0_i32_0 = arith.constant 0 : i32
    %c0_i32_1 = arith.constant 0 : i32
    %c0_i32_2 = arith.constant 0 : i32
    return %c0_i32, %c0_i32_0, %c0_i32_1 : i32, i32, i32
  }
  func.func @transform_6(%arg0: i32, %arg1: memref<40xi32, #tpu.memory_space<smem>>) -> (i32, i32, i32) {
    %c0_i32 = arith.constant 0 : i32
    %c0_i32_0 = arith.constant 0 : i32
    %c0_i32_1 = arith.constant 0 : i32
    %c0_i32_2 = arith.constant 0 : i32
    return %c0_i32, %c0_i32_0, %c0_i32_1 : i32, i32, i32
  }
  func.func @transform_7(%arg0: i32, %arg1: memref<40xi32, #tpu.memory_space<smem>>) -> (i32, i32, i32) {
    %c0_i32 = arith.constant 0 : i32
    %c0_i32_0 = arith.constant 0 : i32
    %c0_i32_1 = arith.constant 0 : i32
    %c0_i32_2 = arith.constant 0 : i32
    return %c0_i32, %c0_i32_0, %c0_i32_1 : i32, i32, i32
  }
  func.func @transform_8(%arg0: i32, %arg1: memref<40xi32, #tpu.memory_space<smem>>) -> (i32, i32) {
    %c0_i32 = arith.constant 0 : i32
    %c0_i32_0 = arith.constant 0 : i32
    return %arg0, %c0_i32 : i32, i32
  }
}

</mosaic_0001>

<sc_bundles>
// kernel: _mlpblock.10.cloned.1.call-start
scs
__scs_entry_jumppad:
0x0: {  	(pc) =	sbr.rel $0x88, $3  }
0x1: {  	(tag) =	ssettag $0x0;
	lr =	simm.s32 $0x1  }
0x2: {  	[smem:$0x3F99] =	sst lr;
	_ =	strace $0xD0000000  }
0x3: {  	_ = 	snop  }
0x4: {  	_ = 	snop  }
0x5: {  	_ = 	snop  }
0x6: {  	_ = 	snop  }
0x7: {  	_ = 	snop  }
__scs_overlays_trampoline_lowered:
0x8: {  	[smem:$0x3FA8] =	sst s0  }
0x9: {  	[smem:$0x3FA9] =	sst s1  }
0xa: {  	[smem:$0x3FAA] =	sst s2  }
0xb: {  	[smem:$0x3FAB] =	sst s3  }
0xc: {  	[smem:$0x3FAC] =	sst s4  }
0xd: {  	[smem:$0x3FAD] =	sst s5  }
0xe: {  	[smem:$0x3FAE] =	sst s6  }
0xf: {  	[smem:$0x3FAF] =	sst s7  }
0x10: {  	[smem:$0x3FB0] =	sst s8  }
0x11: {  	[smem:$0x3FB1] =	sst s9;
	s0 =	simm.s32 @!p0 $0x0  }
0x12: {  	s1 =	sld [smem:$0x3F97];
	s0 =	simm.s32 @p0 $0x1  }
0x13: {  	[smem:$0x3FB2] =	sst s0;
	s0 =	simm.s32 @!p1 $0x0  }
0x14: {  	s2 =	sld [smem:$0x3F96];
	s0 =	simm.s32 @p1 $0x1  }
0x15: {  	[smem:$0x3FB3] =	sst s0;
	s0 =	simm.s32 @!p2 $0x0  }
0x16: {  	s3 =	sld [smem:$0x3FDB];
	s0 =	simm.s32 @p2 $0x1  }
0x17: {  	s4 =	simm.s32 $0x1BF5;
	[smem:$0x3FB5] =	sst s0  }
0x18: {  	s0 =	sld [smem:$0x3F98];
	_ =	swait.ge [sflag:s4], $0x0  }
0x19: {  	s7 =	sld [smem:$0x3F99]  }
0x1a: {  	s8 =	sadd.s32 $0xFFFFE003, lr  }
0x1b: {  	s9 =	sadd.s32 $0xFFFFFEF7, lr;
	s5 =	simm.s32 $0xFFFFFFFF;
	p2 =	slt.u32 s8, $0xFFFFF086  }
0x1c: {  	p1 =	slt.u32 s9, $0xF7A;
	s5 =	simm.s32 @!p2 $0x0  }
0x1d: {  	s5 =	simm.s32 @p1 $0x1;
	p0 =	seq.s32 s7, s2  }
0x1e: {  	s7 =	smul.u32 @!p0 $0xF7A, s2;
	p2 =	seq.s32 @!p0 s5, $0x0  }
0x1f: {  	s9 =	smul.u32 $0xF7A, s1;
	s8 =	simm.s32 @!p0 $0x1BF5;
	p2 =	por !p2, p0  }
0x20: {  	[sflag:s8] =	ssyncset.s32 @!p0 $0xFFFFF086;
	s6 =	sadd.s32 @!p0 s3, s7;
	s7 =	simm.s32 @!p0 $0x108  }
0x21: {  	s3 =	sadd.s32 s3, s9;
	s6 =	sadd.s32 @!p0 $0x88, s6;
	s7 =	simm.s32 @p2 $0x1082  }
0x22: {  	[simem:s7], [sflag:s8] =	dma.local @!p0 [hbm:s6], $0xF7A  }
0x23: {  	s9 =	sor.u32 $0xD0000000, s2;
	s6 =	simm.s32 $0x108;
	_ =	swait.ge @!p0 [sflag:s8], $0x0  }
0x24: {  	s3 =	sadd.s32 $0x88, s3;
	s6 =	simm.s32 @!p1 $0x1082;
	[sflag:s4] =	ssyncset.s32 $0xFFFFF086  }
0x25: {  	[simem:s6], [sflag:s4] =	dma.local [hbm:s3], $0xF7A  }
0x26: {  	[smem:$0x3F99] =	sst s1;
	(tag) =	ssettag s2;
	_ =	strace s9  }
0x27: {  	s1 =	sld [smem:$0x3FA9]  }
0x28: {  	s2 =	sld [smem:$0x3FAA]  }
0x29: {  	s4 =	sld [smem:$0x3FAC]  }
0x2a: {  	p0 =	seq.s32 s5, $0x0;
	s5 =	sld [smem:$0x3FAD]  }
0x2b: {  	s6 =	sld [smem:$0x3FAE]  }
0x2c: {  	s7 =	sld [smem:$0x3FAF]  }
0x2d: {  	s3 =	simm.s32 $0x108;
	s8 =	sld [smem:$0x3FB0]  }
0x2e: {  	s3 =	simm.s32 @!p0 $0x1082;
	s9 =	sld [smem:$0x3FB1]  }
0x2f: {  	lr =	sadd.s32 s0, s3;
	s0 =	sld [smem:$0x3FA8]  }
0x30: {  	s3 =	sld [smem:$0x3FAB]  }
0x31: {  	[smem:$0x3FB4] =	sst s10  }
0x32: {  	s10 =	sld [smem:$0x3FB2];
	_ =	sdelay $0x3  }
0x33: {  	p0 =	seq.s32 s10, $0x1;
	s10 =	sld [smem:$0x3FB4];
	_ =	sdelay $0x3  }
0x34: {  	[smem:$0x3FB4] =	sst s10  }
0x35: {  	s10 =	sld [smem:$0x3FB3];
	_ =	sdelay $0x3  }
0x36: {  	p1 =	seq.s32 s10, $0x1;
	s10 =	sld [smem:$0x3FB4];
	_ =	sdelay $0x3  }
0x37: {  	[smem:$0x3FB4] =	sst s10  }
0x38: {  	s10 =	sld [smem:$0x3FB5]  }
0x39: {  	_ = 	snop;
	(pc) =	sbr.ind lr, $3  }
0x3a: {  	_ = 	snop  }
0x3b: {  	_ = 	snop  }
0x3c: {  	p2 =	seq.s32 s10, $0x1;
	s10 =	sld [smem:$0x3FB4]  }
0x3d: {  	_ =	shalt  }
0x3e: {  	_ =	shalt  }
0x3f: {  	_ =	shalt  }
0x40: {  	_ =	shalt  }
0x41: {  	_ =	shalt  }
0x42: {  	_ =	shalt  }
0x43: {  	_ =	shalt  }
0x44: {  	_ =	shalt  }
0x45: {  	_ =	shalt  }
0x46: {  	_ =	shalt  }
0x47: {  	_ =	shalt  }
0x48: {  	_ =	shalt  }
0x49: {  	_ =	shalt  }
0x4a: {  	_ =	shalt  }
0x4b: {  	_ =	shalt  }
0x4c: {  	_ =	shalt  }
0x4d: {  	_ =	shalt  }
0x4e: {  	_ =	shalt  }
0x4f: {  	_ =	shalt  }
0x50: {  	_ =	shalt  }
0x51: {  	_ =	shalt  }
0x52: {  	_ =	shalt  }
0x53: {  	_ =	shalt  }
0x54: {  	_ =	shalt  }
0x55: {  	_ =	shalt  }
0x56: {  	_ =	shalt  }
0x57: {  	_ =	shalt  }
0x58: {  	_ =	shalt  }
0x59: {  	_ =	shalt  }
0x5a: {  	_ =	shalt  }
0x5b: {  	_ =	shalt  }
0x5c: {  	_ =	shalt  }
0x5d: {  	_ =	shalt  }
0x5e: {  	_ =	shalt  }
0x5f: {  	_ =	shalt  }
0x60: {  	_ =	shalt  }
0x61: {  	_ =	shalt  }
0x62: {  	_ =	shalt  }
0x63: {  	_ =	shalt  }
0x64: {  	_ =	shalt  }
0x65: {  	_ =	shalt  }
0x66: {  	_ =	shalt  }
0x67: {  	_ =	shalt  }
0x68: {  	_ =	shalt  }
0x69: {  	_ =	shalt  }
0x6a: {  	_ =	shalt  }
0x6b: {  	_ =	shalt  }
0x6c: {  	_ =	shalt  }
0x6d: {  	_ =	shalt  }
0x6e: {  	_ =	shalt  }
0x6f: {  	_ =	shalt  }
0x70: {  	_ =	shalt  }
0x71: {  	_ =	shalt  }
0x72: {  	_ =	shalt  }
0x73: {  	_ =	shalt  }
0x74: {  	_ =	shalt  }
0x75: {  	_ =	shalt  }
0x76: {  	_ =	shalt  }
0x77: {  	_ =	shalt  }
0x78: {  	_ =	shalt  }
0x79: {  	_ =	shalt  }
0x7a: {  	_ =	shalt  }
0x7b: {  	_ =	shalt  }
0x7c: {  	_ =	shalt  }
0x7d: {  	_ =	shalt  }
0x7e: {  	_ =	shalt  }
0x7f: {  	_ =	shalt  }
0x80: {  	_ =	shalt  }
0x81: {  	_ =	shalt  }
0x82: {  	_ =	shalt  }
0x83: {  	_ =	shalt  }
0x84: {  	_ =	shalt  }
0x85: {  	_ =	shalt  }
0x86: {  	_ =	shalt  }
0x87: {  	_ =	shalt  }
.Lfunc_end0:
.L_simem_size_0:
called_computation.4_lowered:
.L_overlay_start_0:
0x88: {  	s2 =	sld [smem:$0x3FD9]  }
0x89: {  	s3 =	sld [smem:$0x3FFE];
	_ =	sdelay $0x1  }
0x8a: {  	s1 =	srdreg.scid  }
0x8b: {  	s0 =	sand.u32 $0x1, s1  }
0x8c: {  	s17 =	sshll.u32 s0, $0xA;
	s2 =	sadd.s32 s3, s2  }
0x8d: {  	s2 =	sadd.s32 s2, s17  }
0x8e: {  	[smem:$0x3FC0] =	sst s2  }
0x8f: {  	_ = 	snop  }
0x90: {  	s18 =	sld [smem:$0x3FD0];
	(tm) =	ssettm $0x1  }
0x91: {  	s19 =	sld [smem:$0x3FFB];
	_ =	sdelay $0x3  }
0x92: {  	_ =	strace s19  }
0x93: {  	s2 =	sld [smem:$0x3FFC];
	_ =	sdelay $0x3  }
0x94: {  	_ =	strace s2  }
0x95: {  	s2 =	sld [smem:$0x3FFD];
	_ =	sdelay $0x3  }
0x96: {  	_ =	strace s2  }
0x97: {  	_ =	strace $0x8FFFFFFF  }
0x98: {  	s20 =	sld [smem:$0x3FDB];
	_ =	sdelay $0x1  }
0x99: {  	s4 =	simm.s32 $_scs_section_size  }
0x9a: {  	s5 =	simm.s32 $_size__tile_overlayer_lowered;
	s6 =	simm.s32 $_tile_overlayer_lowered  }
0x9b: {  	s7 =	simm.s32 $0x1BFF;
	s21 =	sshll.u32 s6, $0x1;
	s4 =	sadd.s32 s4, s20  }
0x9c: {  	s22 =	simm.s32 $0x0;
	s5 =	sshll.u32 s5, $0x1;
	s6 =	sadd.s32 s21, s4  }
0x9d: {  	[timem:s22], [sflag:s7] =	dma.local [hbm:s6], s5  }
0x9e: {  	_ =	swait.ge [sflag:s7], s5  }
0x9f: {  	s5 =	ssub.s32 $0x0, s5;
	[sflag:s7] =	ssyncset.done $0x0  }
0xa0: {  	[sflag:s7] =	ssyncadd.s32 s5;
	_ =	sdelay $0x1  }
0xa1: {  	s23 =	simm.s32 $0x1B8B  }
0xa2: {  	_ =	swait.ge [sflag:s23], $0x1  }
0xa3: {  	[sflag:s23] =	ssyncset.done $0x0  }
0xa4: {  	[sflag:s23] =	ssyncadd.s32 $0xFFFFFFFF  }
0xa5: {  	s5 =	sld [smem:$0x0]  }
0xa6: {  	s6 =	sand.u32 $0xFFFFFFFE, s1  }
0xa7: {  	p0 =	sne.s32 s1, s6  }
0xa8: {  	s6 =	sshll.u32 @p0 s6, $0xE  }
0xa9: {  	s6 =	sadd.s32 @p0 $0x11B8D, s6;
	s7 =	sshll.u32 @p0 s5, $0x11  }
0xaa: {  	s6 =	sor.u32 @p0 s7, s6  }
0xab: {  	[sflag:s6] =	ssyncadd.remote.s32 @p0 $0x1;
	_ =	sdelay $0x1  }
0xac: {  	s6 =	simm.s32 @p0 $0x1B8D  }
0xad: {  	_ =	swait.eq @p0 [sflag:s6], $0x1  }
0xae: {  	[sflag:s6] =	ssyncadd.s32 @p0 $0xFFFFFFFF  }
0xaf: {  	s7 =	sshll.u32 @!p0 s1, $0xE  }
0xb0: {  	s7 =	sor.u32 @!p0 $0x4000, s7;
	s6 =	simm.s32 @!p0 $0x1B8D  }
0xb1: {  	s5 =	sshll.u32 @!p0 s5, $0x11;
	s7 =	sadd.s32 @!p0 $0x11B8D, s7;
	_ =	swait.eq @!p0 [sflag:s6], $0x1  }
0xb2: {  	s5 =	sor.u32 @!p0 s5, s7;
	[sflag:s6] =	ssyncadd.s32 @!p0 $0xFFFFFFFF  }
0xb3: {  	s25 =	simm.s32 $0x1B8E;
	s24 =	sld [smem:$0x3FFE];
	[sflag:s5] =	ssyncadd.remote.s32 @!p0 $0x1  }
0xb4: {  	s26 =	simm.s32 $execute0_lowered;
	[smem:$0x3FD2] =	sst s25  }
0xb5: {  	s6 =	sshll.u32 s26, $0x1;
	_ =	strace $0x8000004C;
	[dreg:$0x1] =	wrdreg $0xFFFFFFFF  }
0xb6: {  	s28 =	simm.s32 $_size_execute0_lowered;
	s4 =	sadd.s32 s4, s6;
	[dreg:$0x0] =	wrdreg $0x0  }
0xb7: {  	s6 =	sshll.u32 s28, $0x1;
	[dreg:$0x2] =	wrdreg s4  }
0xb8: {  	[dreg:$0x3] =	wrdreg s6  }
0xb9: {  	[dreg:$0x4] =	wrdreg $0xC0  }
0xba: {  	_ =	task [dreg:s22], $0x5FFFF  }
0xbb: {  	[dreg:$0x1] =	wrdreg $0xFFFFFFFF  }
0xbc: {  	[dreg:$0x0] =	wrdreg $0x60  }
0xbd: {  	[dreg:$0x2] =	wrdreg s24  }
0xbe: {  	[dreg:$0x3] =	wrdreg s18  }
0xbf: {  	[dreg:$0x4] =	wrdreg $0xA  }
0xc0: {  	_ =	task.clear_ibuf [dreg:s22], $0x5FFFF;
	_ =	strace $0x9000004C  }
0xc1: {  	s29 =	simm.s32 $0xA;
	_ =	strace $0x8000004E  }
0xc2: {  	_ =	swait.ge [sflag:s29], $0x1  }
0xc3: {  	[sflag:s29] =	ssyncadd.s32 $0xFFFFFFFF  }
0xc4: {  	_ =	strace $0x9000004E  }
0xc5: {  	_ =	sfence  }
0xc6: {  	s30 =	sld [smem:$0x0];
	_ =	sdelay $0x2  }
0xc7: {  	s31 =	sshll.u32 s1, $0xD;
	s1 =	sshrl.u32 s1, $0x2  }
0xc8: {  	s4 =	sand.u32 $0x4000, s31;
	s1 =	sadd.s32 s1, s30  }
0xc9: {  	s0 =	sor.u32 s4, s0;
	s1 =	sshll.u32 s1, $0x11  }
0xca: {  	s0 =	sor.u32 s1, s0  }
0xcb: {  	s0 =	sadd.s32 $0x8F2B, s0  }
0xcc: {  	[sflag:s0] =	ssyncadd.remote.s32 $0x1  }
0xcd: {  	_ =	sfence.sel $0xFFFF  }
0xce: {  	[dreg:$0x0] =	wrdreg $0xFFFFFFFF;
	(pc) =	sbr.abs _section_cstart, $3  }
0xcf: {  	[dreg:$0x1] =	wrdreg $0xFFFFFFFF  }
0xd0: {  	_ =	task.clear_ibuf [dreg:s22], $0x2FFFF;
	_ =	strace $0x9FFFFFFF  }
0xd1: {  	(tm) =	ssettm $0x7FFFFFFF  }
tec
execute0_lowered:
.L_overlay_start_1:
0x0: {  	(tag) =	ssettag $0x1  }
0x1: {  	s0 =	rddreg [dreg:$0x0]  }
0x2: {  	s1 =	rddreg [dreg:$0x1];
	s2 =	srdreg.scid;
	s3 =	simm.s32 $0x0  }
0x3: {  	s6 =	stileid.u32;
	s9 =	simm.s32 $0x1;
	s28 =	simm.s32 $0x3  }
0x4: {  	s29 =	simm.s32 $0x2;
	s30 =	simm.s32 $0x200;
	s10 =	simm.s32 $0x1A00  }
0x5: {  	s11 =	simm.s32 $0x2200;
	s12 =	simm.s32 $0x2A00;
	s13 =	simm.s32 $0x3200  }
0x6: {  	s14 =	simm.s32 $0x3A00;
	s15 =	simm.s32 $0x4200;
	s16 =	simm.s32 $0x4A00  }
0x7: {  	s17 =	simm.s32 $0x5200;
	s18 =	simm.s32 $0x5A00;
	s19 =	simm.s32 $0x6200  }
0x8: {  	s20 =	simm.s32 $0x6A00;
	s21 =	simm.s32 $0x7200;
	s22 =	simm.s32 $0x7A00  }
0x9: {  	s23 =	simm.s32 $0x8200;
	s8 =	simm.s32 $0x9A00;
	s2 =	sand.u32 $0x1, s2  }
0xa: {  	[smem:$0x7FF] =	sst s3;
	s5 =	sshll.u32 s6, $0x6;
	s4 =	sshll.u32 s2, $0x4  }
0xb: {  	_ =	strace $0x8000004D;
	s5 =	sand.u32 $0x40, s5;
	s2 =	ssub.s32 $0x2, s2  }
0xc: {  	s4 =	sor.u32 s6, s4;
	s5 =	sadd.s32 s5, s0;
	s0 =	sadd.s32 $0x20C200, s0  }
0xd: {  	s25 =	sshrl.u32 s2, $0x1;
	s6 =	sshll.u32 s4, $0x6;
	s7 =	smul.u32 $0x28000, s4  }
0xe: {  	s4 =	smul.u32 $0x5000, s4;
	s2 =	ssub.s32 s2, s25;
	s6 =	sand.u32 $0x780, s6  }
0xf: {  	s25 =	simm.s32 $0x9200;
	s5 =	sadd.s32 s6, s5;
	s24 =	sshrl.u32 s7, $0x3  }
0x10: {  	s4 =	sadd.s32 s0, s4;
	s6 =	sadd.s32 $0x300, s1;
	s7 =	smax.u32 s2, $0x1  }
0x11: {  	s5 =	sadd.s32 $0x20BA00, s5;
	s0 =	sadd.s32 s0, s24;
	[dreg:$0x4] =	wrdreg s4  }
0x12: {  	s2 =	simm.s32 $0x1200;
	[dreg:$0x3] =	wrdreg s5;
	s26 =	sadd.s32 $0x1400, s0  }
0x13: {  	v2 =	vlaneseq.u32;
	s4 =	sadd.s32 $0x100, s1;
	s31 =	sadd.s32 $0x2800, s0;
	[dreg:$0x5] =	wrdreg s26  }
0x14: {  	vm0 =	vmmov $0xffff;
	v1 =	vshrl.u32 v2, $0x3;
	s24 =	simm.s32 $0x8A00;
	s0 =	sadd.s32 $0x3C00, s0;
	[dreg:$0x6] =	wrdreg s31  }
0x15: {  	v0 =	vand.u32 $0x7, v2;
	v2 =	vor.u32 $0x8, v2;
	v1 =	vmul.u32 $0x8, v1;
	s5 =	sadd.s32 $0x200, s1;
	[dreg:$0x7] =	wrdreg s0;
	s26 =	simm.s32 $0xA200  }
.LBB2_1:
0x16: {  	s31 =	rddreg [dreg:$0x3];
	s0 =	simm.s32 $0x4  }
0x17: {  	[tilespmem:s3], [sflag:$0x4] =	stream.linear.gather [hbm4b:s31+s3], $0x200, $0x38;
	[tilespmem:$0x14200] =	vst v63  }
0x18: {  	_ =	swait.ge [sflag:s0], $0x200  }
0x19: {  	[sflag:s0] =	ssyncset.done $0x0  }
0x1a: {  	[sflag:s0] =	ssyncadd.s32 $0xFFFFFE00  }
0x1b: {  	v3 =	vld [tilespmem:$0x0];
	_ =	sdelay $0x4  }
0x1c: {  	v4 =	vshll.u32 v3, $0x3  }
0x1d: {  	v3 =	vand.u32 $0x7, v3;
	v4 =	vand.u32 $0xFFFFFFC0, v4  }
0x1e: {  	v3 =	vor.u32 v3, v4  }
0x1f: {  	v4 =	vperm.xlane v3, v0;
	_ =	sdelay $0x1  }
0x20: {  	v4 =	vadd.s32 v1, v4;
	_ =	sdelay $0x4  }
0x21: {  	[tilespmem:s30], [sflag:$0x1] =	stream.indirect_vreg.gather [hbm4b:s1+s3], $0x80, v4, vm0, $0xb8;
	[tilespmem:$0x14200] =	vst v63  }
0x22: {  	s0 =	simm.s32 $0xA00;
	v3 =	vperm.xlane v3, v2  }
0x23: {  	[tilespmem:s0], [sflag:$0x1] =	stream.indirect_vreg.gather [hbm4b:s4+s3], $0x80, v4, vm0, $0xb8;
	[tilespmem:$0x14200] =	vst v63  }
0x24: {  	v3 =	vadd.s32 v1, v3  }
0x25: {  	[tilespmem:s2], [sflag:$0x1] =	stream.indirect_vreg.gather [hbm4b:s5+s3], $0x80, v4, vm0, $0xb8;
	[tilespmem:$0x14200] =	vst v63  }
0x26: {  	_ = 	snop  }
0x27: {  	[tilespmem:s10], [sflag:$0x1] =	stream.indirect_vreg.gather [hbm4b:s6+s3], $0x80, v4, vm0, $0xb8;
	[tilespmem:$0x14200] =	vst v63  }
0x28: {  	_ = 	snop  }
0x29: {  	[tilespmem:s11], [sflag:$0x1] =	stream.indirect_vreg.gather [hbm4b:s1+s3], $0x80, v3, vm0, $0xb8;
	[tilespmem:$0x14200] =	vst v63  }
0x2a: {  	_ = 	snop  }
0x2b: {  	[tilespmem:s12], [sflag:$0x1] =	stream.indirect_vreg.gather [hbm4b:s4+s3], $0x80, v3, vm0, $0xb8;
	[tilespmem:$0x14200] =	vst v63  }
0x2c: {  	_ = 	snop  }
0x2d: {  	[tilespmem:s13], [sflag:$0x1] =	stream.indirect_vreg.gather [hbm4b:s5+s3], $0x80, v3, vm0, $0xb8;
	[tilespmem:$0x14200] =	vst v63  }
0x2e: {  	_ = 	snop  }
0x2f: {  	[tilespmem:s14], [sflag:$0x1] =	stream.indirect_vreg.gather [hbm4b:s6+s3], $0x80, v3, vm0, $0xb8;
	[tilespmem:$0x14200] =	vst v63  }
0x30: {  	v3 =	vld [tilespmem:$0x10];
	_ =	sdelay $0x4  }
0x31: {  	v53 =	vshll.u32 v3, $0x3  }
0x32: {  	v3 =	vand.u32 $0x7, v3;
	v4 =	vand.u32 $0xFFFFFFC0, v53  }
0x33: {  	v3 =	vor.u32 v3, v4  }
0x34: {  	v4 =	vperm.xlane v3, v0;
	_ =	sdelay $0x1  }
0x35: {  	v4 =	vadd.s32 v1, v4;
	_ =	sdelay $0x4  }
0x36: {  	[tilespmem:s15], [sflag:$0x1] =	stream.indirect_vreg.gather [hbm4b:s1+s3], $0x80, v4, vm0, $0xb8;
	[tilespmem:$0x14200] =	vst v63  }
0x37: {  	v3 =	vperm.xlane v3, v2  }
0x38: {  	[tilespmem:s16], [sflag:$0x1] =	stream.indirect_vreg.gather [hbm4b:s4+s3], $0x80, v4, vm0, $0xb8;
	[tilespmem:$0x14200] =	vst v63  }
0x39: {  	v3 =	vadd.s32 v1, v3  }
0x3a: {  	[tilespmem:s17], [sflag:$0x1] =	stream.indirect_vreg.gather [hbm4b:s5+s3], $0x80, v4, vm0, $0xb8;
	[tilespmem:$0x14200] =	vst v63  }
0x3b: {  	_ = 	snop  }
0x3c: {  	[tilespmem:s18], [sflag:$0x1] =	stream.indirect_vreg.gather [hbm4b:s6+s3], $0x80, v4, vm0, $0xb8;
	[tilespmem:$0x14200] =	vst v63  }
0x3d: {  	_ = 	snop  }
0x3e: {  	[tilespmem:s19], [sflag:$0x1] =	stream.indirect_vreg.gather [hbm4b:s1+s3], $0x80, v3, vm0, $0xb8;
	[tilespmem:$0x14200] =	vst v63  }
0x3f: {  	_ = 	snop  }
0x40: {  	[tilespmem:s20], [sflag:$0x1] =	stream.indirect_vreg.gather [hbm4b:s4+s3], $0x80, v3, vm0, $0xb8;
	[tilespmem:$0x14200] =	vst v63  }
0x41: {  	_ = 	snop  }
0x42: {  	[tilespmem:s21], [sflag:$0x1] =	stream.indirect_vreg.gather [hbm4b:s5+s3], $0x80, v3, vm0, $0xb8;
	[tilespmem:$0x14200] =	vst v63  }
0x43: {  	_ = 	snop  }
0x44: {  	[tilespmem:s22], [sflag:$0x1] =	stream.indirect_vreg.gather [hbm4b:s6+s3], $0x80, v3, vm0, $0xb8;
	[tilespmem:$0x14200] =	vst v63  }
0x45: {  	v3 =	vld.msk [tilespmem:$0x20], $0xff;
	_ =	sdelay $0x4  }
0x46: {  	v54 =	vshll.u32 v3, $0x3  }
0x47: {  	v3 =	vand.u32 $0x7, v3;
	v4 =	vand.u32 $0xFFFFFFC0, v54  }
0x48: {  	v3 =	vor.u32 v3, v4  }
0x49: {  	v3 =	vperm.xlane v3, v0;
	_ =	sdelay $0x1  }
0x4a: {  	v3 =	vadd.s32 v1, v3;
	_ =	sdelay $0x4  }
0x4b: {  	[tilespmem:s23], [sflag:$0x1] =	stream.indirect_vreg.gather [hbm4b:s1+s3], $0x80, v3, vm0, $0xb8;
	[tilespmem:$0x14200] =	vst v63  }
0x4c: {  	_ = 	snop  }
0x4d: {  	[tilespmem:s24], [sflag:$0x1] =	stream.indirect_vreg.gather [hbm4b:s4+s3], $0x80, v3, vm0, $0xb8;
	[tilespmem:$0x14200] =	vst v63  }
0x4e: {  	_ = 	snop  }
0x4f: {  	[tilespmem:s25], [sflag:$0x1] =	stream.indirect_vreg.gather [hbm4b:s5+s3], $0x80, v3, vm0, $0xb8;
	[tilespmem:$0x14200] =	vst v63  }
0x50: {  	_ = 	snop  }
0x51: {  	[tilespmem:s8], [sflag:$0x1] =	stream.indirect_vreg.gather [hbm4b:s6+s3], $0x80, v3, vm0, $0xb8;
	[tilespmem:$0x14200] =	vst v63  }
0x52: {  	v3 =	vld [tilespmem:$0x80];
	_ =	sdelay $0x4  }
0x53: {  	v55 =	vshll.u32 v3, $0x3  }
0x54: {  	v3 =	vand.u32 $0x7, v3;
	v4 =	vand.u32 $0xFFFFFFC0, v55  }
0x55: {  	v3 =	vor.u32 v3, v4  }
0x56: {  	v4 =	vperm.xlane v3, v0;
	_ =	sdelay $0x1  }
0x57: {  	v4 =	vadd.s32 v1, v4;
	_ =	sdelay $0x4  }
0x58: {  	[tilespmem:s26], [sflag:$0x2] =	stream.indirect_vreg.gather [hbm4b:s1+s3], $0x80, v4, vm0, $0xb8;
	[tilespmem:$0x14200] =	vst v63  }
0x59: {  	s31 =	simm.s32 $0xAA00;
	v3 =	vperm.xlane v3, v2  }
0x5a: {  	[tilespmem:s31], [sflag:$0x2] =	stream.indirect_vreg.gather [hbm4b:s4+s3], $0x80, v4, vm0, $0xb8;
	[tilespmem:$0x14200] =	vst v63  }
0x5b: {  	v3 =	vadd.s32 v1, v3;
	s31 =	simm.s32 $0xB200  }
0x5c: {  	[tilespmem:s31], [sflag:$0x2] =	stream.indirect_vreg.gather [hbm4b:s5+s3], $0x80, v4, vm0, $0xb8;
	[tilespmem:$0x14200] =	vst v63  }
0x5d: {  	s31 =	simm.s32 $0xBA00  }
0x5e: {  	[tilespmem:s31], [sflag:$0x2] =	stream.indirect_vreg.gather [hbm4b:s6+s3], $0x80, v4, vm0, $0xb8;
	[tilespmem:$0x14200] =	vst v63  }
0x5f: {  	s31 =	simm.s32 $0xC200  }
0x60: {  	[tilespmem:s31], [sflag:$0x2] =	stream.indirect_vreg.gather [hbm4b:s1+s3], $0x80, v3, vm0, $0xb8;
	[tilespmem:$0x14200] =	vst v63  }
0x61: {  	s31 =	simm.s32 $0xCA00  }
0x62: {  	[tilespmem:s31], [sflag:$0x2] =	stream.indirect_vreg.gather [hbm4b:s4+s3], $0x80, v3, vm0, $0xb8;
	[tilespmem:$0x14200] =	vst v63  }
0x63: {  	s31 =	simm.s32 $0xD200  }
0x64: {  	[tilespmem:s31], [sflag:$0x2] =	stream.indirect_vreg.gather [hbm4b:s5+s3], $0x80, v3, vm0, $0xb8;
	[tilespmem:$0x14200] =	vst v63  }
0x65: {  	s31 =	simm.s32 $0xDA00  }
0x66: {  	[tilespmem:s31], [sflag:$0x2] =	stream.indirect_vreg.gather [hbm4b:s6+s3], $0x80, v3, vm0, $0xb8;
	[tilespmem:$0x14200] =	vst v63  }
0x67: {  	v3 =	vld [tilespmem:$0x90];
	_ =	sdelay $0x4  }
0x68: {  	v56 =	vshll.u32 v3, $0x3  }
0x69: {  	v3 =	vand.u32 $0x7, v3;
	v4 =	vand.u32 $0xFFFFFFC0, v56  }
0x6a: {  	v3 =	vor.u32 v3, v4  }
0x6b: {  	v4 =	vperm.xlane v3, v0;
	_ =	sdelay $0x1  }
0x6c: {  	v4 =	vadd.s32 v1, v4;
	_ =	sdelay $0x3  }
0x6d: {  	s31 =	simm.s32 $0xE200  }
0x6e: {  	[tilespmem:s31], [sflag:$0x2] =	stream.indirect_vreg.gather [hbm4b:s1+s3], $0x80, v4, vm0, $0xb8;
	[tilespmem:$0x14200] =	vst v63  }
0x6f: {  	v3 =	vperm.xlane v3, v2;
	s31 =	simm.s32 $0xEA00  }
0x70: {  	[tilespmem:s31], [sflag:$0x2] =	stream.indirect_vreg.gather [hbm4b:s4+s3], $0x80, v4, vm0, $0xb8;
	[tilespmem:$0x14200] =	vst v63  }
0x71: {  	v3 =	vadd.s32 v1, v3;
	s31 =	simm.s32 $0xF200  }
0x72: {  	[tilespmem:s31], [sflag:$0x2] =	stream.indirect_vreg.gather [hbm4b:s5+s3], $0x80, v4, vm0, $0xb8;
	[tilespmem:$0x14200] =	vst v63  }
0x73: {  	s31 =	simm.s32 $0xFA00  }
0x74: {  	[tilespmem:s31], [sflag:$0x2] =	stream.indirect_vreg.gather [hbm4b:s6+s3], $0x80, v4, vm0, $0xb8;
	[tilespmem:$0x14200] =	vst v63  }
0x75: {  	s31 =	simm.s32 $0x10200  }
0x76: {  	[tilespmem:s31], [sflag:$0x2] =	stream.indirect_vreg.gather [hbm4b:s1+s3], $0x80, v3, vm0, $0xb8;
	[tilespmem:$0x14200] =	vst v63  }
0x77: {  	s31 =	simm.s32 $0x10A00  }
0x78: {  	[tilespmem:s31], [sflag:$0x2] =	stream.indirect_vreg.gather [hbm4b:s4+s3], $0x80, v3, vm0, $0xb8;
	[tilespmem:$0x14200] =	vst v63  }
0x79: {  	s31 =	simm.s32 $0x11200  }
0x7a: {  	[tilespmem:s31], [sflag:$0x2] =	stream.indirect_vreg.gather [hbm4b:s5+s3], $0x80, v3, vm0, $0xb8;
	[tilespmem:$0x14200] =	vst v63  }
0x7b: {  	s31 =	simm.s32 $0x11A00  }
0x7c: {  	[tilespmem:s31], [sflag:$0x2] =	stream.indirect_vreg.gather [hbm4b:s6+s3], $0x80, v3, vm0, $0xb8;
	[tilespmem:$0x14200] =	vst v63  }
0x7d: {  	v3 =	vld.msk [tilespmem:$0xA0], $0xff;
	_ =	sdelay $0x4  }
0x7e: {  	v57 =	vshll.u32 v3, $0x3  }
0x7f: {  	v3 =	vand.u32 $0x7, v3;
	v4 =	vand.u32 $0xFFFFFFC0, v57  }
0x80: {  	v3 =	vor.u32 v3, v4  }
0x81: {  	v3 =	vperm.xlane v3, v0;
	_ =	sdelay $0x1  }
0x82: {  	v3 =	vadd.s32 v1, v3;
	_ =	sdelay $0x3  }
0x83: {  	s31 =	simm.s32 $0x12200  }
0x84: {  	[tilespmem:s31], [sflag:$0x2] =	stream.indirect_vreg.gather [hbm4b:s1+s3], $0x80, v3, vm0, $0xb8;
	[tilespmem:$0x14200] =	vst v63  }
0x85: {  	s31 =	simm.s32 $0x12A00  }
0x86: {  	[tilespmem:s31], [sflag:$0x2] =	stream.indirect_vreg.gather [hbm4b:s4+s3], $0x80, v3, vm0, $0xb8;
	[tilespmem:$0x14200] =	vst v63  }
0x87: {  	s31 =	simm.s32 $0x13200  }
0x88: {  	[tilespmem:s31], [sflag:$0x2] =	stream.indirect_vreg.gather [hbm4b:s5+s3], $0x80, v3, vm0, $0xb8;
	[tilespmem:$0x14200] =	vst v63  }
0x89: {  	s31 =	simm.s32 $0x13A00  }
0x8a: {  	[tilespmem:s31], [sflag:$0x2] =	stream.indirect_vreg.gather [hbm4b:s6+s3], $0x80, v3, vm0, $0xb8;
	[tilespmem:$0x14200] =	vst v63  }
0x8b: {  	_ =	swait.ge [sflag:s9], $0xA000  }
0x8c: {  	[sflag:s9] =	ssyncset.done $0x0  }
0x8d: {  	s31 =	rddreg [dreg:$0x4];
	[sflag:s9] =	ssyncadd.s32 $0xFFFF6000  }
0x8e: {  	[hbm4b:s31+s3] =	stream.linear.scatter [tilespmem:s30], [sflag:$0x3], $0xA000, $0x38;
	[tilespmem:$0x14200] =	vst v63  }
0x8f: {  	_ =	swait.ge [sflag:s28], $0xA000  }
0x90: {  	[sflag:s28] =	ssyncset.done $0x0  }
0x91: {  	[sflag:s28] =	ssyncadd.s32 $0xFFFF6000  }
0x92: {  	v3 =	vld [tilespmem:$0x100];
	_ =	sdelay $0x4  }
0x93: {  	v58 =	vshll.u32 v3, $0x3  }
0x94: {  	v3 =	vand.u32 $0x7, v3;
	v4 =	vand.u32 $0xFFFFFFC0, v58  }
0x95: {  	v3 =	vor.u32 v3, v4  }
0x96: {  	v4 =	vperm.xlane v3, v0;
	_ =	sdelay $0x1  }
0x97: {  	v4 =	vadd.s32 v1, v4;
	_ =	sdelay $0x4  }
0x98: {  	[tilespmem:s30], [sflag:$0x1] =	stream.indirect_vreg.gather [hbm4b:s1+s3], $0x80, v4, vm0, $0xb8;
	[tilespmem:$0x14200] =	vst v63  }
0x99: {  	v3 =	vperm.xlane v3, v2  }
0x9a: {  	[tilespmem:s0], [sflag:$0x1] =	stream.indirect_vreg.gather [hbm4b:s4+s3], $0x80, v4, vm0, $0xb8;
	[tilespmem:$0x14200] =	vst v63  }
0x9b: {  	v3 =	vadd.s32 v1, v3  }
0x9c: {  	[tilespmem:s2], [sflag:$0x1] =	stream.indirect_vreg.gather [hbm4b:s5+s3], $0x80, v4, vm0, $0xb8;
	[tilespmem:$0x14200] =	vst v63  }
0x9d: {  	_ = 	snop  }
0x9e: {  	[tilespmem:s10], [sflag:$0x1] =	stream.indirect_vreg.gather [hbm4b:s6+s3], $0x80, v4, vm0, $0xb8;
	[tilespmem:$0x14200] =	vst v63  }
0x9f: {  	_ = 	snop  }
0xa0: {  	[tilespmem:s11], [sflag:$0x1] =	stream.indirect_vreg.gather [hbm4b:s1+s3], $0x80, v3, vm0, $0xb8;
	[tilespmem:$0x14200] =	vst v63  }
0xa1: {  	_ = 	snop  }
0xa2: {  	[tilespmem:s12], [sflag:$0x1] =	stream.indirect_vreg.gather [hbm4b:s4+s3], $0x80, v3, vm0, $0xb8;
	[tilespmem:$0x14200] =	vst v63  }
0xa3: {  	_ = 	snop  }
0xa4: {  	[tilespmem:s13], [sflag:$0x1] =	stream.indirect_vreg.gather [hbm4b:s5+s3], $0x80, v3, vm0, $0xb8;
	[tilespmem:$0x14200] =	vst v63  }
0xa5: {  	_ = 	snop  }
0xa6: {  	[tilespmem:s14], [sflag:$0x1] =	stream.indirect_vreg.gather [hbm4b:s6+s3], $0x80, v3, vm0, $0xb8;
	[tilespmem:$0x14200] =	vst v63  }
0xa7: {  	v3 =	vld [tilespmem:$0x110];
	_ =	sdelay $0x4  }
0xa8: {  	v59 =	vshll.u32 v3, $0x3  }
0xa9: {  	v3 =	vand.u32 $0x7, v3;
	v4 =	vand.u32 $0xFFFFFFC0, v59  }
0xaa: {  	v3 =	vor.u32 v3, v4  }
0xab: {  	v4 =	vperm.xlane v3, v0;
	_ =	sdelay $0x1  }
0xac: {  	v4 =	vadd.s32 v1, v4;
	_ =	sdelay $0x4  }
0xad: {  	[tilespmem:s15], [sflag:$0x1] =	stream.indirect_vreg.gather [hbm4b:s1+s3], $0x80, v4, vm0, $0xb8;
	[tilespmem:$0x14200] =	vst v63  }
0xae: {  	v3 =	vperm.xlane v3, v2  }
0xaf: {  	[tilespmem:s16], [sflag:$0x1] =	stream.indirect_vreg.gather [hbm4b:s4+s3], $0x80, v4, vm0, $0xb8;
	[tilespmem:$0x14200] =	vst v63  }
0xb0: {  	v3 =	vadd.s32 v1, v3  }
0xb1: {  	[tilespmem:s17], [sflag:$0x1] =	stream.indirect_vreg.gather [hbm4b:s5+s3], $0x80, v4, vm0, $0xb8;
	[tilespmem:$0x14200] =	vst v63  }
0xb2: {  	_ = 	snop  }
0xb3: {  	[tilespmem:s18], [sflag:$0x1] =	stream.indirect_vreg.gather [hbm4b:s6+s3], $0x80, v4, vm0, $0xb8;
	[tilespmem:$0x14200] =	vst v63  }
0xb4: {  	_ = 	snop  }
0xb5: {  	[tilespmem:s19], [sflag:$0x1] =	stream.indirect_vreg.gather [hbm4b:s1+s3], $0x80, v3, vm0, $0xb8;
	[tilespmem:$0x14200] =	vst v63  }
0xb6: {  	_ = 	snop  }
0xb7: {  	[tilespmem:s20], [sflag:$0x1] =	stream.indirect_vreg.gather [hbm4b:s4+s3], $0x80, v3, vm0, $0xb8;
	[tilespmem:$0x14200] =	vst v63  }
0xb8: {  	_ = 	snop  }
0xb9: {  	[tilespmem:s21], [sflag:$0x1] =	stream.indirect_vreg.gather [hbm4b:s5+s3], $0x80, v3, vm0, $0xb8;
	[tilespmem:$0x14200] =	vst v63  }
0xba: {  	_ = 	snop  }
0xbb: {  	[tilespmem:s22], [sflag:$0x1] =	stream.indirect_vreg.gather [hbm4b:s6+s3], $0x80, v3, vm0, $0xb8;
	[tilespmem:$0x14200] =	vst v63  }
0xbc: {  	v3 =	vld.msk [tilespmem:$0x120], $0xff;
	_ =	sdelay $0x4  }
0xbd: {  	v60 =	vshll.u32 v3, $0x3  }
0xbe: {  	v3 =	vand.u32 $0x7, v3;
	v4 =	vand.u32 $0xFFFFFFC0, v60  }
0xbf: {  	v3 =	vor.u32 v3, v4  }
0xc0: {  	v3 =	vperm.xlane v3, v0;
	_ =	sdelay $0x1  }
0xc1: {  	v3 =	vadd.s32 v1, v3;
	_ =	sdelay $0x4  }
0xc2: {  	[tilespmem:s23], [sflag:$0x1] =	stream.indirect_vreg.gather [hbm4b:s1+s3], $0x80, v3, vm0, $0xb8;
	[tilespmem:$0x14200] =	vst v63  }
0xc3: {  	_ = 	snop  }
0xc4: {  	[tilespmem:s24], [sflag:$0x1] =	stream.indirect_vreg.gather [hbm4b:s4+s3], $0x80, v3, vm0, $0xb8;
	[tilespmem:$0x14200] =	vst v63  }
0xc5: {  	_ = 	snop  }
0xc6: {  	[tilespmem:s25], [sflag:$0x1] =	stream.indirect_vreg.gather [hbm4b:s5+s3], $0x80, v3, vm0, $0xb8;
	[tilespmem:$0x14200] =	vst v63  }
0xc7: {  	_ = 	snop  }
0xc8: {  	[tilespmem:s8], [sflag:$0x1] =	stream.indirect_vreg.gather [hbm4b:s6+s3], $0x80, v3, vm0, $0xb8;
	[tilespmem:$0x14200] =	vst v63  }
0xc9: {  	_ =	swait.ge [sflag:s29], $0xA000  }
0xca: {  	[sflag:s29] =	ssyncset.done $0x0  }
0xcb: {  	s0 =	rddreg [dreg:$0x5];
	[sflag:s29] =	ssyncadd.s32 $0xFFFF6000  }
0xcc: {  	[hbm4b:s0+s3] =	stream.linear.scatter [tilespmem:s26], [sflag:$0x3], $0xA000, $0x38;
	[tilespmem:$0x14200] =	vst v63  }
0xcd: {  	_ =	swait.ge [sflag:s28], $0xA000  }
0xce: {  	[sflag:s28] =	ssyncset.done $0x0  }
0xcf: {  	[sflag:s28] =	ssyncadd.s32 $0xFFFF6000  }
0xd0: {  	v3 =	vld [tilespmem:$0x180];
	_ =	sdelay $0x4  }
0xd1: {  	v61 =	vshll.u32 v3, $0x3  }
0xd2: {  	v3 =	vand.u32 $0x7, v3;
	v4 =	vand.u32 $0xFFFFFFC0, v61  }
0xd3: {  	v3 =	vor.u32 v3, v4  }
0xd4: {  	v4 =	vperm.xlane v3, v0;
	_ =	sdelay $0x1  }
0xd5: {  	v4 =	vadd.s32 v1, v4;
	_ =	sdelay $0x4  }
0xd6: {  	[tilespmem:s26], [sflag:$0x2] =	stream.indirect_vreg.gather [hbm4b:s1+s3], $0x80, v4, vm0, $0xb8;
	[tilespmem:$0x14200] =	vst v63  }
0xd7: {  	s31 =	simm.s32 $0xAA00;
	v3 =	vperm.xlane v3, v2  }
0xd8: {  	[tilespmem:s31], [sflag:$0x2] =	stream.indirect_vreg.gather [hbm4b:s4+s3], $0x80, v4, vm0, $0xb8;
	[tilespmem:$0x14200] =	vst v63  }
0xd9: {  	v3 =	vadd.s32 v1, v3;
	s31 =	simm.s32 $0xB200  }
0xda: {  	[tilespmem:s31], [sflag:$0x2] =	stream.indirect_vreg.gather [hbm4b:s5+s3], $0x80, v4, vm0, $0xb8;
	[tilespmem:$0x14200] =	vst v63  }
0xdb: {  	s31 =	simm.s32 $0xBA00  }
0xdc: {  	[tilespmem:s31], [sflag:$0x2] =	stream.indirect_vreg.gather [hbm4b:s6+s3], $0x80, v4, vm0, $0xb8;
	[tilespmem:$0x14200] =	vst v63  }
0xdd: {  	s31 =	simm.s32 $0xC200  }
0xde: {  	[tilespmem:s31], [sflag:$0x2] =	stream.indirect_vreg.gather [hbm4b:s1+s3], $0x80, v3, vm0, $0xb8;
	[tilespmem:$0x14200] =	vst v63  }
0xdf: {  	s31 =	simm.s32 $0xCA00  }
0xe0: {  	[tilespmem:s31], [sflag:$0x2] =	stream.indirect_vreg.gather [hbm4b:s4+s3], $0x80, v3, vm0, $0xb8;
	[tilespmem:$0x14200] =	vst v63  }
0xe1: {  	s31 =	simm.s32 $0xD200  }
0xe2: {  	[tilespmem:s31], [sflag:$0x2] =	stream.indirect_vreg.gather [hbm4b:s5+s3], $0x80, v3, vm0, $0xb8;
	[tilespmem:$0x14200] =	vst v63  }
0xe3: {  	s31 =	simm.s32 $0xDA00  }
0xe4: {  	[tilespmem:s31], [sflag:$0x2] =	stream.indirect_vreg.gather [hbm4b:s6+s3], $0x80, v3, vm0, $0xb8;
	[tilespmem:$0x14200] =	vst v63  }
0xe5: {  	v3 =	vld [tilespmem:$0x190];
	_ =	sdelay $0x4  }
0xe6: {  	v62 =	vshll.u32 v3, $0x3  }
0xe7: {  	v3 =	vand.u32 $0x7, v3;
	v4 =	vand.u32 $0xFFFFFFC0, v62  }
0xe8: {  	v3 =	vor.u32 v3, v4  }
0xe9: {  	v4 =	vperm.xlane v3, v0;
	_ =	sdelay $0x1  }
0xea: {  	v4 =	vadd.s32 v1, v4;
	_ =	sdelay $0x3  }
0xeb: {  	s31 =	simm.s32 $0xE200  }
0xec: {  	[tilespmem:s31], [sflag:$0x2] =	stream.indirect_vreg.gather [hbm4b:s1+s3], $0x80, v4, vm0, $0xb8;
	[tilespmem:$0x14200] =	vst v63  }
0xed: {  	v3 =	vperm.xlane v3, v2;
	s31 =	simm.s32 $0xEA00  }
0xee: {  	[tilespmem:s31], [sflag:$0x2] =	stream.indirect_vreg.gather [hbm4b:s4+s3], $0x80, v4, vm0, $0xb8;
	[tilespmem:$0x14200] =	vst v63  }
0xef: {  	v3 =	vadd.s32 v1, v3;
	s31 =	simm.s32 $0xF200  }
0xf0: {  	[tilespmem:s31], [sflag:$0x2] =	stream.indirect_vreg.gather [hbm4b:s5+s3], $0x80, v4, vm0, $0xb8;
	[tilespmem:$0x14200] =	vst v63  }
0xf1: {  	s31 =	simm.s32 $0xFA00  }
0xf2: {  	[tilespmem:s31], [sflag:$0x2] =	stream.indirect_vreg.gather [hbm4b:s6+s3], $0x80, v4, vm0, $0xb8;
	[tilespmem:$0x14200] =	vst v63  }
0xf3: {  	s31 =	simm.s32 $0x10200  }
0xf4: {  	[tilespmem:s31], [sflag:$0x2] =	stream.indirect_vreg.gather [hbm4b:s1+s3], $0x80, v3, vm0, $0xb8;
	[tilespmem:$0x14200] =	vst v63  }
0xf5: {  	s31 =	simm.s32 $0x10A00  }
0xf6: {  	[tilespmem:s31], [sflag:$0x2] =	stream.indirect_vreg.gather [hbm4b:s4+s3], $0x80, v3, vm0, $0xb8;
	[tilespmem:$0x14200] =	vst v63  }
0xf7: {  	s31 =	simm.s32 $0x11200  }
0xf8: {  	[tilespmem:s31], [sflag:$0x2] =	stream.indirect_vreg.gather [hbm4b:s5+s3], $0x80, v3, vm0, $0xb8;
	[tilespmem:$0x14200] =	vst v63  }
0xf9: {  	s31 =	simm.s32 $0x11A00  }
0xfa: {  	[tilespmem:s31], [sflag:$0x2] =	stream.indirect_vreg.gather [hbm4b:s6+s3], $0x80, v3, vm0, $0xb8;
	[tilespmem:$0x14200] =	vst v63  }
0xfb: {  	v3 =	vld.msk [tilespmem:$0x1A0], $0xff;
	_ =	sdelay $0x4  }
0xfc: {  	v63 =	vshll.u32 v3, $0x3  }
0xfd: {  	v3 =	vand.u32 $0x7, v3;
	v4 =	vand.u32 $0xFFFFFFC0, v63  }
0xfe: {  	v3 =	vor.u32 v3, v4  }
0xff: {  	v3 =	vperm.xlane v3, v0;
	_ =	sdelay $0x1  }
0x100: {  	v3 =	vadd.s32 v1, v3;
	_ =	sdelay $0x3  }
0x101: {  	s31 =	simm.s32 $0x12200  }
0x102: {  	[tilespmem:s31], [sflag:$0x2] =	stream.indirect_vreg.gather [hbm4b:s1+s3], $0x80, v3, vm0, $0xb8;
	[tilespmem:$0x14200] =	vst v63  }
0x103: {  	s31 =	simm.s32 $0x12A00  }
0x104: {  	[tilespmem:s31], [sflag:$0x2] =	stream.indirect_vreg.gather [hbm4b:s4+s3], $0x80, v3, vm0, $0xb8;
	[tilespmem:$0x14200] =	vst v63  }
0x105: {  	s31 =	simm.s32 $0x13200  }
0x106: {  	[tilespmem:s31], [sflag:$0x2] =	stream.indirect_vreg.gather [hbm4b:s5+s3], $0x80, v3, vm0, $0xb8;
	[tilespmem:$0x14200] =	vst v63  }
0x107: {  	s31 =	simm.s32 $0x13A00  }
0x108: {  	[tilespmem:s31], [sflag:$0x2] =	stream.indirect_vreg.gather [hbm4b:s6+s3], $0x80, v3, vm0, $0xb8;
	[tilespmem:$0x14200] =	vst v63  }
0x109: {  	_ =	swait.ge [sflag:s9], $0xA000  }
0x10a: {  	[sflag:s9] =	ssyncset.done $0x0  }
0x10b: {  	s0 =	rddreg [dreg:$0x6];
	[sflag:s9] =	ssyncadd.s32 $0xFFFF6000  }
0x10c: {  	[hbm4b:s0+s3] =	stream.linear.scatter [tilespmem:s30], [sflag:$0x3], $0xA000, $0x38;
	[tilespmem:$0x14200] =	vst v63  }
0x10d: {  	_ =	swait.ge [sflag:s29], $0xA000  }
0x10e: {  	[sflag:s29] =	ssyncset.done $0x0  }
0x10f: {  	s0 =	rddreg [dreg:$0x7];
	[sflag:s29] =	ssyncadd.s32 $0xFFFF6000  }
0x110: {  	[hbm4b:s0+s3] =	stream.linear.scatter [tilespmem:s26], [sflag:$0x3], $0xA000, $0x38;
	[tilespmem:$0x14200] =	vst v63  }
0x111: {  	p0 =	sne.s32 s7, $0x1;
	_ =	swait.ge [sflag:s28], $0xA000  }
.Ltmp0:
0x112: {  	[sflag:s28] =	ssyncset.done $0x0;
	(pc) =	sbr.rel @p0 .LBB2_1-.Ltmp0, $4  }
0x113: {  	[sflag:s28] =	ssyncadd.s32 $0xFFFF6000  }
0x114: {  	_ =	swait.ge [sflag:s28], $0xA000  }
0x115: {  	[sflag:s28] =	ssyncset.done $0x0  }
0x116: {  	s7 =	sadd.s32 $0xFFFFFFFF, s7;
	[sflag:s28] =	ssyncadd.s32 $0xFFFF6000  }
0x117: {  	_ =	sfence.sel $0x180000  }
0x118: {  	[bflag:$0x0] =	sbarrier.arrive $0xFFFF  }
0x119: {  	_ =	strace $0x9000004D  }
0x11a: {  	s0 =	stileid.u32;
	[bflag:$0x2] =	sbarrier.arrive $0xFFFF  }
0x11b: {  	p0 =	sne.s32 s0, $0x0;
	s0 =	rddreg [dreg:$0x2]  }
0x11c: {  	s0 =	sadd.s32 @!p0 $0x100000, s0  }
0x11d: {  	[sflag:s0] =	ssyncadd.tile.s32 @!p0 $0x1;
	_ =	shalt  }
.Lfunc_end2:
_tile_overlayer_lowered:
.L_overlay_start_2:
0x11e: {  	(tag) =	ssettag $0x2  }
0x11f: {  	s0 =	rddreg [dreg:$0x0];
	s2 =	stileid.u32  }
0x120: {  	s1 =	rddreg [dreg:$0x1];
	p0 =	sne.s32 s2, $0x0  }
0x121: {  	s3 =	rddreg [dreg:$0x2];
	[bflag:$0x3] =	sbarrier.arrive $0xFFFF;
	s2 =	simm.s32 @!p0 $0x1C04  }
0x122: {  	[timem:s3], [sflag:s2] =	dma.local @!p0 [hbm:s0], s1  }
0x123: {  	s0 =	simm.s32 @!p0 $0x4  }
0x124: {  	_ =	swait.ge @!p0 [sflag:s0], s1  }
0x125: {  	s1 =	ssub.s32 @!p0 $0x0, s1;
	[sflag:s0] =	ssyncset.done @!p0 $0x0  }
0x126: {  	[sflag:s0] =	ssyncadd.s32 @!p0 s1  }
0x127: {  	[bflag:$0x3] =	sbarrier.arrive $0xFFFF  }
0x128: {  	_ =	shalt  }

// kernel: _mlpblock.7.cloned.1.call-start
scs
__scs_entry_jumppad:
0x0: {  	(pc) =	sbr.rel $0x88, $3  }
0x1: {  	(tag) =	ssettag $0x0;
	lr =	simm.s32 $0x1  }
0x2: {  	[smem:$0x3F99] =	sst lr;
	_ =	strace $0xD0000000  }
0x3: {  	_ = 	snop  }
0x4: {  	_ = 	snop  }
0x5: {  	_ = 	snop  }
0x6: {  	_ = 	snop  }
0x7: {  	_ = 	snop  }
__scs_overlays_trampoline_lowered:
0x8: {  	[smem:$0x3FA8] =	sst s0  }
0x9: {  	[smem:$0x3FA9] =	sst s1  }
0xa: {  	[smem:$0x3FAA] =	sst s2  }
0xb: {  	[smem:$0x3FAB] =	sst s3  }
0xc: {  	[smem:$0x3FAC] =	sst s4  }
0xd: {  	[smem:$0x3FAD] =	sst s5  }
0xe: {  	[smem:$0x3FAE] =	sst s6  }
0xf: {  	[smem:$0x3FAF] =	sst s7  }
0x10: {  	[smem:$0x3FB0] =	sst s8  }
0x11: {  	[smem:$0x3FB1] =	sst s9;
	s0 =	simm.s32 @!p0 $0x0  }
0x12: {  	s1 =	sld [smem:$0x3F97];
	s0 =	simm.s32 @p0 $0x1  }
0x13: {  	[smem:$0x3FB2] =	sst s0;
	s0 =	simm.s32 @!p1 $0x0  }
0x14: {  	s2 =	sld [smem:$0x3F96];
	s0 =	simm.s32 @p1 $0x1  }
0x15: {  	[smem:$0x3FB3] =	sst s0;
	s0 =	simm.s32 @!p2 $0x0  }
0x16: {  	s3 =	sld [smem:$0x3FDB];
	s0 =	simm.s32 @p2 $0x1  }
0x17: {  	s4 =	simm.s32 $0x1BF5;
	[smem:$0x3FB5] =	sst s0  }
0x18: {  	s0 =	sld [smem:$0x3F98];
	_ =	swait.ge [sflag:s4], $0x0  }
0x19: {  	s7 =	sld [smem:$0x3F99]  }
0x1a: {  	s8 =	sadd.s32 $0xFFFFE003, lr  }
0x1b: {  	s9 =	sadd.s32 $0xFFFFFEF7, lr;
	s5 =	simm.s32 $0xFFFFFFFF;
	p2 =	slt.u32 s8, $0xFFFFF086  }
0x1c: {  	p1 =	slt.u32 s9, $0xF7A;
	s5 =	simm.s32 @!p2 $0x0  }
0x1d: {  	s5 =	simm.s32 @p1 $0x1;
	p0 =	seq.s32 s7, s2  }
0x1e: {  	s7 =	smul.u32 @!p0 $0xF7A, s2;
	p2 =	seq.s32 @!p0 s5, $0x0  }
0x1f: {  	s9 =	smul.u32 $0xF7A, s1;
	s8 =	simm.s32 @!p0 $0x1BF5;
	p2 =	por !p2, p0  }
0x20: {  	[sflag:s8] =	ssyncset.s32 @!p0 $0xFFFFF086;
	s6 =	sadd.s32 @!p0 s3, s7;
	s7 =	simm.s32 @!p0 $0x108  }
0x21: {  	s3 =	sadd.s32 s3, s9;
	s6 =	sadd.s32 @!p0 $0x88, s6;
	s7 =	simm.s32 @p2 $0x1082  }
0x22: {  	[simem:s7], [sflag:s8] =	dma.local @!p0 [hbm:s6], $0xF7A  }
0x23: {  	s9 =	sor.u32 $0xD0000000, s2;
	s6 =	simm.s32 $0x108;
	_ =	swait.ge @!p0 [sflag:s8], $0x0  }
0x24: {  	s3 =	sadd.s32 $0x88, s3;
	s6 =	simm.s32 @!p1 $0x1082;
	[sflag:s4] =	ssyncset.s32 $0xFFFFF086  }
0x25: {  	[simem:s6], [sflag:s4] =	dma.local [hbm:s3], $0xF7A  }
0x26: {  	[smem:$0x3F99] =	sst s1;
	(tag) =	ssettag s2;
	_ =	strace s9  }
0x27: {  	s1 =	sld [smem:$0x3FA9]  }
0x28: {  	s2 =	sld [smem:$0x3FAA]  }
0x29: {  	s4 =	sld [smem:$0x3FAC]  }
0x2a: {  	p0 =	seq.s32 s5, $0x0;
	s5 =	sld [smem:$0x3FAD]  }
0x2b: {  	s6 =	sld [smem:$0x3FAE]  }
0x2c: {  	s7 =	sld [smem:$0x3FAF]  }
0x2d: {  	s3 =	simm.s32 $0x108;
	s8 =	sld [smem:$0x3FB0]  }
0x2e: {  	s3 =	simm.s32 @!p0 $0x1082;
	s9 =	sld [smem:$0x3FB1]  }
0x2f: {  	lr =	sadd.s32 s0, s3;
	s0 =	sld [smem:$0x3FA8]  }
0x30: {  	s3 =	sld [smem:$0x3FAB]  }
0x31: {  	[smem:$0x3FB4] =	sst s10  }
0x32: {  	s10 =	sld [smem:$0x3FB2];
	_ =	sdelay $0x3  }
0x33: {  	p0 =	seq.s32 s10, $0x1;
	s10 =	sld [smem:$0x3FB4];
	_ =	sdelay $0x3  }
0x34: {  	[smem:$0x3FB4] =	sst s10  }
0x35: {  	s10 =	sld [smem:$0x3FB3];
	_ =	sdelay $0x3  }
0x36: {  	p1 =	seq.s32 s10, $0x1;
	s10 =	sld [smem:$0x3FB4];
	_ =	sdelay $0x3  }
0x37: {  	[smem:$0x3FB4] =	sst s10  }
0x38: {  	s10 =	sld [smem:$0x3FB5]  }
0x39: {  	_ = 	snop;
	(pc) =	sbr.ind lr, $3  }
0x3a: {  	_ = 	snop  }
0x3b: {  	_ = 	snop  }
0x3c: {  	p2 =	seq.s32 s10, $0x1;
	s10 =	sld [smem:$0x3FB4]  }
0x3d: {  	_ =	shalt  }
0x3e: {  	_ =	shalt  }
0x3f: {  	_ =	shalt  }
0x40: {  	_ =	shalt  }
0x41: {  	_ =	shalt  }
0x42: {  	_ =	shalt  }
0x43: {  	_ =	shalt  }
0x44: {  	_ =	shalt  }
0x45: {  	_ =	shalt  }
0x46: {  	_ =	shalt  }
0x47: {  	_ =	shalt  }
0x48: {  	_ =	shalt  }
0x49: {  	_ =	shalt  }
0x4a: {  	_ =	shalt  }
0x4b: {  	_ =	shalt  }
0x4c: {  	_ =	shalt  }
0x4d: {  	_ =	shalt  }
0x4e: {  	_ =	shalt  }
0x4f: {  	_ =	shalt  }
0x50: {  	_ =	shalt  }
0x51: {  	_ =	shalt  }
0x52: {  	_ =	shalt  }
0x53: {  	_ =	shalt  }
0x54: {  	_ =	shalt  }
0x55: {  	_ =	shalt  }
0x56: {  	_ =	shalt  }
0x57: {  	_ =	shalt  }
0x58: {  	_ =	shalt  }
0x59: {  	_ =	shalt  }
0x5a: {  	_ =	shalt  }
0x5b: {  	_ =	shalt  }
0x5c: {  	_ =	shalt  }
0x5d: {  	_ =	shalt  }
0x5e: {  	_ =	shalt  }
0x5f: {  	_ =	shalt  }
0x60: {  	_ =	shalt  }
0x61: {  	_ =	shalt  }
0x62: {  	_ =	shalt  }
0x63: {  	_ =	shalt  }
0x64: {  	_ =	shalt  }
0x65: {  	_ =	shalt  }
0x66: {  	_ =	shalt  }
0x67: {  	_ =	shalt  }
0x68: {  	_ =	shalt  }
0x69: {  	_ =	shalt  }
0x6a: {  	_ =	shalt  }
0x6b: {  	_ =	shalt  }
0x6c: {  	_ =	shalt  }
0x6d: {  	_ =	shalt  }
0x6e: {  	_ =	shalt  }
0x6f: {  	_ =	shalt  }
0x70: {  	_ =	shalt  }
0x71: {  	_ =	shalt  }
0x72: {  	_ =	shalt  }
0x73: {  	_ =	shalt  }
0x74: {  	_ =	shalt  }
0x75: {  	_ =	shalt  }
0x76: {  	_ =	shalt  }
0x77: {  	_ =	shalt  }
0x78: {  	_ =	shalt  }
0x79: {  	_ =	shalt  }
0x7a: {  	_ =	shalt  }
0x7b: {  	_ =	shalt  }
0x7c: {  	_ =	shalt  }
0x7d: {  	_ =	shalt  }
0x7e: {  	_ =	shalt  }
0x7f: {  	_ =	shalt  }
0x80: {  	_ =	shalt  }
0x81: {  	_ =	shalt  }
0x82: {  	_ =	shalt  }
0x83: {  	_ =	shalt  }
0x84: {  	_ =	shalt  }
0x85: {  	_ =	shalt  }
0x86: {  	_ =	shalt  }
0x87: {  	_ =	shalt  }
.Lfunc_end0:
.L_simem_size_0:
called_computation.3_lowered:
.L_overlay_start_0:
0x88: {  	s2 =	sld [smem:$0x3FD9]  }
0x89: {  	s3 =	sld [smem:$0x3FFE];
	_ =	sdelay $0x1  }
0x8a: {  	s1 =	srdreg.scid  }
0x8b: {  	s0 =	sand.u32 $0x1, s1  }
0x8c: {  	s16 =	sshll.u32 s0, $0xA;
	s2 =	sadd.s32 s3, s2  }
0x8d: {  	s2 =	sadd.s32 s2, s16  }
0x8e: {  	[smem:$0x3FC0] =	sst s2  }
0x8f: {  	_ = 	snop  }
0x90: {  	(tm) =	ssettm $0x1  }
0x91: {  	s17 =	sld [smem:$0x3FFB];
	_ =	sdelay $0x3  }
0x92: {  	_ =	strace s17  }
0x93: {  	s2 =	sld [smem:$0x3FFC];
	_ =	sdelay $0x3  }
0x94: {  	_ =	strace s2  }
0x95: {  	s2 =	sld [smem:$0x3FFD];
	_ =	sdelay $0x3  }
0x96: {  	_ =	strace s2  }
0x97: {  	_ =	strace $0x8FFFFFFF  }
0x98: {  	s18 =	sld [smem:$0x3FDB];
	_ =	sdelay $0x1  }
0x99: {  	s19 =	simm.s32 $_scs_section_size  }
0x9a: {  	s4 =	simm.s32 $_size__tile_overlayer_lowered;
	s5 =	simm.s32 $_tile_overlayer_lowered  }
0x9b: {  	s22 =	simm.s32 $0x1BFF;
	s21 =	sshll.u32 s5, $0x1;
	s2 =	sadd.s32 s19, s18  }
0x9c: {  	s6 =	simm.s32 $0x0;
	s20 =	sshll.u32 s4, $0x1;
	s4 =	sadd.s32 s21, s2  }
0x9d: {  	[timem:s6], [sflag:s22] =	dma.local [hbm:s4], s20  }
0x9e: {  	_ =	swait.ge [sflag:s22], s20  }
0x9f: {  	s3 =	ssub.s32 $0x0, s20;
	[sflag:s22] =	ssyncset.done $0x0  }
0xa0: {  	[sflag:s22] =	ssyncadd.s32 s3;
	_ =	sdelay $0x1  }
0xa1: {  	s23 =	simm.s32 $0x1B8B  }
0xa2: {  	_ =	swait.ge [sflag:s23], $0x1  }
0xa3: {  	[sflag:s23] =	ssyncset.done $0x0  }
0xa4: {  	s25 =	simm.s32 $0x1B8E;
	s24 =	sld [smem:$0x3FFE];
	[sflag:s23] =	ssyncadd.s32 $0xFFFFFFFF  }
0xa5: {  	s26 =	simm.s32 $execute0_lowered;
	[smem:$0x3FD2] =	sst s25  }
0xa6: {  	s4 =	sshll.u32 s26, $0x1;
	_ =	strace $0x80000046;
	[dreg:$0x1] =	wrdreg $0xFFFFFFFF  }
0xa7: {  	s28 =	simm.s32 $_size_execute0_lowered;
	s2 =	sadd.s32 s2, s4;
	[dreg:$0x0] =	wrdreg $0x0  }
0xa8: {  	s4 =	sshll.u32 s28, $0x1;
	[dreg:$0x2] =	wrdreg s2  }
0xa9: {  	[dreg:$0x3] =	wrdreg s4  }
0xaa: {  	[dreg:$0x4] =	wrdreg $0xC0  }
0xab: {  	_ =	task [dreg:s6], $0x5FFFF  }
0xac: {  	[dreg:$0x1] =	wrdreg $0xFFFFFFFF  }
0xad: {  	[dreg:$0x0] =	wrdreg $0x60  }
0xae: {  	[dreg:$0x2] =	wrdreg s24  }
0xaf: {  	[dreg:$0x3] =	wrdreg $0xA  }
0xb0: {  	_ =	task.clear_ibuf [dreg:s6], $0x4FFFF;
	_ =	strace $0x90000046  }
0xb1: {  	s29 =	simm.s32 $0xA;
	_ =	strace $0x80000048  }
0xb2: {  	_ =	swait.ge [sflag:s29], $0x1  }
0xb3: {  	[sflag:s29] =	ssyncadd.s32 $0xFFFFFFFF  }
0xb4: {  	_ =	strace $0x90000048  }
0xb5: {  	_ =	sfence  }
0xb6: {  	s30 =	sld [smem:$0x0];
	_ =	sdelay $0x2  }
0xb7: {  	s31 =	sshll.u32 s1, $0xD;
	s1 =	sshrl.u32 s1, $0x2  }
0xb8: {  	s3 =	sand.u32 $0x4000, s31;
	s1 =	sadd.s32 s1, s30  }
0xb9: {  	s0 =	sor.u32 s3, s0;
	s1 =	sshll.u32 s1, $0x11  }
0xba: {  	s0 =	sor.u32 s1, s0  }
0xbb: {  	s0 =	sadd.s32 $0x8F2B, s0  }
0xbc: {  	[sflag:s0] =	ssyncadd.remote.s32 $0x1  }
0xbd: {  	_ =	sfence.sel $0xFFFF  }
0xbe: {  	[dreg:$0x0] =	wrdreg $0xFFFFFFFF;
	(pc) =	sbr.abs _section_cstart, $3  }
0xbf: {  	[dreg:$0x1] =	wrdreg $0xFFFFFFFF  }
0xc0: {  	_ =	task.clear_ibuf [dreg:s6], $0x2FFFF;
	_ =	strace $0x9FFFFFFF  }
0xc1: {  	(tm) =	ssettm $0x7FFFFFFF  }
tec
execute0_lowered:
.L_overlay_start_1:
0x0: {  	(tag) =	ssettag $0x1  }
0x1: {  	s6 =	rddreg [dreg:$0x0];
	s3 =	simm.s32 $0x0  }
0x2: {  	v0 =	vimm.s32 $0x0;
	[smem:$0x7FF] =	sst s3  }
0x3: {  	s0 =	rddreg [dreg:$0x1];
	v1 =	vimm.f32 $0.0e+00;
	_ =	strace $0x80000047;
	[tilespmem:$0x0] =	vst v0  }
0x4: {  	[tilespmem:$0x190] =	vst v1  }
0x5: {  	[tilespmem:$0x90] =	vst v0  }
0x6: {  	[tilespmem:$0x180] =	vst v1  }
0x7: {  	[tilespmem:$0x80] =	vst v0  }
0x8: {  	[tilespmem:$0x170] =	vst v1  }
0x9: {  	[tilespmem:$0x70] =	vst v0  }
0xa: {  	[tilespmem:$0x160] =	vst v1  }
0xb: {  	[tilespmem:$0x60] =	vst v0  }
0xc: {  	[tilespmem:$0x150] =	vst v1  }
0xd: {  	[tilespmem:$0x50] =	vst v0  }
0xe: {  	[tilespmem:$0x140] =	vst v1  }
0xf: {  	s1 =	srdreg.scid;
	[tilespmem:$0x40] =	vst v0  }
0x10: {  	s13 =	sand.u32 $0x1, s1;
	[tilespmem:$0x130] =	vst v1  }
0x11: {  	s1 =	stileid.u32;
	s10 =	smul.u32 $0xA00, s13;
	[tilespmem:$0x30] =	vst v0  }
0x12: {  	s2 =	smul.u32 $0xA0, s1;
	[tilespmem:$0x120] =	vst v1  }
0x13: {  	[tilespmem:$0x20] =	vst v0  }
0x14: {  	[tilespmem:$0x110] =	vst v1;
	s2 =	sadd.s32 s2, s10  }
0x15: {  	s4 =	sadd.s32 $0xB200, s6;
	[tilespmem:$0x10] =	vst v0;
	s8 =	sshrl.u32 s2, $0x3  }
0x16: {  	[tilespmem:$0x100] =	vst v1;
	s2 =	simm.s32 $0x1;
	s7 =	sadd.s32 s4, s8  }
0x17: {  	[hbm4b:s7+s3] =	stream.linear.scatter [tilespmem:s3], [sflag:$0x1], $0xA0, $0x38;
	[tilespmem:$0x500] =	vst v63  }
0x18: {  	_ =	swait.ge [sflag:s2], $0xA0  }
0x19: {  	s5 =	sadd.s32 $0xB600, s6;
	[sflag:s2] =	ssyncset.done $0x0  }
0x1a: {  	s9 =	simm.s32 $0x100;
	s8 =	sadd.s32 s5, s8;
	[sflag:s2] =	ssyncadd.s32 $0xFFFFFF60  }
0x1b: {  	[hbm4b:s8+s3] =	stream.linear.scatter [tilespmem:s9], [sflag:$0x1], $0xA0, $0x38;
	[tilespmem:$0x500] =	vst v63  }
0x1c: {  	s11 =	sshll.u32 s1, $0x5;
	_ =	swait.ge [sflag:s2], $0xA0  }
0x1d: {  	s6 =	sadd.s32 s11, s6;
	[sflag:s2] =	ssyncset.done $0x0  }
0x1e: {  	s11 =	sadd.s32 $0xAE00, s6;
	[sflag:s2] =	ssyncadd.s32 $0xFFFFFF60  }
0x1f: {  	s12 =	sadd.s32 $0xB000, s6;
	s6 =	simm.s32 $0x200;
	[bflag:$0x0] =	sbarrier.arrive $0xFFFF  }
0x20: {  	[tilespmem:s6], [sflag:$0x1] =	stream.linear.gather [hbm4b:s11+s3], $0x100, $0x38;
	[tilespmem:$0x500] =	vst v63  }
0x21: {  	s16 =	sshll.u32 s13, $0x3;
	_ =	swait.ge [sflag:s2], $0x100  }
0x22: {  	s14 =	sshll.u32 s1, $0x8;
	s15 =	sor.u32 $0x1400, s16;
	[sflag:s2] =	ssyncset.done $0x0  }
0x23: {  	s16 =	sadd.s32 $0xA00, s10;
	v2 =	vmov s10;
	s10 =	simm.s32 $0x400;
	[sflag:s2] =	ssyncadd.s32 $0xFFFFFF00  }
0x24: {  	[tilespmem:s10], [sflag:$0x1] =	stream.linear.gather [hbm4b:s12+s3], $0x100, $0x38;
	[tilespmem:$0x500] =	vst v63  }
0x25: {  	v19 =	vlaneseq.u32;
	s17 =	sor.u32 $0x10, s14;
	s18 =	sor.u32 $0x20, s14;
	_ =	swait.ge [sflag:s2], $0x100  }
0x26: {  	s19 =	sor.u32 $0x30, s14;
	v5 =	vor.u32 s14, v19;
	s20 =	sor.u32 $0x60, s14;
	v6 =	vor.u32 s17, v19;
	v3 =	vmov s15;
	[sflag:s2] =	ssyncset.done $0x0  }
0x27: {  	s21 =	sor.u32 $0x70, s14;
	s22 =	sor.u32 $0x80, s14;
	v5 =	vshrl.u32 v5, $0x1;
	v7 =	vor.u32 s18, v19;
	v8 =	vor.u32 s19, v19;
	[sflag:s2] =	ssyncadd.s32 $0xFFFFFF00  }
0x28: {  	s23 =	sor.u32 $0x90, s14;
	s24 =	sor.u32 $0xA0, s14;
	s25 =	sor.u32 $0xB0, s14;
	v11 =	vor.u32 s20, v19;
	v12 =	vor.u32 s21, v19;
	v13 =	vor.u32 s22, v19;
	v20 =	vld [tilespmem:$0x2F0]  }
0x29: {  	s26 =	sor.u32 $0xC0, s14;
	s28 =	sor.u32 $0xD0, s14;
	s29 =	sor.u32 $0xE0, s14;
	v14 =	vor.u32 s23, v19;
	v15 =	vor.u32 s24, v19;
	v16 =	vor.u32 s25, v19;
	v22 =	vld [tilespmem:$0x2E0]  }
0x2a: {  	s17 =	sor.u32 $0x40, s14;
	v17 =	vor.u32 s26, v19;
	v18 =	vor.u32 s28, v19;
	v25 =	vor.u32 s29, v19;
	v26 =	vld [tilespmem:$0x250]  }
0x2b: {  	s19 =	sor.u32 $0x50, s14;
	v4 =	vmov s16;
	v6 =	vshrl.u32 v6, $0x1;
	v9 =	vor.u32 s17, v19;
	[tilespmem:$0x300] =	vst v5;
	v24 =	vld [tilespmem:$0x240]  }
0x2c: {  	v7 =	vshrl.u32 v7, $0x1;
	v8 =	vshrl.u32 v8, $0x1;
	v10 =	vor.u32 s19, v19;
	[tilespmem:$0x310] =	vst v6;
	v21 =	vld [tilespmem:$0x200]  }
0x2d: {  	v11 =	vshrl.u32 v11, $0x1;
	v12 =	vshrl.u32 v12, $0x1;
	v13 =	vshrl.u32 v13, $0x1;
	[tilespmem:$0x320] =	vst v7;
	v29 =	vld [tilespmem:$0x210]  }
0x2e: {  	v14 =	vshrl.u32 v14, $0x1;
	v15 =	vshrl.u32 v15, $0x1;
	v9 =	vshrl.u32 v9, $0x1;
	[tilespmem:$0x330] =	vst v8;
	v31 =	vld [tilespmem:$0x280]  }
0x2f: {  	s14 =	sor.u32 $0xF0, s14;
	v16 =	vshrl.u32 v16, $0x1;
	v17 =	vshrl.u32 v17, $0x1;
	v10 =	vshrl.u32 v10, $0x1;
	[tilespmem:$0x340] =	vst v9;
	v32 =	vld [tilespmem:$0x2A0]  }
0x30: {  	v18 =	vshrl.u32 v18, $0x1;
	v28 =	vor.u32 s14, v19;
	v23 =	vld [tilespmem:$0x2B0];
	[tilespmem:$0x350] =	vst v10;
	vm0 =	vge.s32 v20, v2  }
0x31: {  	[tilespmem:$0x360] =	vst v11;
	vm1 =	vlt.s32 v20, v4;
	vm2 =	vge.s32 v22, v2;
	vm3 =	vlt.s32 v22, v4  }
0x32: {  	[tilespmem:$0x370] =	vst v12;
	vm5 =	vge.s32 v21, v2;
	vm6 =	vlt.s32 v21, v4;
	vm7 =	vge.s32 v29, v2  }
0x33: {  	[tilespmem:$0x380] =	vst v13;
	vm4 =	vlt.s32 v24, v4;
	vm8 =	vlt.s32 v29, v4;
	vm9 =	vge.s32 v26, v2  }
0x34: {  	v27 =	vld [tilespmem:$0x230];
	[tilespmem:$0x390] =	vst v14;
	vm10 =	vge.s32 v31, v2;
	vm12 =	vlt.s32 v32, v4;
	vm13 =	vge.s32 v32, v2  }
0x35: {  	[tilespmem:$0x3A0] =	vst v15;
	vm0 =	vmand vm0, vm1;
	vm1 =	vmand vm2, vm3;
	vm2 =	vlt.s32 v23, v4  }
0x36: {  	v30 =	vld [tilespmem:$0x260];
	[tilespmem:$0x3B0] =	vst v16;
	vm3 =	vge.s32 v24, v2;
	vm15 =	vmand vm13, vm12;
	vm7 =	vmand vm7, vm8  }
0x37: {  	[tilespmem:$0x3C0] =	vst v17;
	vm5 =	vmand vm5, vm6;
	v19 =	vsel vm0, v20, v3;
	vm0 =	vge.s32 v23, v2  }
0x38: {  	v22 =	vsel vm1, v22, v3;
	v20 =	vshrl.u32 v28, $0x1;
	[tilespmem:$0x2F0] =	vst v19;
	v19 =	vshrl.u32 v25, $0x1  }
0x39: {  	s13 =	ssub.s32 $0x2, s13;
	[tilespmem:$0x3D0] =	vst v18;
	v28 =	vld [tilespmem:$0x270];
	vm1 =	vmand vm0, vm2;
	vm2 =	vge.s32 v27, v2;
	vm0 =	vlt.s32 v26, v4  }
0x3a: {  	s30 =	sshrl.u32 s13, $0x1;
	[tilespmem:$0x2E0] =	vst v22;
	v22 =	vld [tilespmem:$0x290];
	v23 =	vsel vm1, v23, v3;
	vm1 =	vlt.s32 v27, v4;
	vm9 =	vmand vm9, vm0  }
0x3b: {  	s13 =	ssub.s32 s13, s30;
	v25 =	vld [tilespmem:$0x2D0];
	[tilespmem:$0x3F0] =	vst v20;
	vm1 =	vmand vm2, vm1;
	vm2 =	vmand vm3, vm4;
	vm3 =	vlt.s32 v30, v4  }
0x3c: {  	s31 =	smax.u32 s13, $0x1;
	[tilespmem:$0x2B0] =	vst v23;
	v23 =	vld [tilespmem:$0x220];
	vm4 =	vlt.s32 v31, v4;
	v26 =	vsel vm9, v26, v3;
	v27 =	vsel vm1, v27, v3  }
0x3d: {  	p0 =	sne.s32 s31, $0x1;
	[tilespmem:$0x3E0] =	vst v19;
	v33 =	vsel vm2, v24, v3;
	v24 =	vld [tilespmem:$0x2C0];
	vm1 =	vge.s32 v30, v2;
	vm10 =	vmand vm10, vm4  }
.Ltmp0:
0x3e: {  	vm2 =	vge.s32 v28, v2;
	[tilespmem:$0x240] =	vst v33;
	vm1 =	vmand vm1, vm3;
	vm11 =	vlt.s32 v28, v4;
	(pc) =	sbr.rel @!p0 .LBB2_2-.Ltmp0, $4  }
0x3f: {  	[tilespmem:$0x230] =	vst v27;
	v27 =	vsel vm1, v30, v3;
	vm0 =	vge.s32 v22, v2;
	vm1 =	vlt.s32 v22, v4  }
0x40: {  	vm11 =	vmand vm2, vm11;
	vm2 =	vlt.s32 v25, v4;
	[tilespmem:$0x260] =	vst v27;
	v27 =	vsel vm10, v31, v3  }
0x41: {  	s15 =	simm.s32 $0x480;
	s13 =	simm.s32 $0x80;
	s17 =	simm.s32 $0x300;
	v30 =	vsel vm11, v28, v3;
	v28 =	vsel vm7, v29, v3;
	vm3 =	vlt.s32 v23, v4;
	[tilespmem:$0x280] =	vst v27  }
0x42: {  	s14 =	simm.s32 $0x280;
	s16 =	simm.s32 $0x380;
	s18 =	sadd.s32 $0xFFFFFFFF, s31;
	v27 =	vsel vm15, v32, v3;
	vm6 =	vge.s32 v23, v2;
	[tilespmem:$0x270] =	vst v30;
	vm4 =	vlt.s32 v24, v4  }
.LBB2_1:
0x43: {  	p0 =	sne.s32 s18, $0x1;
	s18 =	sadd.s32 $0xFFFFFFFF, s18;
	v21 =	vsel vm5, v21, v3;
	[tilespmem:$0x210] =	vst v28;
	vm3 =	vmand vm6, vm3;
	vm5 =	vge.s32 v24, v2  }
0x44: {  	vm0 =	vmand vm0, vm1;
	[tilespmem:$0x200] =	vst v21;
	v21 =	vsel vm3, v23, v3;
	vm1 =	vmand vm5, vm4  }
0x45: {  	[tilespmem:$0x220] =	vst v21;
	v21 =	vsel vm0, v22, v3;
	v22 =	vsel vm1, v24, v3;
	vm0 =	vge.s32 v25, v2  }
0x46: {  	[tilespmem:$0x290] =	vst v21;
	vm0 =	vmand vm0, vm2  }
0x47: {  	[tilespmem:$0x2C0] =	vst v22;
	v21 =	vsel vm0, v25, v3  }
0x48: {  	[tilespmem:$0x2D0] =	vst v21  }
0x49: {  	[tilespmem:$0x250] =	vst v26  }
0x4a: {  	[tilespmem:$0x2A0] =	vst v27  }
0x4b: {  	[hbm4b:s4+s13] =	stream.indirect.scatter [tilespmem:s17], [sflag:$0x1], $0x1, s6, s13, $0xb8;
	[tilespmem:$0x500] =	vst v63  }
0x4c: {  	_ =	swait.ge [sflag:s2], $0x80  }
0x4d: {  	[sflag:s2] =	ssyncset.done $0x0  }
0x4e: {  	[sflag:s2] =	ssyncadd.s32 $0xFFFFFF80  }
0x4f: {  	[hbm4b:s5+s13] =	stream.indirect.scatter [tilespmem:s10], [sflag:$0x1], $0x1, s6, s13, $0xb8;
	[tilespmem:$0x500] =	vst v63  }
0x50: {  	_ =	swait.ge [sflag:s2], $0x80  }
0x51: {  	[sflag:s2] =	ssyncset.done $0x0  }
0x52: {  	[sflag:s2] =	ssyncadd.s32 $0xFFFFFF80  }
0x53: {  	[hbm4b:s4+s13] =	stream.indirect.scatter [tilespmem:s16], [sflag:$0x1], $0x1, s14, s13, $0xb8;
	[tilespmem:$0x500] =	vst v63  }
0x54: {  	_ =	swait.ge [sflag:s2], $0x80  }
0x55: {  	[sflag:s2] =	ssyncset.done $0x0  }
0x56: {  	[sflag:s2] =	ssyncadd.s32 $0xFFFFFF80  }
0x57: {  	[hbm4b:s5+s13] =	stream.indirect.scatter [tilespmem:s15], [sflag:$0x1], $0x1, s14, s13, $0xb8;
	[tilespmem:$0x500] =	vst v63  }
0x58: {  	_ =	swait.ge [sflag:s2], $0x80  }
0x59: {  	[sflag:s2] =	ssyncset.done $0x0  }
0x5a: {  	[sflag:s2] =	ssyncadd.s32 $0xFFFFFF80  }
0x5b: {  	[tilespmem:$0x0] =	vst v0  }
0x5c: {  	[tilespmem:$0x190] =	vst v1  }
0x5d: {  	[tilespmem:$0x90] =	vst v0  }
0x5e: {  	[tilespmem:$0x180] =	vst v1  }
0x5f: {  	[tilespmem:$0x80] =	vst v0  }
0x60: {  	[tilespmem:$0x170] =	vst v1  }
0x61: {  	[tilespmem:$0x70] =	vst v0  }
0x62: {  	[tilespmem:$0x160] =	vst v1  }
0x63: {  	[tilespmem:$0x60] =	vst v0  }
0x64: {  	[tilespmem:$0x150] =	vst v1  }
0x65: {  	[tilespmem:$0x50] =	vst v0  }
0x66: {  	[tilespmem:$0x140] =	vst v1  }
0x67: {  	[tilespmem:$0x40] =	vst v0  }
0x68: {  	[tilespmem:$0x130] =	vst v1  }
0x69: {  	[tilespmem:$0x30] =	vst v0  }
0x6a: {  	[tilespmem:$0x120] =	vst v1  }
0x6b: {  	[tilespmem:$0x20] =	vst v0  }
0x6c: {  	[tilespmem:$0x110] =	vst v1  }
0x6d: {  	[tilespmem:$0x10] =	vst v0  }
0x6e: {  	[tilespmem:$0x100] =	vst v1  }
0x6f: {  	[hbm4b:s7+s3] =	stream.linear.scatter [tilespmem:s3], [sflag:$0x1], $0xA0, $0x38;
	[tilespmem:$0x500] =	vst v63  }
0x70: {  	_ =	swait.ge [sflag:s2], $0xA0  }
0x71: {  	[sflag:s2] =	ssyncset.done $0x0  }
0x72: {  	[sflag:s2] =	ssyncadd.s32 $0xFFFFFF60  }
0x73: {  	[hbm4b:s8+s3] =	stream.linear.scatter [tilespmem:s9], [sflag:$0x1], $0xA0, $0x38;
	[tilespmem:$0x500] =	vst v63  }
0x74: {  	_ =	swait.ge [sflag:s2], $0xA0  }
0x75: {  	[sflag:s2] =	ssyncset.done $0x0  }
0x76: {  	[sflag:s2] =	ssyncadd.s32 $0xFFFFFF60  }
0x77: {  	[bflag:$0x0] =	sbarrier.arrive $0xFFFF  }
0x78: {  	[tilespmem:s6], [sflag:$0x1] =	stream.linear.gather [hbm4b:s11+s3], $0x100, $0x38;
	[tilespmem:$0x500] =	vst v63  }
0x79: {  	_ =	swait.ge [sflag:s2], $0x100  }
0x7a: {  	[sflag:s2] =	ssyncset.done $0x0  }
0x7b: {  	[sflag:s2] =	ssyncadd.s32 $0xFFFFFF00  }
0x7c: {  	[tilespmem:s10], [sflag:$0x1] =	stream.linear.gather [hbm4b:s12+s3], $0x100, $0x38;
	[tilespmem:$0x500] =	vst v63  }
0x7d: {  	_ =	swait.ge [sflag:s2], $0x100  }
0x7e: {  	[sflag:s2] =	ssyncset.done $0x0  }
0x7f: {  	[sflag:s2] =	ssyncadd.s32 $0xFFFFFF00  }
0x80: {  	[tilespmem:$0x300] =	vst v5;
	v22 =	vld [tilespmem:$0x2F0]  }
0x81: {  	[tilespmem:$0x310] =	vst v6;
	v23 =	vld [tilespmem:$0x2E0]  }
0x82: {  	[tilespmem:$0x320] =	vst v7;
	v24 =	vld [tilespmem:$0x2B0]  }
0x83: {  	[tilespmem:$0x330] =	vst v8;
	v26 =	vld [tilespmem:$0x250]  }
0x84: {  	v25 =	vld [tilespmem:$0x240];
	[tilespmem:$0x340] =	vst v9  }
0x85: {  	v27 =	vld [tilespmem:$0x230];
	[tilespmem:$0x350] =	vst v10;
	vm0 =	vge.s32 v22, v2;
	vm1 =	vlt.s32 v22, v4  }
0x86: {  	v21 =	vld [tilespmem:$0x200];
	[tilespmem:$0x360] =	vst v11;
	vm2 =	vge.s32 v23, v2;
	vm3 =	vlt.s32 v23, v4;
	vm0 =	vmand vm0, vm1  }
0x87: {  	v28 =	vld [tilespmem:$0x210];
	[tilespmem:$0x370] =	vst v12;
	vm1 =	vge.s32 v24, v2;
	vm2 =	vmand vm2, vm3;
	v22 =	vsel vm0, v22, v3  }
0x88: {  	vm0 =	vlt.s32 v24, v4;
	v29 =	vld [tilespmem:$0x260];
	v23 =	vsel vm2, v23, v3;
	[tilespmem:$0x2F0] =	vst v22  }
0x89: {  	vm1 =	vmand vm1, vm0;
	v30 =	vld [tilespmem:$0x270];
	[tilespmem:$0x2E0] =	vst v23  }
0x8a: {  	vm0 =	vlt.s32 v26, v4;
	v23 =	vsel vm1, v24, v3;
	vm2 =	vge.s32 v27, v2;
	v31 =	vld [tilespmem:$0x280];
	[tilespmem:$0x380] =	vst v13  }
0x8b: {  	vm1 =	vlt.s32 v27, v4;
	vm5 =	vge.s32 v21, v2;
	vm6 =	vlt.s32 v21, v4;
	v22 =	vld [tilespmem:$0x290];
	[tilespmem:$0x2B0] =	vst v23  }
0x8c: {  	vm3 =	vge.s32 v25, v2;
	vm4 =	vlt.s32 v25, v4;
	vm7 =	vge.s32 v28, v2;
	[tilespmem:$0x390] =	vst v14;
	v32 =	vld [tilespmem:$0x2A0]  }
0x8d: {  	vm1 =	vmand vm2, vm1;
	vm2 =	vmand vm3, vm4;
	vm8 =	vlt.s32 v28, v4;
	v23 =	vld [tilespmem:$0x220];
	[tilespmem:$0x3A0] =	vst v15  }
0x8e: {  	v27 =	vsel vm1, v27, v3;
	v33 =	vsel vm2, v25, v3;
	vm2 =	vge.s32 v30, v2;
	[tilespmem:$0x3B0] =	vst v16;
	v24 =	vld [tilespmem:$0x2C0]  }
0x8f: {  	vm1 =	vge.s32 v29, v2;
	vm3 =	vlt.s32 v29, v4;
	vm4 =	vlt.s32 v31, v4;
	[tilespmem:$0x3C0] =	vst v17;
	v25 =	vld [tilespmem:$0x2D0]  }
0x90: {  	vm9 =	vge.s32 v26, v2;
	vm1 =	vmand vm1, vm3;
	vm10 =	vge.s32 v31, v2;
	[tilespmem:$0x240] =	vst v33  }
0x91: {  	vm9 =	vmand vm9, vm0;
	vm0 =	vge.s32 v22, v2;
	[tilespmem:$0x230] =	vst v27;
	v27 =	vsel vm1, v29, v3  }
0x92: {  	vm11 =	vlt.s32 v30, v4;
	vm1 =	vlt.s32 v22, v4;
	vm3 =	vlt.s32 v23, v4;
	[tilespmem:$0x260] =	vst v27  }
.Ltmp1:
0x93: {  	vm10 =	vmand vm10, vm4;
	vm12 =	vlt.s32 v32, v4;
	vm4 =	vlt.s32 v24, v4;
	[tilespmem:$0x3D0] =	vst v18;
	(pc) =	sbr.rel @p0 .LBB2_1-.Ltmp1, $4  }
0x94: {  	vm11 =	vmand vm2, vm11;
	vm13 =	vge.s32 v32, v2;
	vm2 =	vlt.s32 v25, v4;
	[tilespmem:$0x3E0] =	vst v19  }
0x95: {  	v26 =	vsel vm9, v26, v3;
	v27 =	vsel vm10, v31, v3;
	vm9 =	vmand vm13, vm12;
	[tilespmem:$0x3F0] =	vst v20  }
0x96: {  	vm7 =	vmand vm7, vm8;
	v29 =	vsel vm11, v30, v3;
	[tilespmem:$0x280] =	vst v27;
	v27 =	vsel vm9, v32, v3  }
0x97: {  	vm5 =	vmand vm5, vm6;
	v28 =	vsel vm7, v28, v3;
	vm6 =	vge.s32 v23, v2;
	[tilespmem:$0x270] =	vst v29  }
.LBB2_2:
0x98: {  	[tilespmem:$0x210] =	vst v28  }
0x99: {  	[tilespmem:$0x250] =	vst v26  }
0x9a: {  	v0 =	vsel vm5, v21, v3;
	vm3 =	vmand vm6, vm3;
	[tilespmem:$0x2A0] =	vst v27  }
0x9b: {  	vm13 =	vge.s32 v24, v2;
	vm0 =	vmand vm0, vm1;
	[tilespmem:$0x200] =	vst v0;
	v61 =	vsel vm3, v23, v3  }
0x9c: {  	vm15 =	vge.s32 v25, v2;
	vm14 =	vmand vm13, vm4;
	v62 =	vsel vm0, v22, v3;
	[tilespmem:$0x220] =	vst v61  }
0x9d: {  	vm0 =	vmand vm15, vm2;
	v1 =	vsel vm14, v24, v3;
	[tilespmem:$0x290] =	vst v62  }
0x9e: {  	v63 =	vsel vm0, v25, v3;
	[tilespmem:$0x2C0] =	vst v1  }
0x9f: {  	[tilespmem:$0x2D0] =	vst v63  }
0xa0: {  	[hbm4b:s4+s13] =	stream.indirect.scatter [tilespmem:s17], [sflag:$0x1], $0x1, s6, s13, $0xb8;
	[tilespmem:$0x500] =	vst v63  }
0xa1: {  	_ =	swait.ge [sflag:s2], $0x80  }
0xa2: {  	[sflag:s2] =	ssyncset.done $0x0  }
0xa3: {  	[sflag:s2] =	ssyncadd.s32 $0xFFFFFF80  }
0xa4: {  	[hbm4b:s5+s13] =	stream.indirect.scatter [tilespmem:s10], [sflag:$0x1], $0x1, s6, s13, $0xb8;
	[tilespmem:$0x500] =	vst v63  }
0xa5: {  	_ =	swait.ge [sflag:s2], $0x80  }
0xa6: {  	[sflag:s2] =	ssyncset.done $0x0  }
0xa7: {  	[sflag:s2] =	ssyncadd.s32 $0xFFFFFF80  }
0xa8: {  	[hbm4b:s4+s13] =	stream.indirect.scatter [tilespmem:s16], [sflag:$0x1], $0x1, s14, s13, $0xb8;
	[tilespmem:$0x500] =	vst v63  }
0xa9: {  	_ =	swait.ge [sflag:s2], $0x80  }
0xaa: {  	[sflag:s2] =	ssyncset.done $0x0  }
0xab: {  	[sflag:s2] =	ssyncadd.s32 $0xFFFFFF80  }
0xac: {  	[hbm4b:s5+s13] =	stream.indirect.scatter [tilespmem:s15], [sflag:$0x1], $0x1, s14, s13, $0xb8;
	[tilespmem:$0x500] =	vst v63  }
0xad: {  	_ =	swait.ge [sflag:s2], $0x80  }
0xae: {  	[sflag:s2] =	ssyncset.done $0x0  }
0xaf: {  	[sflag:s2] =	ssyncadd.s32 $0xFFFFFF80  }
0xb0: {  	_ =	sfence.sel $0x180000  }
0xb1: {  	[bflag:$0x0] =	sbarrier.arrive $0xFFFF  }
0xb2: {  	p0 =	sne.s32 s1, $0x0;
	_ =	strace $0x90000047  }
0xb3: {  	s0 =	sadd.s32 @!p0 $0x100000, s0;
	[bflag:$0x2] =	sbarrier.arrive $0xFFFF  }
0xb4: {  	[sflag:s0] =	ssyncadd.tile.s32 @!p0 $0x1;
	_ =	shalt  }
.Lfunc_end2:
_tile_overlayer_lowered:
.L_overlay_start_2:
0xb5: {  	(tag) =	ssettag $0x2  }
0xb6: {  	s0 =	rddreg [dreg:$0x0];
	s2 =	stileid.u32  }
0xb7: {  	s1 =	rddreg [dreg:$0x1];
	p0 =	sne.s32 s2, $0x0  }
0xb8: {  	s3 =	rddreg [dreg:$0x2];
	[bflag:$0x3] =	sbarrier.arrive $0xFFFF;
	s2 =	simm.s32 @!p0 $0x1C01  }
0xb9: {  	[timem:s3], [sflag:s2] =	dma.local @!p0 [hbm:s0], s1  }
0xba: {  	s0 =	simm.s32 @!p0 $0x1  }
0xbb: {  	_ =	swait.ge @!p0 [sflag:s0], s1  }
0xbc: {  	s1 =	ssub.s32 @!p0 $0x0, s1;
	[sflag:s0] =	ssyncset.done @!p0 $0x0  }
0xbd: {  	[sflag:s0] =	ssyncadd.s32 @!p0 s1  }
0xbe: {  	[bflag:$0x3] =	sbarrier.arrive $0xFFFF  }
0xbf: {  	_ =	shalt  }

// kernel: gather_offload_async_start.1
scs
__scs_entry_jumppad:
0x0: {  	(pc) =	sbr.rel $0x88, $3  }
0x1: {  	(tag) =	ssettag $0x0;
	lr =	simm.s32 $0x1  }
0x2: {  	[smem:$0x3F99] =	sst lr;
	_ =	strace $0xD0000000  }
0x3: {  	_ = 	snop  }
0x4: {  	_ = 	snop  }
0x5: {  	_ = 	snop  }
0x6: {  	_ = 	snop  }
0x7: {  	_ = 	snop  }
__scs_overlays_trampoline_lowered:
0x8: {  	[smem:$0x3FA8] =	sst s0  }
0x9: {  	[smem:$0x3FA9] =	sst s1  }
0xa: {  	[smem:$0x3FAA] =	sst s2  }
0xb: {  	[smem:$0x3FAB] =	sst s3  }
0xc: {  	[smem:$0x3FAC] =	sst s4  }
0xd: {  	[smem:$0x3FAD] =	sst s5  }
0xe: {  	[smem:$0x3FAE] =	sst s6  }
0xf: {  	[smem:$0x3FAF] =	sst s7  }
0x10: {  	[smem:$0x3FB0] =	sst s8  }
0x11: {  	[smem:$0x3FB1] =	sst s9;
	s0 =	simm.s32 @!p0 $0x0  }
0x12: {  	s1 =	sld [smem:$0x3F97];
	s0 =	simm.s32 @p0 $0x1  }
0x13: {  	[smem:$0x3FB2] =	sst s0;
	s0 =	simm.s32 @!p1 $0x0  }
0x14: {  	s2 =	sld [smem:$0x3F96];
	s0 =	simm.s32 @p1 $0x1  }
0x15: {  	[smem:$0x3FB3] =	sst s0;
	s0 =	simm.s32 @!p2 $0x0  }
0x16: {  	s3 =	sld [smem:$0x3FDB];
	s0 =	simm.s32 @p2 $0x1  }
0x17: {  	s4 =	simm.s32 $0x1BF5;
	[smem:$0x3FB5] =	sst s0  }
0x18: {  	s0 =	sld [smem:$0x3F98];
	_ =	swait.ge [sflag:s4], $0x0  }
0x19: {  	s7 =	sld [smem:$0x3F99]  }
0x1a: {  	s8 =	sadd.s32 $0xFFFFE003, lr  }
0x1b: {  	s9 =	sadd.s32 $0xFFFFFEF7, lr;
	s5 =	simm.s32 $0xFFFFFFFF;
	p2 =	slt.u32 s8, $0xFFFFF086  }
0x1c: {  	p1 =	slt.u32 s9, $0xF7A;
	s5 =	simm.s32 @!p2 $0x0  }
0x1d: {  	s5 =	simm.s32 @p1 $0x1;
	p0 =	seq.s32 s7, s2  }
0x1e: {  	s7 =	smul.u32 @!p0 $0xF7A, s2;
	p2 =	seq.s32 @!p0 s5, $0x0  }
0x1f: {  	s9 =	smul.u32 $0xF7A, s1;
	s8 =	simm.s32 @!p0 $0x1BF5;
	p2 =	por !p2, p0  }
0x20: {  	[sflag:s8] =	ssyncset.s32 @!p0 $0xFFFFF086;
	s6 =	sadd.s32 @!p0 s3, s7;
	s7 =	simm.s32 @!p0 $0x108  }
0x21: {  	s3 =	sadd.s32 s3, s9;
	s6 =	sadd.s32 @!p0 $0x88, s6;
	s7 =	simm.s32 @p2 $0x1082  }
0x22: {  	[simem:s7], [sflag:s8] =	dma.local @!p0 [hbm:s6], $0xF7A  }
0x23: {  	s9 =	sor.u32 $0xD0000000, s2;
	s6 =	simm.s32 $0x108;
	_ =	swait.ge @!p0 [sflag:s8], $0x0  }
0x24: {  	s3 =	sadd.s32 $0x88, s3;
	s6 =	simm.s32 @!p1 $0x1082;
	[sflag:s4] =	ssyncset.s32 $0xFFFFF086  }
0x25: {  	[simem:s6], [sflag:s4] =	dma.local [hbm:s3], $0xF7A  }
0x26: {  	[smem:$0x3F99] =	sst s1;
	(tag) =	ssettag s2;
	_ =	strace s9  }
0x27: {  	s1 =	sld [smem:$0x3FA9]  }
0x28: {  	s2 =	sld [smem:$0x3FAA]  }
0x29: {  	s4 =	sld [smem:$0x3FAC]  }
0x2a: {  	p0 =	seq.s32 s5, $0x0;
	s5 =	sld [smem:$0x3FAD]  }
0x2b: {  	s6 =	sld [smem:$0x3FAE]  }
0x2c: {  	s7 =	sld [smem:$0x3FAF]  }
0x2d: {  	s3 =	simm.s32 $0x108;
	s8 =	sld [smem:$0x3FB0]  }
0x2e: {  	s3 =	simm.s32 @!p0 $0x1082;
	s9 =	sld [smem:$0x3FB1]  }
0x2f: {  	lr =	sadd.s32 s0, s3;
	s0 =	sld [smem:$0x3FA8]  }
0x30: {  	s3 =	sld [smem:$0x3FAB]  }
0x31: {  	[smem:$0x3FB4] =	sst s10  }
0x32: {  	s10 =	sld [smem:$0x3FB2];
	_ =	sdelay $0x3  }
0x33: {  	p0 =	seq.s32 s10, $0x1;
	s10 =	sld [smem:$0x3FB4];
	_ =	sdelay $0x3  }
0x34: {  	[smem:$0x3FB4] =	sst s10  }
0x35: {  	s10 =	sld [smem:$0x3FB3];
	_ =	sdelay $0x3  }
0x36: {  	p1 =	seq.s32 s10, $0x1;
	s10 =	sld [smem:$0x3FB4];
	_ =	sdelay $0x3  }
0x37: {  	[smem:$0x3FB4] =	sst s10  }
0x38: {  	s10 =	sld [smem:$0x3FB5]  }
0x39: {  	_ = 	snop;
	(pc) =	sbr.ind lr, $3  }
0x3a: {  	_ = 	snop  }
0x3b: {  	_ = 	snop  }
0x3c: {  	p2 =	seq.s32 s10, $0x1;
	s10 =	sld [smem:$0x3FB4]  }
0x3d: {  	_ =	shalt  }
0x3e: {  	_ =	shalt  }
0x3f: {  	_ =	shalt  }
0x40: {  	_ =	shalt  }
0x41: {  	_ =	shalt  }
0x42: {  	_ =	shalt  }
0x43: {  	_ =	shalt  }
0x44: {  	_ =	shalt  }
0x45: {  	_ =	shalt  }
0x46: {  	_ =	shalt  }
0x47: {  	_ =	shalt  }
0x48: {  	_ =	shalt  }
0x49: {  	_ =	shalt  }
0x4a: {  	_ =	shalt  }
0x4b: {  	_ =	shalt  }
0x4c: {  	_ =	shalt  }
0x4d: {  	_ =	shalt  }
0x4e: {  	_ =	shalt  }
0x4f: {  	_ =	shalt  }
0x50: {  	_ =	shalt  }
0x51: {  	_ =	shalt  }
0x52: {  	_ =	shalt  }
0x53: {  	_ =	shalt  }
0x54: {  	_ =	shalt  }
0x55: {  	_ =	shalt  }
0x56: {  	_ =	shalt  }
0x57: {  	_ =	shalt  }
0x58: {  	_ =	shalt  }
0x59: {  	_ =	shalt  }
0x5a: {  	_ =	shalt  }
0x5b: {  	_ =	shalt  }
0x5c: {  	_ =	shalt  }
0x5d: {  	_ =	shalt  }
0x5e: {  	_ =	shalt  }
0x5f: {  	_ =	shalt  }
0x60: {  	_ =	shalt  }
0x61: {  	_ =	shalt  }
0x62: {  	_ =	shalt  }
0x63: {  	_ =	shalt  }
0x64: {  	_ =	shalt  }
0x65: {  	_ =	shalt  }
0x66: {  	_ =	shalt  }
0x67: {  	_ =	shalt  }
0x68: {  	_ =	shalt  }
0x69: {  	_ =	shalt  }
0x6a: {  	_ =	shalt  }
0x6b: {  	_ =	shalt  }
0x6c: {  	_ =	shalt  }
0x6d: {  	_ =	shalt  }
0x6e: {  	_ =	shalt  }
0x6f: {  	_ =	shalt  }
0x70: {  	_ =	shalt  }
0x71: {  	_ =	shalt  }
0x72: {  	_ =	shalt  }
0x73: {  	_ =	shalt  }
0x74: {  	_ =	shalt  }
0x75: {  	_ =	shalt  }
0x76: {  	_ =	shalt  }
0x77: {  	_ =	shalt  }
0x78: {  	_ =	shalt  }
0x79: {  	_ =	shalt  }
0x7a: {  	_ =	shalt  }
0x7b: {  	_ =	shalt  }
0x7c: {  	_ =	shalt  }
0x7d: {  	_ =	shalt  }
0x7e: {  	_ =	shalt  }
0x7f: {  	_ =	shalt  }
0x80: {  	_ =	shalt  }
0x81: {  	_ =	shalt  }
0x82: {  	_ =	shalt  }
0x83: {  	_ =	shalt  }
0x84: {  	_ =	shalt  }
0x85: {  	_ =	shalt  }
0x86: {  	_ =	shalt  }
0x87: {  	_ =	shalt  }
.Lfunc_end0:
.L_simem_size_0:
called_computation.2_lowered:
.L_overlay_start_0:
0x88: {  	s2 =	sld [smem:$0x3FD9]  }
0x89: {  	s3 =	sld [smem:$0x3FFE];
	_ =	sdelay $0x1  }
0x8a: {  	s1 =	srdreg.scid  }
0x8b: {  	s0 =	sand.u32 $0x1, s1  }
0x8c: {  	s17 =	sshll.u32 s0, $0xA;
	s2 =	sadd.s32 s3, s2  }
0x8d: {  	s2 =	sadd.s32 s2, s17  }
0x8e: {  	[smem:$0x3FC0] =	sst s2  }
0x8f: {  	_ = 	snop  }
0x90: {  	s18 =	sld [smem:$0x3FD0];
	(tm) =	ssettm $0x1  }
0x91: {  	s19 =	sld [smem:$0x3FFB];
	_ =	sdelay $0x3  }
0x92: {  	_ =	strace s19  }
0x93: {  	s2 =	sld [smem:$0x3FFC];
	_ =	sdelay $0x3  }
0x94: {  	_ =	strace s2  }
0x95: {  	s2 =	sld [smem:$0x3FFD];
	_ =	sdelay $0x3  }
0x96: {  	_ =	strace s2  }
0x97: {  	_ =	strace $0x8FFFFFFF  }
0x98: {  	s20 =	sld [smem:$0x3FDB];
	_ =	sdelay $0x1  }
0x99: {  	s4 =	simm.s32 $_scs_section_size  }
0x9a: {  	s5 =	simm.s32 $_size__tile_overlayer_lowered;
	s6 =	simm.s32 $_tile_overlayer_lowered  }
0x9b: {  	s7 =	simm.s32 $0x1BFF;
	s21 =	sshll.u32 s6, $0x1;
	s4 =	sadd.s32 s4, s20  }
0x9c: {  	s22 =	simm.s32 $0x0;
	s5 =	sshll.u32 s5, $0x1;
	s6 =	sadd.s32 s21, s4  }
0x9d: {  	[timem:s22], [sflag:s7] =	dma.local [hbm:s6], s5  }
0x9e: {  	_ =	swait.ge [sflag:s7], s5  }
0x9f: {  	s5 =	ssub.s32 $0x0, s5;
	[sflag:s7] =	ssyncset.done $0x0  }
0xa0: {  	[sflag:s7] =	ssyncadd.s32 s5;
	_ =	sdelay $0x1  }
0xa1: {  	s23 =	simm.s32 $0x1B8B  }
0xa2: {  	_ =	swait.ge [sflag:s23], $0x1  }
0xa3: {  	[sflag:s23] =	ssyncset.done $0x0  }
0xa4: {  	[sflag:s23] =	ssyncadd.s32 $0xFFFFFFFF  }
0xa5: {  	s5 =	sld [smem:$0x0]  }
0xa6: {  	s6 =	sand.u32 $0xFFFFFFFE, s1  }
0xa7: {  	p0 =	sne.s32 s1, s6  }
0xa8: {  	s6 =	sshll.u32 @p0 s6, $0xE  }
0xa9: {  	s6 =	sadd.s32 @p0 $0x11B8D, s6;
	s7 =	sshll.u32 @p0 s5, $0x11  }
0xaa: {  	s6 =	sor.u32 @p0 s7, s6  }
0xab: {  	[sflag:s6] =	ssyncadd.remote.s32 @p0 $0x1;
	_ =	sdelay $0x1  }
0xac: {  	s6 =	simm.s32 @p0 $0x1B8D  }
0xad: {  	_ =	swait.eq @p0 [sflag:s6], $0x1  }
0xae: {  	[sflag:s6] =	ssyncadd.s32 @p0 $0xFFFFFFFF  }
0xaf: {  	s7 =	sshll.u32 @!p0 s1, $0xE  }
0xb0: {  	s7 =	sor.u32 @!p0 $0x4000, s7;
	s6 =	simm.s32 @!p0 $0x1B8D  }
0xb1: {  	s5 =	sshll.u32 @!p0 s5, $0x11;
	s7 =	sadd.s32 @!p0 $0x11B8D, s7;
	_ =	swait.eq @!p0 [sflag:s6], $0x1  }
0xb2: {  	s5 =	sor.u32 @!p0 s5, s7;
	[sflag:s6] =	ssyncadd.s32 @!p0 $0xFFFFFFFF  }
0xb3: {  	s25 =	simm.s32 $0x1B8E;
	s24 =	sld [smem:$0x3FFE];
	[sflag:s5] =	ssyncadd.remote.s32 @!p0 $0x1  }
0xb4: {  	s26 =	simm.s32 $execute0_lowered;
	[smem:$0x3FD2] =	sst s25  }
0xb5: {  	s6 =	sshll.u32 s26, $0x1;
	_ =	strace $0x80000052;
	[dreg:$0x1] =	wrdreg $0xFFFFFFFF  }
0xb6: {  	s28 =	simm.s32 $_size_execute0_lowered;
	s4 =	sadd.s32 s4, s6;
	[dreg:$0x0] =	wrdreg $0x0  }
0xb7: {  	s6 =	sshll.u32 s28, $0x1;
	[dreg:$0x2] =	wrdreg s4  }
0xb8: {  	[dreg:$0x3] =	wrdreg s6  }
0xb9: {  	[dreg:$0x4] =	wrdreg $0xC0  }
0xba: {  	_ =	task [dreg:s22], $0x5FFFF  }
0xbb: {  	[dreg:$0x1] =	wrdreg $0xFFFFFFFF  }
0xbc: {  	[dreg:$0x0] =	wrdreg $0x60  }
0xbd: {  	[dreg:$0x2] =	wrdreg s24  }
0xbe: {  	[dreg:$0x3] =	wrdreg s18  }
0xbf: {  	[dreg:$0x4] =	wrdreg $0xA  }
0xc0: {  	_ =	task.clear_ibuf [dreg:s22], $0x5FFFF;
	_ =	strace $0x90000052  }
0xc1: {  	s29 =	simm.s32 $0xA;
	_ =	strace $0x80000054  }
0xc2: {  	_ =	swait.ge [sflag:s29], $0x1  }
0xc3: {  	[sflag:s29] =	ssyncadd.s32 $0xFFFFFFFF  }
0xc4: {  	_ =	strace $0x90000054  }
0xc5: {  	_ =	sfence  }
0xc6: {  	s30 =	sld [smem:$0x0];
	_ =	sdelay $0x2  }
0xc7: {  	s31 =	sshll.u32 s1, $0xD;
	s1 =	sshrl.u32 s1, $0x2  }
0xc8: {  	s4 =	sand.u32 $0x4000, s31;
	s1 =	sadd.s32 s1, s30  }
0xc9: {  	s0 =	sor.u32 s4, s0;
	s1 =	sshll.u32 s1, $0x11  }
0xca: {  	s0 =	sor.u32 s1, s0  }
0xcb: {  	s0 =	sadd.s32 $0x8F2B, s0  }
0xcc: {  	[sflag:s0] =	ssyncadd.remote.s32 $0x1  }
0xcd: {  	_ =	sfence.sel $0xFFFF  }
0xce: {  	[dreg:$0x0] =	wrdreg $0xFFFFFFFF;
	(pc) =	sbr.abs _section_cstart, $3  }
0xcf: {  	[dreg:$0x1] =	wrdreg $0xFFFFFFFF  }
0xd0: {  	_ =	task.clear_ibuf [dreg:s22], $0x2FFFF;
	_ =	strace $0x9FFFFFFF  }
0xd1: {  	(tm) =	ssettm $0x7FFFFFFF  }
tec
execute0_lowered:
.L_overlay_start_1:
0x0: {  	(tag) =	ssettag $0x1  }
0x1: {  	s7 =	rddreg [dreg:$0x0]  }
0x2: {  	s2 =	rddreg [dreg:$0x1]  }
0x3: {  	s0 =	rddreg [dreg:$0x2]  }
0x4: {  	s1 =	srdreg.scid;
	_ =	strace $0x80000053;
	s4 =	simm.s32 $0x1  }
0x5: {  	s9 =	simm.s32 $0x3;
	s11 =	simm.s32 $0x0;
	s5 =	sshll.u32 s1, $0x4  }
.Ltmp0:
0x6: {  	s1 =	stileid.u32;
	s5 =	sand.u32 $0x10, s5;
	(pc) =	sbr.rel .LBB2_1-.Ltmp0, $4  }
0x7: {  	p0 =	por $0x0, $0x0;
	s3 =	sadd.s32 $0x1F600, s7;
	s6 =	sor.u32 s1, s5  }
0x8: {  	[sflag:s4] =	ssyncpa.u1 $0x0;
	s5 =	simm.s32 $0x2;
	s6 =	sshll.u32 s6, $0x6  }
0x9: {  	s7 =	sadd.s32 $0x2A00, s7;
	[sflag:s5] =	ssyncpa.u1 $0x0;
	s8 =	sadd.s32 $0x40, s6  }
0xa: {  	vm0 =	vmmov $0xff;
	vm1 =	vcmask $0x3F20;
	[sflag:s9] =	ssyncpa.u1 $0x0;
	s10 =	smov.u32 s6;
	s9 =	simm.s32 $0x0  }
.LBB2_9:
0xb: {  	p1 =	slt.u32 s9, $0x2;
	s11 =	sadd.s32 $0x20, s10  }
0xc: {  	s13 =	smov.u32 s6;
	s9 =	sadd.s32 $0x1, s9;
	p2 =	slt.s32 s11, s8  }
0xd: {  	s13 =	smov.u32 @p2 s11;
	p2 =	sne.s32 s9, $0x4  }
.Ltmp1:
0xe: {  	_ = 	snop;
	(pc) =	sbr.rel @!p2 .LBB2_10-.Ltmp1, $4  }
0xf: {  	s12 =	simm.s32 @!p1 $0x3  }
0x10: {  	_ =	swait.ge @!p1 [sflag:s12], $0x8000  }
0x11: {  	p0 =	por !p0, !p0;
	[sflag:s12] =	ssyncset.done @!p1 $0x0  }
0x12: {  	s11 =	smov.u32 s10;
	s10 =	smov.u32 s13;
	[sflag:s12] =	ssyncadd.s32 @!p1 $0xFFFF8000  }
.LBB2_1:
0x13: {  	p1 =	sgt.u32 s9, $0x1  }
0x14: {  	s12 =	sshll.u32 @!p1 s9, $0x5;
	s13 =	sshrl.u32 @!p1 s10, $0x3  }
0x15: {  	s14 =	sand.u32 @!p1 $0x7, s10;
	s12 =	sxor.u32 @!p1 $0x20, s12;
	s13 =	sadd.s32 @!p1 s7, s13  }
0x16: {  	[tilespmem:s12], [sflag:$0x2] =	stream.linear.gather @!p1 [hbm4b:s13+s14], $0x20, $0x38;
	[tilespmem:$0x10040] =	vst v63  }
0x17: {  	p1 =	seq.s32 s9, $0x0  }
0x18: {  	p2 =	seq.s32 @!p1 s9, $0x3  }
0x19: {  	p1 =	por p1, p2  }
.Ltmp2:
0x1a: {  	_ = 	snop;
	(pc) =	sbr.rel @p1 .LBB2_9-.Ltmp2, $1  }
0x1b: {  	_ =	sdelay $0x3  }
0x1c: {  	s12 =	simm.s32 $0x1  }
0x1d: {  	_ =	swait.ge [sflag:s5], $0x20;
	s13 =	sand.u32 $0x1, s9;
	s12 =	simm.s32 @!p0 $0x0  }
0x1e: {  	s15 =	simm.s32 $0x0;
	p2 =	por $0x1, $0x1;
	s12 =	sshll.u32 s12, $0x11  }
0x1f: {  	[sflag:s5] =	ssyncset.done $0x0;
	s13 =	sshll.u32 s13, $0x5;
	s14 =	sshrl.u32 s12, $0x2  }
0x20: {  	[sflag:s5] =	ssyncadd.s32 $0xFFFFFFE0;
	s12 =	sor.u32 $0x40, s14;
	s14 =	sadd.s32 $0x40, s14  }
.LBB2_3:
0x21: {  	s16 =	sshll.u32 s15, $0x4  }
0x22: {  	s16 =	sand.u32 $0x3FFFFFF0, s16  }
0x23: {  	s16 =	sadd.s32 s16, s13  }
0x24: {  	v0 =	vld.msk [tilespmem:s16+$0x0 ss:$0x1], $0xffff;
	_ =	sdelay $0x4  }
0x25: {  	vm2 =	vgt.s32 v0, $0x0  }
0x26: {  	v0 =	vnsel vm2, $0x0, v0  }
0x27: {  	v0 =	vmin.u32 v0, $0x13FF  }
0x28: {  	v1 =	vshll.u32 v0, $0x7;
	v0 =	vshll.u32 v0, $0x4  }
0x29: {  	v1 =	vand.u32 $0xFFC00, v1;
	v0 =	vand.u32 $0x70, v0  }
0x2a: {  	v0 =	vor.u32 v0, v1  }
0x2b: {  	s31 =	sshll.u32 s15, $0x10  }
0x2c: {  	s15 =	sshra.s32 s31, $0x2  }
0x2d: {  	s15 =	sadd.s32 s15, s14  }
0x2e: {  	s17 =	sadd.s32 $0x0, s15  }
0x2f: {  	[tilespmem:s17], [sflag:$0x1] =	stream.indirect_vreg.gather [hbm:s3], $0x80, v0, vm0, $0x38;
	[tilespmem:$0x10040] =	vst v63  }
0x30: {  	p1 =	por p2, p2;
	s16 =	simm.s32 $0x1000;
	v1 =	vadd.s32 $0x80, v0;
	s17 =	sadd.s32 $0x2000, s17  }
.LBB2_4:
0x31: {  	[tilespmem:s17], [sflag:$0x1] =	stream.indirect_vreg.gather [hbm:s3], $0x80, v0, vm1, $0x38;
	[tilespmem:$0x10040] =	vst v63  }
0x32: {  	v0 =	vmov v1;
	s17 =	smov.u32 s16;
	p2 =	sne.s32 s16, $0x7000  }
.Ltmp3:
0x33: {  	s16 =	sadd.s32 $0x1000, s16;
	(pc) =	sbr.rel @p2 .LBB2_4-.Ltmp3, $4  }
0x34: {  	s17 =	sshra.s32 s17, $0x2  }
0x35: {  	s17 =	sadd.s32 s17, s15  }
0x36: {  	[tilespmem:s17], [sflag:$0x1] =	stream.indirect_vreg.gather [hbm:s3], $0x80, v1, vm0, $0x38;
	[tilespmem:$0x10040] =	vst v63  }
0x37: {  	s17 =	sadd.s32 $0x2000, s17;
	v1 =	vadd.s32 $0x80, v1  }
0x38: {  	_ = 	snop  }
.Ltmp4:
0x39: {  	_ = 	snop;
	(pc) =	sbr.rel @p1 .LBB2_3-.Ltmp4, $3  }
0x3a: {  	_ =	sdelay $0x1  }
0x3b: {  	[tilespmem:s17], [sflag:$0x1] =	stream.indirect_vreg.gather [hbm:s3], $0x80, v0, vm1, $0x38;
	[tilespmem:$0x10040] =	vst v63  }
0x3c: {  	s15 =	simm.s32 $0x1;
	p2 =	por $0x0, $0x0  }
0x3d: {  	s13 =	sshll.u32 s11, $0x7  }
0x3e: {  	s31 =	sshll.u32 s11, $0x4;
	s13 =	sand.u32 $0xFFFFFC00, s13  }
0x3f: {  	_ =	swait.ge [sflag:s4], $0x8000;
	s11 =	sand.u32 $0x70, s31;
	s13 =	sadd.s32 s13, s2  }
0x40: {  	s14 =	sadd.s32 $0x2000, s12;
	[sflag:s4] =	ssyncset.done $0x0;
	s11 =	sadd.s32 s11, s13  }
0x41: {  	[sflag:s4] =	ssyncadd.s32 $0xFFFF8000;
	s13 =	simm.s32 $0x400;
	s15 =	sadd.s32 $0x0, s11  }
.LBB2_7:
0x42: {  	[hbm:s15] =	stream.linear.scatter [tilespmem:s12], [sflag:$0x3], $0x2000, $0x38;
	[tilespmem:$0x10040] =	vst v63  }
0x43: {  	s15 =	smov.u32 s13;
	s12 =	smov.u32 s14;
	p1 =	sne.s32 s13, $0xC00  }
.Ltmp5:
0x44: {  	s13 =	sadd.s32 $0x400, s13;
	(pc) =	sbr.rel @p1 .LBB2_7-.Ltmp5, $2  }
0x45: {  	_ =	sdelay $0x2  }
0x46: {  	s14 =	sadd.s32 $0x2000, s14;
	s15 =	sadd.s32 s15, s11  }
.Ltmp6:
0x47: {  	(pc) =	sbr.rel .LBB2_9-.Ltmp6, $2  }
0x48: {  	_ =	sdelay $0x2  }
0x49: {  	[hbm:s15] =	stream.linear.scatter [tilespmem:s12], [sflag:$0x3], $0x2000, $0x38;
	[tilespmem:$0x10040] =	vst v63  }
.LBB2_10:
0x4a: {  	_ =	sfence.sel $0x180000  }
0x4b: {  	s2 =	simm.s32 $0x2;
	[bflag:$0x0] =	sbarrier.arrive $0xFFFF  }
0x4c: {  	s30 =	simm.s32 $0x3;
	[sflag:s2] =	ssyncpa.u1 $0x1  }
0x4d: {  	s31 =	simm.s32 $0x1;
	[sflag:s30] =	ssyncpa.u1 $0x1  }
0x4e: {  	[sflag:s31] =	ssyncpa.u1 $0x1  }
0x4f: {  	p0 =	sne.s32 s1, $0x0;
	_ =	strace $0x90000053  }
0x50: {  	s0 =	sadd.s32 @!p0 $0x100000, s0;
	[bflag:$0x2] =	sbarrier.arrive $0xFFFF  }
0x51: {  	[sflag:s0] =	ssyncadd.tile.s32 @!p0 $0x1;
	_ =	shalt  }
.Lfunc_end2:
_tile_overlayer_lowered:
.L_overlay_start_2:
0x52: {  	(tag) =	ssettag $0x2  }
0x53: {  	s0 =	rddreg [dreg:$0x0];
	s2 =	stileid.u32  }
0x54: {  	s1 =	rddreg [dreg:$0x1];
	p0 =	sne.s32 s2, $0x0  }
0x55: {  	s3 =	rddreg [dreg:$0x2];
	[bflag:$0x3] =	sbarrier.arrive $0xFFFF;
	s2 =	simm.s32 @!p0 $0x1C01  }
0x56: {  	[timem:s3], [sflag:s2] =	dma.local @!p0 [hbm:s0], s1  }
0x57: {  	s0 =	simm.s32 @!p0 $0x1  }
0x58: {  	_ =	swait.ge @!p0 [sflag:s0], s1  }
0x59: {  	s1 =	ssub.s32 @!p0 $0x0, s1;
	[sflag:s0] =	ssyncset.done @!p0 $0x0  }
0x5a: {  	[sflag:s0] =	ssyncadd.s32 @!p0 s1  }
0x5b: {  	[bflag:$0x3] =	sbarrier.arrive $0xFFFF  }
0x5c: {  	_ =	shalt  }

// kernel: gather_offload_async_start
scs
__scs_entry_jumppad:
0x0: {  	(pc) =	sbr.rel $0x88, $3  }
0x1: {  	(tag) =	ssettag $0x0;
	lr =	simm.s32 $0x1  }
0x2: {  	[smem:$0x3F99] =	sst lr;
	_ =	strace $0xD0000000  }
0x3: {  	_ = 	snop  }
0x4: {  	_ = 	snop  }
0x5: {  	_ = 	snop  }
0x6: {  	_ = 	snop  }
0x7: {  	_ = 	snop  }
__scs_overlays_trampoline_lowered:
0x8: {  	[smem:$0x3FA8] =	sst s0  }
0x9: {  	[smem:$0x3FA9] =	sst s1  }
0xa: {  	[smem:$0x3FAA] =	sst s2  }
0xb: {  	[smem:$0x3FAB] =	sst s3  }
0xc: {  	[smem:$0x3FAC] =	sst s4  }
0xd: {  	[smem:$0x3FAD] =	sst s5  }
0xe: {  	[smem:$0x3FAE] =	sst s6  }
0xf: {  	[smem:$0x3FAF] =	sst s7  }
0x10: {  	[smem:$0x3FB0] =	sst s8  }
0x11: {  	[smem:$0x3FB1] =	sst s9;
	s0 =	simm.s32 @!p0 $0x0  }
0x12: {  	s1 =	sld [smem:$0x3F97];
	s0 =	simm.s32 @p0 $0x1  }
0x13: {  	[smem:$0x3FB2] =	sst s0;
	s0 =	simm.s32 @!p1 $0x0  }
0x14: {  	s2 =	sld [smem:$0x3F96];
	s0 =	simm.s32 @p1 $0x1  }
0x15: {  	[smem:$0x3FB3] =	sst s0;
	s0 =	simm.s32 @!p2 $0x0  }
0x16: {  	s3 =	sld [smem:$0x3FDB];
	s0 =	simm.s32 @p2 $0x1  }
0x17: {  	s4 =	simm.s32 $0x1BF5;
	[smem:$0x3FB5] =	sst s0  }
0x18: {  	s0 =	sld [smem:$0x3F98];
	_ =	swait.ge [sflag:s4], $0x0  }
0x19: {  	s7 =	sld [smem:$0x3F99]  }
0x1a: {  	s8 =	sadd.s32 $0xFFFFE003, lr  }
0x1b: {  	s9 =	sadd.s32 $0xFFFFFEF7, lr;
	s5 =	simm.s32 $0xFFFFFFFF;
	p2 =	slt.u32 s8, $0xFFFFF086  }
0x1c: {  	p1 =	slt.u32 s9, $0xF7A;
	s5 =	simm.s32 @!p2 $0x0  }
0x1d: {  	s5 =	simm.s32 @p1 $0x1;
	p0 =	seq.s32 s7, s2  }
0x1e: {  	s7 =	smul.u32 @!p0 $0xF7A, s2;
	p2 =	seq.s32 @!p0 s5, $0x0  }
0x1f: {  	s9 =	smul.u32 $0xF7A, s1;
	s8 =	simm.s32 @!p0 $0x1BF5;
	p2 =	por !p2, p0  }
0x20: {  	[sflag:s8] =	ssyncset.s32 @!p0 $0xFFFFF086;
	s6 =	sadd.s32 @!p0 s3, s7;
	s7 =	simm.s32 @!p0 $0x108  }
0x21: {  	s3 =	sadd.s32 s3, s9;
	s6 =	sadd.s32 @!p0 $0x88, s6;
	s7 =	simm.s32 @p2 $0x1082  }
0x22: {  	[simem:s7], [sflag:s8] =	dma.local @!p0 [hbm:s6], $0xF7A  }
0x23: {  	s9 =	sor.u32 $0xD0000000, s2;
	s6 =	simm.s32 $0x108;
	_ =	swait.ge @!p0 [sflag:s8], $0x0  }
0x24: {  	s3 =	sadd.s32 $0x88, s3;
	s6 =	simm.s32 @!p1 $0x1082;
	[sflag:s4] =	ssyncset.s32 $0xFFFFF086  }
0x25: {  	[simem:s6], [sflag:s4] =	dma.local [hbm:s3], $0xF7A  }
0x26: {  	[smem:$0x3F99] =	sst s1;
	(tag) =	ssettag s2;
	_ =	strace s9  }
0x27: {  	s1 =	sld [smem:$0x3FA9]  }
0x28: {  	s2 =	sld [smem:$0x3FAA]  }
0x29: {  	s4 =	sld [smem:$0x3FAC]  }
0x2a: {  	p0 =	seq.s32 s5, $0x0;
	s5 =	sld [smem:$0x3FAD]  }
0x2b: {  	s6 =	sld [smem:$0x3FAE]  }
0x2c: {  	s7 =	sld [smem:$0x3FAF]  }
0x2d: {  	s3 =	simm.s32 $0x108;
	s8 =	sld [smem:$0x3FB0]  }
0x2e: {  	s3 =	simm.s32 @!p0 $0x1082;
	s9 =	sld [smem:$0x3FB1]  }
0x2f: {  	lr =	sadd.s32 s0, s3;
	s0 =	sld [smem:$0x3FA8]  }
0x30: {  	s3 =	sld [smem:$0x3FAB]  }
0x31: {  	[smem:$0x3FB4] =	sst s10  }
0x32: {  	s10 =	sld [smem:$0x3FB2];
	_ =	sdelay $0x3  }
0x33: {  	p0 =	seq.s32 s10, $0x1;
	s10 =	sld [smem:$0x3FB4];
	_ =	sdelay $0x3  }
0x34: {  	[smem:$0x3FB4] =	sst s10  }
0x35: {  	s10 =	sld [smem:$0x3FB3];
	_ =	sdelay $0x3  }
0x36: {  	p1 =	seq.s32 s10, $0x1;
	s10 =	sld [smem:$0x3FB4];
	_ =	sdelay $0x3  }
0x37: {  	[smem:$0x3FB4] =	sst s10  }
0x38: {  	s10 =	sld [smem:$0x3FB5]  }
0x39: {  	_ = 	snop;
	(pc) =	sbr.ind lr, $3  }
0x3a: {  	_ = 	snop  }
0x3b: {  	_ = 	snop  }
0x3c: {  	p2 =	seq.s32 s10, $0x1;
	s10 =	sld [smem:$0x3FB4]  }
0x3d: {  	_ =	shalt  }
0x3e: {  	_ =	shalt  }
0x3f: {  	_ =	shalt  }
0x40: {  	_ =	shalt  }
0x41: {  	_ =	shalt  }
0x42: {  	_ =	shalt  }
0x43: {  	_ =	shalt  }
0x44: {  	_ =	shalt  }
0x45: {  	_ =	shalt  }
0x46: {  	_ =	shalt  }
0x47: {  	_ =	shalt  }
0x48: {  	_ =	shalt  }
0x49: {  	_ =	shalt  }
0x4a: {  	_ =	shalt  }
0x4b: {  	_ =	shalt  }
0x4c: {  	_ =	shalt  }
0x4d: {  	_ =	shalt  }
0x4e: {  	_ =	shalt  }
0x4f: {  	_ =	shalt  }
0x50: {  	_ =	shalt  }
0x51: {  	_ =	shalt  }
0x52: {  	_ =	shalt  }
0x53: {  	_ =	shalt  }
0x54: {  	_ =	shalt  }
0x55: {  	_ =	shalt  }
0x56: {  	_ =	shalt  }
0x57: {  	_ =	shalt  }
0x58: {  	_ =	shalt  }
0x59: {  	_ =	shalt  }
0x5a: {  	_ =	shalt  }
0x5b: {  	_ =	shalt  }
0x5c: {  	_ =	shalt  }
0x5d: {  	_ =	shalt  }
0x5e: {  	_ =	shalt  }
0x5f: {  	_ =	shalt  }
0x60: {  	_ =	shalt  }
0x61: {  	_ =	shalt  }
0x62: {  	_ =	shalt  }
0x63: {  	_ =	shalt  }
0x64: {  	_ =	shalt  }
0x65: {  	_ =	shalt  }
0x66: {  	_ =	shalt  }
0x67: {  	_ =	shalt  }
0x68: {  	_ =	shalt  }
0x69: {  	_ =	shalt  }
0x6a: {  	_ =	shalt  }
0x6b: {  	_ =	shalt  }
0x6c: {  	_ =	shalt  }
0x6d: {  	_ =	shalt  }
0x6e: {  	_ =	shalt  }
0x6f: {  	_ =	shalt  }
0x70: {  	_ =	shalt  }
0x71: {  	_ =	shalt  }
0x72: {  	_ =	shalt  }
0x73: {  	_ =	shalt  }
0x74: {  	_ =	shalt  }
0x75: {  	_ =	shalt  }
0x76: {  	_ =	shalt  }
0x77: {  	_ =	shalt  }
0x78: {  	_ =	shalt  }
0x79: {  	_ =	shalt  }
0x7a: {  	_ =	shalt  }
0x7b: {  	_ =	shalt  }
0x7c: {  	_ =	shalt  }
0x7d: {  	_ =	shalt  }
0x7e: {  	_ =	shalt  }
0x7f: {  	_ =	shalt  }
0x80: {  	_ =	shalt  }
0x81: {  	_ =	shalt  }
0x82: {  	_ =	shalt  }
0x83: {  	_ =	shalt  }
0x84: {  	_ =	shalt  }
0x85: {  	_ =	shalt  }
0x86: {  	_ =	shalt  }
0x87: {  	_ =	shalt  }
.Lfunc_end0:
.L_simem_size_0:
called_computation.1_lowered:
.L_overlay_start_0:
0x88: {  	s2 =	sld [smem:$0x3FD9]  }
0x89: {  	s3 =	sld [smem:$0x3FFE];
	_ =	sdelay $0x1  }
0x8a: {  	s1 =	srdreg.scid  }
0x8b: {  	s0 =	sand.u32 $0x1, s1  }
0x8c: {  	s16 =	sshll.u32 s0, $0xA;
	s2 =	sadd.s32 s3, s2  }
0x8d: {  	s2 =	sadd.s32 s2, s16  }
0x8e: {  	[smem:$0x3FC0] =	sst s2  }
0x8f: {  	_ = 	snop  }
0x90: {  	(tm) =	ssettm $0x1  }
0x91: {  	s17 =	sld [smem:$0x3FFB];
	_ =	sdelay $0x3  }
0x92: {  	_ =	strace s17  }
0x93: {  	s2 =	sld [smem:$0x3FFC];
	_ =	sdelay $0x3  }
0x94: {  	_ =	strace s2  }
0x95: {  	s2 =	sld [smem:$0x3FFD];
	_ =	sdelay $0x3  }
0x96: {  	_ =	strace s2  }
0x97: {  	_ =	strace $0x8FFFFFFF  }
0x98: {  	s18 =	sld [smem:$0x3FDB];
	_ =	sdelay $0x1  }
0x99: {  	s19 =	simm.s32 $_scs_section_size  }
0x9a: {  	s4 =	simm.s32 $_size__tile_overlayer_lowered;
	s5 =	simm.s32 $_tile_overlayer_lowered  }
0x9b: {  	s22 =	simm.s32 $0x1BFF;
	s21 =	sshll.u32 s5, $0x1;
	s2 =	sadd.s32 s19, s18  }
0x9c: {  	s6 =	simm.s32 $0x0;
	s20 =	sshll.u32 s4, $0x1;
	s4 =	sadd.s32 s21, s2  }
0x9d: {  	[timem:s6], [sflag:s22] =	dma.local [hbm:s4], s20  }
0x9e: {  	_ =	swait.ge [sflag:s22], s20  }
0x9f: {  	s3 =	ssub.s32 $0x0, s20;
	[sflag:s22] =	ssyncset.done $0x0  }
0xa0: {  	[sflag:s22] =	ssyncadd.s32 s3;
	_ =	sdelay $0x1  }
0xa1: {  	s23 =	simm.s32 $0x1B8B  }
0xa2: {  	_ =	swait.ge [sflag:s23], $0x1  }
0xa3: {  	[sflag:s23] =	ssyncset.done $0x0  }
0xa4: {  	s25 =	simm.s32 $0x1B8E;
	s24 =	sld [smem:$0x3FFE];
	[sflag:s23] =	ssyncadd.s32 $0xFFFFFFFF  }
0xa5: {  	s26 =	simm.s32 $execute0_lowered;
	[smem:$0x3FD2] =	sst s25  }
0xa6: {  	s4 =	sshll.u32 s26, $0x1;
	_ =	strace $0x8000004F;
	[dreg:$0x1] =	wrdreg $0xFFFFFFFF  }
0xa7: {  	s28 =	simm.s32 $_size_execute0_lowered;
	s2 =	sadd.s32 s2, s4;
	[dreg:$0x0] =	wrdreg $0x0  }
0xa8: {  	s4 =	sshll.u32 s28, $0x1;
	[dreg:$0x2] =	wrdreg s2  }
0xa9: {  	[dreg:$0x3] =	wrdreg s4  }
0xaa: {  	[dreg:$0x4] =	wrdreg $0xC0  }
0xab: {  	_ =	task [dreg:s6], $0x5FFFF  }
0xac: {  	[dreg:$0x1] =	wrdreg $0xFFFFFFFF  }
0xad: {  	[dreg:$0x0] =	wrdreg $0x60  }
0xae: {  	[dreg:$0x2] =	wrdreg s24  }
0xaf: {  	[dreg:$0x3] =	wrdreg $0x9  }
0xb0: {  	_ =	task.clear_ibuf [dreg:s6], $0x4FFFF;
	_ =	strace $0x9000004F  }
0xb1: {  	s29 =	simm.s32 $0x9;
	_ =	strace $0x80000051  }
0xb2: {  	_ =	swait.ge [sflag:s29], $0x1  }
0xb3: {  	[sflag:s29] =	ssyncadd.s32 $0xFFFFFFFF  }
0xb4: {  	_ =	strace $0x90000051  }
0xb5: {  	_ =	sfence  }
0xb6: {  	s30 =	sld [smem:$0x0];
	_ =	sdelay $0x2  }
0xb7: {  	s31 =	sshll.u32 s1, $0xD;
	s1 =	sshrl.u32 s1, $0x2  }
0xb8: {  	s3 =	sand.u32 $0x4000, s31;
	s1 =	sadd.s32 s1, s30  }
0xb9: {  	s0 =	sor.u32 s3, s0;
	s1 =	sshll.u32 s1, $0x11  }
0xba: {  	s0 =	sor.u32 s1, s0  }
0xbb: {  	s0 =	sadd.s32 $0x8F2B, s0  }
0xbc: {  	[sflag:s0] =	ssyncadd.remote.s32 $0x1  }
0xbd: {  	_ =	sfence.sel $0xFFFF  }
0xbe: {  	[dreg:$0x0] =	wrdreg $0xFFFFFFFF;
	(pc) =	sbr.abs _section_cstart, $3  }
0xbf: {  	[dreg:$0x1] =	wrdreg $0xFFFFFFFF  }
0xc0: {  	_ =	task.clear_ibuf [dreg:s6], $0x2FFFF;
	_ =	strace $0x9FFFFFFF  }
0xc1: {  	(tm) =	ssettm $0x7FFFFFFF  }
tec
execute0_lowered:
.L_overlay_start_1:
0x0: {  	(tag) =	ssettag $0x1  }
0x1: {  	s7 =	rddreg [dreg:$0x0]  }
0x2: {  	s0 =	rddreg [dreg:$0x1];
	_ =	strace $0x80000050  }
0x3: {  	s1 =	srdreg.scid;
	s4 =	simm.s32 $0x1;
	s9 =	simm.s32 $0x3  }
0x4: {  	s11 =	simm.s32 $0x0;
	p0 =	por $0x0, $0x0;
	s5 =	sshll.u32 s1, $0x4  }
.Ltmp0:
0x5: {  	s1 =	stileid.u32;
	s5 =	sand.u32 $0x10, s5;
	(pc) =	sbr.rel .LBB2_1-.Ltmp0, $4  }
0x6: {  	s2 =	sadd.s32 $0x1F600, s7;
	s3 =	sadd.s32 $0xB400, s7;
	s6 =	sor.u32 s1, s5  }
0x7: {  	[sflag:s4] =	ssyncpa.u1 $0x0;
	s5 =	simm.s32 $0x2;
	s6 =	sshll.u32 s6, $0x6  }
0x8: {  	s7 =	sadd.s32 $0xBF600, s7;
	[sflag:s5] =	ssyncpa.u1 $0x0;
	s8 =	sadd.s32 $0x40, s6  }
0x9: {  	vm0 =	vmmov $0xff;
	vm1 =	vcmask $0x3F20;
	[sflag:s9] =	ssyncpa.u1 $0x0;
	s10 =	smov.u32 s6;
	s9 =	simm.s32 $0x0  }
.LBB2_9:
0xa: {  	p1 =	slt.u32 s9, $0x2;
	s11 =	sadd.s32 $0x20, s10  }
0xb: {  	s13 =	smov.u32 s6;
	s9 =	sadd.s32 $0x1, s9;
	p2 =	slt.s32 s11, s8  }
0xc: {  	s13 =	smov.u32 @p2 s11;
	p2 =	sne.s32 s9, $0x4  }
.Ltmp1:
0xd: {  	_ = 	snop;
	(pc) =	sbr.rel @!p2 .LBB2_10-.Ltmp1, $4  }
0xe: {  	s12 =	simm.s32 @!p1 $0x3  }
0xf: {  	_ =	swait.ge @!p1 [sflag:s12], $0x8000  }
0x10: {  	p0 =	por !p0, !p0;
	[sflag:s12] =	ssyncset.done @!p1 $0x0  }
0x11: {  	s11 =	smov.u32 s10;
	s10 =	smov.u32 s13;
	[sflag:s12] =	ssyncadd.s32 @!p1 $0xFFFF8000  }
.LBB2_1:
0x12: {  	p1 =	sgt.u32 s9, $0x1  }
0x13: {  	s12 =	sshll.u32 @!p1 s9, $0x5;
	s13 =	sshrl.u32 @!p1 s10, $0x3  }
0x14: {  	s14 =	sand.u32 @!p1 $0x7, s10;
	s12 =	sxor.u32 @!p1 $0x20, s12;
	s13 =	sadd.s32 @!p1 s3, s13  }
0x15: {  	[tilespmem:s12], [sflag:$0x2] =	stream.linear.gather @!p1 [hbm4b:s13+s14], $0x20, $0x38;
	[tilespmem:$0x10040] =	vst v63  }
0x16: {  	p1 =	seq.s32 s9, $0x0  }
0x17: {  	p2 =	seq.s32 @!p1 s9, $0x3  }
0x18: {  	p1 =	por p1, p2  }
.Ltmp2:
0x19: {  	_ = 	snop;
	(pc) =	sbr.rel @p1 .LBB2_9-.Ltmp2, $1  }
0x1a: {  	_ =	sdelay $0x3  }
0x1b: {  	s12 =	simm.s32 $0x1  }
0x1c: {  	_ =	swait.ge [sflag:s5], $0x20;
	s13 =	sand.u32 $0x1, s9;
	s12 =	simm.s32 @!p0 $0x0  }
0x1d: {  	s15 =	simm.s32 $0x0;
	p2 =	por $0x1, $0x1;
	s12 =	sshll.u32 s12, $0x11  }
0x1e: {  	[sflag:s5] =	ssyncset.done $0x0;
	s13 =	sshll.u32 s13, $0x5;
	s14 =	sshrl.u32 s12, $0x2  }
0x1f: {  	[sflag:s5] =	ssyncadd.s32 $0xFFFFFFE0;
	s12 =	sor.u32 $0x40, s14;
	s14 =	sadd.s32 $0x40, s14  }
.LBB2_3:
0x20: {  	s16 =	sshll.u32 s15, $0x4  }
0x21: {  	s16 =	sand.u32 $0x3FFFFFF0, s16  }
0x22: {  	s16 =	sadd.s32 s16, s13  }
0x23: {  	v0 =	vld.msk [tilespmem:s16+$0x0 ss:$0x1], $0xffff;
	_ =	sdelay $0x4  }
0x24: {  	vm2 =	vgt.s32 v0, $0x0  }
0x25: {  	v0 =	vnsel vm2, $0x0, v0  }
0x26: {  	v0 =	vmin.u32 v0, $0x13FF  }
0x27: {  	v1 =	vshll.u32 v0, $0x7;
	v0 =	vshll.u32 v0, $0x4  }
0x28: {  	v1 =	vand.u32 $0xFFC00, v1;
	v0 =	vand.u32 $0x70, v0  }
0x29: {  	v0 =	vor.u32 v0, v1  }
0x2a: {  	s31 =	sshll.u32 s15, $0x10  }
0x2b: {  	s15 =	sshra.s32 s31, $0x2  }
0x2c: {  	s15 =	sadd.s32 s15, s14  }
0x2d: {  	s17 =	sadd.s32 $0x0, s15  }
0x2e: {  	[tilespmem:s17], [sflag:$0x1] =	stream.indirect_vreg.gather [hbm:s2], $0x80, v0, vm0, $0x38;
	[tilespmem:$0x10040] =	vst v63  }
0x2f: {  	p1 =	por p2, p2;
	s16 =	simm.s32 $0x1000;
	v1 =	vadd.s32 $0x80, v0;
	s17 =	sadd.s32 $0x2000, s17  }
.LBB2_4:
0x30: {  	[tilespmem:s17], [sflag:$0x1] =	stream.indirect_vreg.gather [hbm:s2], $0x80, v0, vm1, $0x38;
	[tilespmem:$0x10040] =	vst v63  }
0x31: {  	v0 =	vmov v1;
	s17 =	smov.u32 s16;
	p2 =	sne.s32 s16, $0x7000  }
.Ltmp3:
0x32: {  	s16 =	sadd.s32 $0x1000, s16;
	(pc) =	sbr.rel @p2 .LBB2_4-.Ltmp3, $4  }
0x33: {  	s17 =	sshra.s32 s17, $0x2  }
0x34: {  	s17 =	sadd.s32 s17, s15  }
0x35: {  	[tilespmem:s17], [sflag:$0x1] =	stream.indirect_vreg.gather [hbm:s2], $0x80, v1, vm0, $0x38;
	[tilespmem:$0x10040] =	vst v63  }
0x36: {  	s17 =	sadd.s32 $0x2000, s17;
	v1 =	vadd.s32 $0x80, v1  }
0x37: {  	_ = 	snop  }
.Ltmp4:
0x38: {  	_ = 	snop;
	(pc) =	sbr.rel @p1 .LBB2_3-.Ltmp4, $3  }
0x39: {  	_ =	sdelay $0x1  }
0x3a: {  	[tilespmem:s17], [sflag:$0x1] =	stream.indirect_vreg.gather [hbm:s2], $0x80, v0, vm1, $0x38;
	[tilespmem:$0x10040] =	vst v63  }
0x3b: {  	s15 =	simm.s32 $0x1;
	p2 =	por $0x0, $0x0  }
0x3c: {  	s13 =	sshll.u32 s11, $0x7  }
0x3d: {  	s31 =	sshll.u32 s11, $0x4;
	s13 =	sand.u32 $0xFFFFFC00, s13  }
0x3e: {  	_ =	swait.ge [sflag:s4], $0x8000;
	s11 =	sand.u32 $0x70, s31;
	s13 =	sadd.s32 s13, s7  }
0x3f: {  	s14 =	sadd.s32 $0x2000, s12;
	[sflag:s4] =	ssyncset.done $0x0;
	s11 =	sadd.s32 s11, s13  }
0x40: {  	[sflag:s4] =	ssyncadd.s32 $0xFFFF8000;
	s13 =	simm.s32 $0x400;
	s15 =	sadd.s32 $0x0, s11  }
.LBB2_7:
0x41: {  	[hbm:s15] =	stream.linear.scatter [tilespmem:s12], [sflag:$0x3], $0x2000, $0x38;
	[tilespmem:$0x10040] =	vst v63  }
0x42: {  	s15 =	smov.u32 s13;
	s12 =	smov.u32 s14;
	p1 =	sne.s32 s13, $0xC00  }
.Ltmp5:
0x43: {  	s13 =	sadd.s32 $0x400, s13;
	(pc) =	sbr.rel @p1 .LBB2_7-.Ltmp5, $2  }
0x44: {  	_ =	sdelay $0x2  }
0x45: {  	s14 =	sadd.s32 $0x2000, s14;
	s15 =	sadd.s32 s15, s11  }
.Ltmp6:
0x46: {  	(pc) =	sbr.rel .LBB2_9-.Ltmp6, $2  }
0x47: {  	_ =	sdelay $0x2  }
0x48: {  	[hbm:s15] =	stream.linear.scatter [tilespmem:s12], [sflag:$0x3], $0x2000, $0x38;
	[tilespmem:$0x10040] =	vst v63  }
.LBB2_10:
0x49: {  	_ =	sfence.sel $0x180000  }
0x4a: {  	s2 =	simm.s32 $0x2;
	[bflag:$0x0] =	sbarrier.arrive $0xFFFF  }
0x4b: {  	s30 =	simm.s32 $0x3;
	[sflag:s2] =	ssyncpa.u1 $0x1  }
0x4c: {  	s31 =	simm.s32 $0x1;
	[sflag:s30] =	ssyncpa.u1 $0x1  }
0x4d: {  	[sflag:s31] =	ssyncpa.u1 $0x1  }
0x4e: {  	p0 =	sne.s32 s1, $0x0;
	_ =	strace $0x90000050  }
0x4f: {  	s0 =	sadd.s32 @!p0 $0x100000, s0;
	[bflag:$0x2] =	sbarrier.arrive $0xFFFF  }
0x50: {  	[sflag:s0] =	ssyncadd.tile.s32 @!p0 $0x1;
	_ =	shalt  }
.Lfunc_end2:
_tile_overlayer_lowered:
.L_overlay_start_2:
0x51: {  	(tag) =	ssettag $0x2  }
0x52: {  	s0 =	rddreg [dreg:$0x0];
	s2 =	stileid.u32  }
0x53: {  	s1 =	rddreg [dreg:$0x1];
	p0 =	sne.s32 s2, $0x0  }
0x54: {  	s3 =	rddreg [dreg:$0x2];
	[bflag:$0x3] =	sbarrier.arrive $0xFFFF;
	s2 =	simm.s32 @!p0 $0x1C01  }
0x55: {  	[timem:s3], [sflag:s2] =	dma.local @!p0 [hbm:s0], s1  }
0x56: {  	s0 =	simm.s32 @!p0 $0x1  }
0x57: {  	_ =	swait.ge @!p0 [sflag:s0], s1  }
0x58: {  	s1 =	ssub.s32 @!p0 $0x0, s1;
	[sflag:s0] =	ssyncset.done @!p0 $0x0  }
0x59: {  	[sflag:s0] =	ssyncadd.s32 @!p0 s1  }
0x5a: {  	[bflag:$0x3] =	sbarrier.arrive $0xFFFF  }
0x5b: {  	_ =	shalt  }

// kernel: sparse-core-data-format-call.cloned.1.call-start
scs
called_computation_lowered:
.L_overlay_start_0:
0x0: {  	s2 =	sld [smem:$0x3FD9]  }
0x1: {  	s3 =	sld [smem:$0x3FFE];
	_ =	sdelay $0x1  }
0x2: {  	s1 =	srdreg.scid  }
0x3: {  	s0 =	sand.u32 $0x1, s1  }
0x4: {  	s18 =	sshll.u32 s0, $0xA;
	s2 =	sadd.s32 s3, s2  }
0x5: {  	s2 =	sadd.s32 s2, s18  }
0x6: {  	[smem:$0x3FC0] =	sst s2  }
0x7: {  	_ = 	snop  }
0x8: {  	(tm) =	ssettm $0x1  }
0x9: {  	s19 =	sld [smem:$0x3FFB];
	_ =	sdelay $0x3  }
0xa: {  	_ =	strace s19  }
0xb: {  	s2 =	sld [smem:$0x3FFC];
	_ =	sdelay $0x3  }
0xc: {  	_ =	strace s2  }
0xd: {  	s2 =	sld [smem:$0x3FFD];
	_ =	sdelay $0x3  }
0xe: {  	_ =	strace s2  }
0xf: {  	_ =	strace $0x8FFFFFFF  }
0x10: {  	s20 =	sld [smem:$0x3FDB];
	_ =	sdelay $0x1  }
0x11: {  	s21 =	simm.s32 $_scs_section_size  }
0x12: {  	s4 =	simm.s32 $_size__tile_overlayer_lowered;
	s5 =	simm.s32 $_tile_overlayer_lowered  }
0x13: {  	s6 =	simm.s32 $0x1BFF;
	s22 =	sshll.u32 s5, $0x1;
	s3 =	sadd.s32 s21, s20  }
0x14: {  	s23 =	simm.s32 $0x0;
	s4 =	sshll.u32 s4, $0x1;
	s5 =	sadd.s32 s22, s3  }
0x15: {  	[timem:s23], [sflag:s6] =	dma.local [hbm:s5], s4  }
0x16: {  	_ =	swait.ge [sflag:s6], s4  }
0x17: {  	s4 =	ssub.s32 $0x0, s4;
	[sflag:s6] =	ssyncset.done $0x0  }
0x18: {  	[sflag:s6] =	ssyncadd.s32 s4;
	_ =	sdelay $0x1  }
0x19: {  	s24 =	simm.s32 $0x1B8B  }
0x1a: {  	_ =	swait.ge [sflag:s24], $0x1  }
0x1b: {  	[sflag:s24] =	ssyncset.done $0x0  }
0x1c: {  	[sflag:s24] =	ssyncadd.s32 $0xFFFFFFFF  }
0x1d: {  	s4 =	sld [smem:$0x0]  }
0x1e: {  	s5 =	sand.u32 $0xFFFFFFFE, s1  }
0x1f: {  	p0 =	sne.s32 s1, s5  }
0x20: {  	s5 =	sshll.u32 @p0 s5, $0xE  }
0x21: {  	s5 =	sadd.s32 @p0 $0x11B8D, s5;
	s6 =	sshll.u32 @p0 s4, $0x11  }
0x22: {  	s5 =	sor.u32 @p0 s6, s5  }
0x23: {  	[sflag:s5] =	ssyncadd.remote.s32 @p0 $0x1;
	_ =	sdelay $0x1  }
0x24: {  	s5 =	simm.s32 @p0 $0x1B8D  }
0x25: {  	_ =	swait.eq @p0 [sflag:s5], $0x1  }
0x26: {  	[sflag:s5] =	ssyncadd.s32 @p0 $0xFFFFFFFF  }
0x27: {  	s6 =	sshll.u32 @!p0 s1, $0xE  }
0x28: {  	s6 =	sor.u32 @!p0 $0x4000, s6;
	s5 =	simm.s32 @!p0 $0x1B8D  }
0x29: {  	s4 =	sshll.u32 @!p0 s4, $0x11;
	s6 =	sadd.s32 @!p0 $0x11B8D, s6;
	_ =	swait.eq @!p0 [sflag:s5], $0x1  }
0x2a: {  	s4 =	sor.u32 @!p0 s4, s6;
	[sflag:s5] =	ssyncadd.s32 @!p0 $0xFFFFFFFF  }
0x2b: {  	s26 =	simm.s32 $0x1B8E;
	s25 =	sld [smem:$0x3FFE];
	[sflag:s4] =	ssyncadd.remote.s32 @!p0 $0x1  }
0x2c: {  	s27 =	simm.s32 $execute0_lowered;
	[smem:$0x3FD2] =	sst s26  }
0x2d: {  	s5 =	sshll.u32 s27, $0x1;
	_ =	strace $0x80000049;
	[dreg:$0x1] =	wrdreg $0xFFFFFFFF  }
0x2e: {  	s28 =	simm.s32 $_size_execute0_lowered;
	s3 =	sadd.s32 s3, s5;
	[dreg:$0x0] =	wrdreg $0x0  }
0x2f: {  	s5 =	sshll.u32 s28, $0x1;
	[dreg:$0x2] =	wrdreg s3  }
0x30: {  	[dreg:$0x3] =	wrdreg s5  }
0x31: {  	[dreg:$0x4] =	wrdreg $0xC0  }
0x32: {  	_ =	task [dreg:s23], $0x5FFFF  }
0x33: {  	[dreg:$0x1] =	wrdreg $0xFFFFFFFF  }
0x34: {  	[dreg:$0x0] =	wrdreg $0x60  }
0x35: {  	[dreg:$0x2] =	wrdreg s25  }
0x36: {  	[dreg:$0x3] =	wrdreg $0x9  }
0x37: {  	_ =	task.clear_ibuf [dreg:s23], $0x4FFFF;
	_ =	strace $0x90000049  }
0x38: {  	s29 =	simm.s32 $0x9;
	_ =	strace $0x8000004B  }
0x39: {  	_ =	swait.ge [sflag:s29], $0x1  }
0x3a: {  	[sflag:s29] =	ssyncadd.s32 $0xFFFFFFFF  }
0x3b: {  	_ =	strace $0x9000004B  }
0x3c: {  	_ =	sfence  }
0x3d: {  	s30 =	sld [smem:$0x0];
	_ =	sdelay $0x2  }
0x3e: {  	s31 =	sshll.u32 s1, $0xD;
	s1 =	sshrl.u32 s1, $0x2  }
0x3f: {  	s4 =	sand.u32 $0x4000, s31;
	s1 =	sadd.s32 s1, s30  }
0x40: {  	s0 =	sor.u32 s4, s0;
	s1 =	sshll.u32 s1, $0x11  }
0x41: {  	s0 =	sor.u32 s1, s0  }
0x42: {  	s0 =	sadd.s32 $0x8F2B, s0  }
0x43: {  	[sflag:s0] =	ssyncadd.remote.s32 $0x1  }
0x44: {  	_ =	sfence.sel $0xFFFF  }
0x45: {  	[dreg:$0x0] =	wrdreg $0xFFFFFFFF;
	(pc) =	sbr.abs _section_cstart, $3  }
0x46: {  	[dreg:$0x1] =	wrdreg $0xFFFFFFFF  }
0x47: {  	_ =	task.clear_ibuf [dreg:s23], $0x2FFFF;
	_ =	strace $0x9FFFFFFF  }
0x48: {  	(tm) =	ssettm $0x7FFFFFFF  }
0x49: {  	_ =	shalt  }
tec
execute0_lowered:
.L_overlay_start_1:
0x0: {  	(tag) =	ssettag $0x1  }
0x1: {  	s4 =	rddreg [dreg:$0x0]  }
0x2: {  	s1 =	stileid.u32;
	s0 =	rddreg [dreg:$0x1]  }
0x3: {  	_ =	strace $0x8000004A;
	s5 =	srdreg.scid;
	s31 =	simm.s32 $0x2  }
0x4: {  	s16 =	simm.s32 $0x0;
	s9 =	simm.s32 $0x2000;
	s15 =	simm.s32 $0x0  }
0x5: {  	s14 =	simm.s32 $0x0;
	s10 =	simm.s32 $0x0;
	s2 =	sshll.u32 s1, $0x7  }
0x6: {  	s13 =	simm.s32 $0x0;
	s5 =	sshll.u32 s5, $0x4;
	s2 =	sand.u32 $0x380, s2  }
0x7: {  	s3 =	sadd.s32 $0xBA00, s4;
	s5 =	sand.u32 $0x10, s5;
	s6 =	ssub.s32 $0x400, s2  }
0x8: {  	s4 =	sadd.s32 $0x10BA00, s4;
	s5 =	sor.u32 s1, s5;
	s7 =	sand.u32 $0x380, s6  }
.Ltmp0:
0x9: {  	p0 =	sne.s32 s7, $0x0;
	s7 =	simm.s32 $0x1;
	(pc) =	sbr.rel .LBB1_1-.Ltmp0, $4  }
0xa: {  	s12 =	smov.u32 s2;
	s8 =	sshrl.u32 s6, $0xA;
	s7 =	simm.s32 @!p0 $0x0  }
0xb: {  	s5 =	sshrl.u32 s5, $0x3;
	s6 =	simm.s32 $0x1;
	s7 =	sadd.s32 s7, s8  }
0xc: {  	[sflag:s6] =	ssyncpa.u1 $0x0;
	s11 =	smov.u32 s5;
	s7 =	sshll.u32 s7, $0x4  }
0xd: {  	[sflag:s31] =	ssyncpa.u1 $0x0;
	p0 =	por $0x0, $0x0;
	s8 =	sor.u32 $0x1, s7  }
.LBB1_4:
0xe: {  	v5 =	vld [tilespmem:s20+$0xFFFFFFD0];
	[tilespmem:s19+$0x2040 ss:$0x81] =	vst.msk $0xffff, v1  }
0xf: {  	v58 =	vld [tilespmem:s20+$0xFFFFFFE0];
	[tilespmem:s19+$0x2850 ss:$0x81] =	vst.msk $0xffff, v2  }
0x10: {  	s21 =	sshra.s32 s21, $0x2;
	v59 =	vld [tilespmem:s20+$0xFFFFFFF0];
	[tilespmem:s19+$0x3060 ss:$0x81] =	vst.msk $0xffff, v3  }
0x11: {  	v60 =	vld [tilespmem:s20+$0x0];
	[tilespmem:s19+$0x0 ss:$0x81] =	vst.msk $0xffff, v0;
	s18 =	sadd.s32 s21, s18  }
0x12: {  	v61 =	vld [tilespmem:s20+$0x10];
	[tilespmem:s18+$0x3870 ss:$0x81] =	vst.msk $0xffff, v4  }
0x13: {  	v62 =	vld [tilespmem:s20+$0x20];
	s26 =	sshll.u32 s16, $0xA;
	s27 =	sshll.u32 s14, $0x3;
	[tilespmem:s18+$0x810 ss:$0x81] =	vst.msk $0xffff, v5  }
0x14: {  	v63 =	vld [tilespmem:s20+$0xFFFFFFC0];
	s29 =	sshll.u32 s16, $0x7;
	s30 =	sand.u32 $0x78, s14;
	s15 =	sshll.u32 s15, $0x11;
	[tilespmem:s18+$0x1020 ss:$0x81] =	vst.msk $0xffff, v58  }
0x15: {  	s19 =	sand.u32 $0xFE000, s26;
	s28 =	sand.u32 $0xFFC00, s27;
	s16 =	sand.u32 $0x380, s29;
	[tilespmem:s18+$0x1830 ss:$0x81] =	vst.msk $0xffff, v59  }
0x16: {  	s31 =	sand.u32 $0x7, s14;
	s19 =	sadd.s32 s28, s19;
	s16 =	sor.u32 s30, s16;
	[tilespmem:s18+$0x2040 ss:$0x81] =	vst.msk $0xffff, v60  }
0x17: {  	s15 =	sadd.s32 s4, s15;
	s19 =	sshrl.u32 s19, $0x3;
	s16 =	sshrl.u32 s16, $0x3;
	[tilespmem:s18+$0x2850 ss:$0x81] =	vst.msk $0xffff, v61  }
0x18: {  	s14 =	sshll.u32 s31, $0x12;
	s19 =	sand.u32 $0x1FF80, s19;
	s15 =	sadd.s32 s16, s15;
	[tilespmem:s18+$0x3060 ss:$0x81] =	vst.msk $0xffff, v62  }
0x19: {  	s14 =	sor.u32 $0x400, s14;
	[tilespmem:s18+$0x0 ss:$0x81] =	vst.msk $0xffff, v63;
	s15 =	sadd.s32 s19, s15  }
0x1a: {  	[hbm4b:s15+s14] =	stream.strided.scatter [tilespmem:s17], [sflag:$0x2], $0x4000, s9, s14, $0x20;
	[tilespmem:$0x10100] =	vst v63  }
.LBB1_5:
0x1b: {  	s17 =	sadd.s32 $0x80, s10  }
0x1c: {  	s14 =	sadd.s32 $0x4, s11;
	s18 =	smov.u32 s11;
	p2 =	sgt.s32 s17, $0x3FF  }
0x1d: {  	s18 =	smov.u32 @p2 s14  }
0x1e: {  	s20 =	smov.u32 s12;
	s14 =	sadd.s32 $0x400, s12;
	p3 =	sgt.s32 s18, $0x7  }
0x1f: {  	s20 =	smov.u32 @p3 s14  }
0x20: {  	s17 =	simm.s32 @p2 $0x0;
	p2 =	sgt.s32 s20, $0x3FF  }
0x21: {  	p1 =	slt.u32 s13, $0x2;
	s20 =	smov.u32 @p2 s2;
	p2 =	sne.s32 s13, s8  }
.Ltmp1:
0x22: {  	s19 =	simm.s32 @!p1 $0x2;
	(pc) =	sbr.rel @!p2 .LBB1_6-.Ltmp1, $4  }
0x23: {  	s16 =	smov.u32 s10;
	s15 =	smov.u32 s11;
	_ =	swait.ge @!p1 [sflag:s19], $0x4000  }
0x24: {  	p0 =	por !p0, !p0;
	[sflag:s19] =	ssyncset.done @!p1 $0x0;
	s10 =	smov.u32 s17  }
0x25: {  	s18 =	smov.u32 @p3 s5;
	s14 =	smov.u32 s12;
	[sflag:s19] =	ssyncadd.s32 @!p1 $0xFFFFC000  }
0x26: {  	s11 =	smov.u32 s18;
	s13 =	sadd.s32 $0x1, s13;
	s12 =	smov.u32 s20  }
.LBB1_1:
0x27: {  	p1 =	sge.u32 s13, s7  }
0x28: {  	s31 =	sadd.s32 $0xFFFFFFFF, s13;
	s17 =	sxor.u32 @!p1 $0xFFFFFFFF, s13;
	s18 =	sshll.u32 @!p1 s11, $0x7  }
0x29: {  	s19 =	sand.u32 @!p1 $0x78, s10;
	s20 =	sshll.u32 @!p1 s12, $0xA;
	s18 =	sand.u32 @!p1 $0x380, s18  }
0x2a: {  	s20 =	sadd.s32 @!p1 s3, s20;
	s18 =	sor.u32 @!p1 s19, s18;
	s19 =	sand.u32 @!p1 $0x380, s10  }
0x2b: {  	s17 =	sshll.u32 @!p1 s17, $0xE;
	s19 =	sadd.s32 @!p1 s19, s20;
	s20 =	sand.u32 @!p1 $0x7, s10  }
0x2c: {  	s17 =	sand.u32 @!p1 $0x4000, s17;
	s18 =	sshrl.u32 @!p1 s18, $0x3;
	s20 =	sshll.u32 @!p1 s20, $0x12  }
0x2d: {  	s18 =	sadd.s32 @!p1 s18, s19;
	s19 =	sor.u32 @!p1 $0x80, s20;
	s20 =	simm.s32 @!p1 $0x2000  }
0x2e: {  	[tilespmem:s17], [sflag:$0x1] =	stream.strided.gather @!p1 [hbm4b:s18+s19], $0x4000, s20, s19, $0x38;
	[tilespmem:$0x10100] =	vst v63  }
0x2f: {  	p1 =	sge.u32 s31, s7  }
.Ltmp2:
0x30: {  	_ = 	snop;
	(pc) =	sbr.rel @p1 .LBB1_5-.Ltmp2, $1  }
0x31: {  	_ =	sdelay $0x3  }
0x32: {  	s17 =	simm.s32 $0x1  }
0x33: {  	_ =	swait.ge [sflag:s6], $0x4000;
	s17 =	simm.s32 @!p0 $0x0  }
0x34: {  	[sflag:s6] =	ssyncset.done $0x0;
	s18 =	sshll.u32 s17, $0xE  }
0x35: {  	[sflag:s6] =	ssyncadd.s32 $0xFFFFC000;
	s20 =	sor.u32 $0x40, s18  }
0x36: {  	s17 =	smul.u32 $0x10200, s17;
	v0 =	vld [tilespmem:s20+$0x30]  }
0x37: {  	v3 =	vld [tilespmem:s20+$0xFFFFFFD0]  }
0x38: {  	s17 =	sshrl.u32 s17, $0x2;
	v4 =	vld [tilespmem:s20+$0xFFFFFFE0]  }
0x39: {  	v5 =	vld [tilespmem:s20+$0xFFFFFFF0];
	s18 =	sor.u32 $0x8000, s17  }
0x3a: {  	s31 =	sand.u32 $0x1, s13;
	v1 =	vld [tilespmem:s20+$0x0];
	s19 =	sadd.s32 $0x0, s18  }
0x3b: {  	v2 =	vld [tilespmem:s20+$0x10];
	s17 =	smul.u32 $0x10200, s31;
	[tilespmem:s19+$0x3870 ss:$0x81] =	vst.msk $0xffff, v0  }
0x3c: {  	[tilespmem:s19+$0x810 ss:$0x81] =	vst.msk $0xffff, v3;
	v3 =	vld [tilespmem:s20+$0x20]  }
0x3d: {  	s17 =	sshrl.u32 s17, $0x2;
	v0 =	vld [tilespmem:s20+$0xFFFFFFC0];
	[tilespmem:s19+$0x1020 ss:$0x81] =	vst.msk $0xffff, v4;
	s20 =	sadd.s32 $0x80, s20  }
0x3e: {  	s21 =	simm.s32 $0x4;
	s22 =	simm.s32 $0x8;
	s17 =	sor.u32 $0x8000, s17;
	[tilespmem:s19+$0x1830 ss:$0x81] =	vst.msk $0xffff, v5;
	v4 =	vld [tilespmem:s20+$0x30]  }
.LBB1_3:
0x3f: {  	p1 =	sne.s32 s22, $0x1FC;
	v5 =	vld [tilespmem:s20+$0xFFFFFFD0];
	[tilespmem:s19+$0x2040 ss:$0x81] =	vst.msk $0xffff, v1  }
0x40: {  	v6 =	vld [tilespmem:s20+$0xFFFFFFE0];
	[tilespmem:s19+$0x2850 ss:$0x81] =	vst.msk $0xffff, v2  }
0x41: {  	s23 =	sshra.s32 s21, $0x2;
	s21 =	smov.u32 s22;
	v7 =	vld [tilespmem:s20+$0xFFFFFFF0];
	[tilespmem:s19+$0x3060 ss:$0x81] =	vst.msk $0xffff, v3  }
.Ltmp3:
0x42: {  	v1 =	vld [tilespmem:s20+$0x0];
	[tilespmem:s19+$0x0 ss:$0x81] =	vst.msk $0xffff, v0;
	s19 =	sadd.s32 s23, s18;
	(pc) =	sbr.rel @p1 .LBB1_3-.Ltmp3, $4  }
0x43: {  	v2 =	vld [tilespmem:s20+$0x10];
	[tilespmem:s19+$0x3870 ss:$0x81] =	vst.msk $0xffff, v4  }
0x44: {  	[tilespmem:s19+$0x810 ss:$0x81] =	vst.msk $0xffff, v5;
	v3 =	vld [tilespmem:s20+$0x20]  }
0x45: {  	v0 =	vld [tilespmem:s20+$0xFFFFFFC0];
	[tilespmem:s19+$0x1020 ss:$0x81] =	vst.msk $0xffff, v6;
	s20 =	sadd.s32 $0x80, s20  }
0x46: {  	s22 =	sadd.s32 $0x4, s22;
	v4 =	vld [tilespmem:s20+$0x30];
	[tilespmem:s19+$0x1830 ss:$0x81] =	vst.msk $0xffff, v7  }
.Ltmp4:
0x47: {  	_ = 	snop;
	(pc) =	sbr.rel .LBB1_4-.Ltmp4, $1  }
0x48: {  	_ =	sdelay $0x3  }
.LBB1_6:
0x49: {  	_ =	sfence.sel $0x180000  }
0x4a: {  	s2 =	simm.s32 $0x1;
	[bflag:$0x0] =	sbarrier.arrive $0xFFFF  }
0x4b: {  	s31 =	simm.s32 $0x2;
	[sflag:s2] =	ssyncpa.u1 $0x1  }
0x4c: {  	[sflag:s31] =	ssyncpa.u1 $0x1  }
0x4d: {  	p0 =	sne.s32 s1, $0x0;
	_ =	strace $0x9000004A  }
0x4e: {  	s0 =	sadd.s32 @!p0 $0x100000, s0;
	[bflag:$0x2] =	sbarrier.arrive $0xFFFF  }
0x4f: {  	[sflag:s0] =	ssyncadd.tile.s32 @!p0 $0x1;
	_ =	shalt  }
.Lfunc_end1:
_tile_overlayer_lowered:
.L_overlay_start_2:
0x50: {  	(tag) =	ssettag $0x2  }
0x51: {  	s0 =	rddreg [dreg:$0x0];
	s2 =	stileid.u32  }
0x52: {  	s1 =	rddreg [dreg:$0x1];
	p0 =	sne.s32 s2, $0x0  }
0x53: {  	s3 =	rddreg [dreg:$0x2];
	[bflag:$0x3] =	sbarrier.arrive $0xFFFF;
	s2 =	simm.s32 @!p0 $0x1C01  }
0x54: {  	[timem:s3], [sflag:s2] =	dma.local @!p0 [hbm:s0], s1  }
0x55: {  	s0 =	simm.s32 @!p0 $0x1  }
0x56: {  	_ =	swait.ge @!p0 [sflag:s0], s1  }
0x57: {  	s1 =	ssub.s32 @!p0 $0x0, s1;
	[sflag:s0] =	ssyncset.done @!p0 $0x0  }
0x58: {  	[sflag:s0] =	ssyncadd.s32 @!p0 s1  }
0x59: {  	[bflag:$0x3] =	sbarrier.arrive $0xFFFF  }
0x5a: {  	_ =	shalt  }

</sc_bundles>
